<compile_context>
chip_gen: v7x
topology: tpu7x:2x2x1
jax: 0.10.2.dev20260603
libtpu: 0.0.44.dev20260713+nightly
codegen_flags: <defaults>
</compile_context>

<pallas_src>
import functools

import jax
import jax.numpy as jnp
from jax import lax
from jax.experimental import pallas as pl
from jax.experimental.pallas import tpu as pltpu
from jax.experimental.pallas import tpu_sc as plsc

N = 10000
E = 320000
D = 128
H = 128
C = 40
C_PAD = 64

N_PAD = 10240
NC = 2
NS = 16
NW = NC * NS
EPW = E // NW
CHUNK = 80
CHUNKS = 125
EPW_PAD = CHUNKS * CHUNK
ROWS_PER_TILE = N_PAD // NS

_mesh = plsc.VectorSubcoreMesh(
    core_axis_name="c", subcore_axis_name="s", num_cores=NC, num_subcores=NS)



@functools.partial(
    pl.kernel,
    out_type=jax.ShapeDtypeStruct((NW, N_PAD), jnp.float32),
    mesh=_mesh,
    scratch_types=[
        pltpu.VMEM((EPW_PAD,), jnp.int32),
        pltpu.VMEM((N_PAD,), jnp.float32),
    ],
    compiler_params=pltpu.CompilerParams(
        needs_layout_passes=False, use_tc_tiling_on_sc=False),
)
def _deg_kernel(dst_hbm, deg_out, dst_v, deg_v):
    c = lax.axis_index("c")
    s = lax.axis_index("s")
    wid = s * NC + c
    pltpu.sync_copy(dst_hbm.at[wid], dst_v)

    zeros16 = jnp.zeros((16,), jnp.float32)

    def zero_body(i, _):
        deg_v[pl.ds(i * 16, 16)] = zeros16
        return 0

    lax.fori_loop(0, N_PAD // 16, zero_body, 0)

    ones16 = jnp.ones((16,), jnp.float32)

    def body(i, _):
        idx = dst_v[pl.ds(i * 16, 16)]
        plsc.addupdate_scatter(deg_v, [idx], ones16)
        return 0

    lax.fori_loop(0, EPW_PAD // 16, body, 0)

    pltpu.sync_copy(deg_v, deg_out.at[wid])


def _make_prop(width):
    @functools.partial(
        pl.kernel,
        out_type=jax.ShapeDtypeStruct((NC, N_PAD, width), jnp.float32),
        mesh=_mesh,
        scratch_types=[
            pltpu.VMEM((CHUNKS, CHUNK), jnp.int32),
            pltpu.VMEM((CHUNKS, CHUNK), jnp.int32),
            pltpu.VMEM((CHUNK, width), jnp.float32),
            pltpu.VMEM((CHUNK, width), jnp.float32),
            pltpu.VMEM_SHARED((N_PAD, width), jnp.float32),
            pltpu.SemaphoreType.DMA,
            pltpu.SemaphoreType.DMA,
        ],
        compiler_params=pltpu.CompilerParams(use_tc_tiling_on_sc=False),
    )
    def _prop(u_hbm, src_hbm, dst_hbm, out_hbm, src_v, dst_v, rows_a, rows_b,
              acc_sh, sem_a, sem_b):
        c = lax.axis_index("c")
        s = lax.axis_index("s")
        wid = s * NC + c
        pltpu.sync_copy(src_hbm.at[wid], src_v)
        pltpu.sync_copy(dst_hbm.at[wid], dst_v)

        zeros16 = jnp.zeros((16,), jnp.float32)
        lanes = width // 16

        def zero_body(i, _):
            for k in range(lanes):
                rows_a[i, pl.ds(k * 16, 16)] = zeros16
            return 0

        lax.fori_loop(0, CHUNK, zero_body, 0)

        for k in range(ROWS_PER_TILE // CHUNK):
            pltpu.sync_copy(
                rows_a, acc_sh.at[pl.ds(s * ROWS_PER_TILE + k * CHUNK, CHUNK)])
        plsc.subcore_barrier()

        pltpu.async_copy(u_hbm.at[src_v.at[0]], rows_a, sem_a)

        def body(kk, _):
            j = 2 * kk
            pltpu.async_copy(u_hbm.at[src_v.at[j + 1]], rows_b, sem_b)
            pltpu.make_async_copy(u_hbm.at[src_v.at[j]], rows_a, sem_a).wait()
            pltpu.sync_copy(rows_a, acc_sh.at[dst_v.at[j]], add=True)
            pltpu.async_copy(u_hbm.at[src_v.at[j + 2]], rows_a, sem_a)
            pltpu.make_async_copy(
                u_hbm.at[src_v.at[j + 1]], rows_b, sem_b).wait()
            pltpu.sync_copy(rows_b, acc_sh.at[dst_v.at[j + 1]], add=True)
            return 0

        lax.fori_loop(0, (CHUNKS - 1) // 2, body, 0)
        pltpu.make_async_copy(
            u_hbm.at[src_v.at[CHUNKS - 1]], rows_a, sem_a).wait()
        pltpu.sync_copy(rows_a, acc_sh.at[dst_v.at[CHUNKS - 1]], add=True)

        plsc.subcore_barrier()
        pltpu.sync_copy(
            acc_sh.at[pl.ds(s * ROWS_PER_TILE, ROWS_PER_TILE)],
            out_hbm.at[c, pl.ds(s * ROWS_PER_TILE, ROWS_PER_TILE)])

    return _prop


_prop128 = _make_prop(H)
_prop64 = _make_prop(C_PAD)



_BR = 512
_GRID = N_PAD // _BR


def _pre1_body(x_ref, w_ref, degt_ref, u_ref, dinv_ref):
    deg = jnp.sum(degt_ref[...], axis=1, keepdims=True) + 1.0
    dinv = lax.rsqrt(deg)
    z = jnp.dot(x_ref[...], w_ref[...], preferred_element_type=jnp.float32)
    u_ref[...] = dinv * z
    dinv_ref[...] = dinv


def _tc_pre1(x_pad, W1, degT):
    return pl.pallas_call(
        _pre1_body,
        grid=(_GRID,),
        in_specs=[
            pl.BlockSpec((_BR, D), lambda i: (i, 0)),
            pl.BlockSpec((D, H), lambda i: (0, 0)),
            pl.BlockSpec((_BR, NW), lambda i: (i, 0)),
        ],
        out_specs=[
            pl.BlockSpec((_BR, H), lambda i: (i, 0)),
            pl.BlockSpec((_BR, 1), lambda i: (i, 0)),
        ],
        out_shape=[
            jax.ShapeDtypeStruct((N_PAD, H), jnp.float32),
            jax.ShapeDtypeStruct((N_PAD, 1), jnp.float32),
        ],
    )(x_pad, W1, degT)


def _mid_body(s0_ref, s1_ref, u_ref, dinv_ref, b_ref, w_ref, out_ref):
    dinv = dinv_ref[...]
    z = dinv * (s0_ref[...] + s1_ref[...] + u_ref[...]) + b_ref[...]
    h = jnp.maximum(z, 0.0)
    out_ref[...] = dinv * jnp.dot(h, w_ref[...],
                                  preferred_element_type=jnp.float32)


def _tc_mid(s0, s1, u, dinv, b, w, w_out):
    win = u.shape[1]
    return pl.pallas_call(
        _mid_body,
        grid=(_GRID,),
        in_specs=[
            pl.BlockSpec((_BR, win), lambda i: (i, 0)),
            pl.BlockSpec((_BR, win), lambda i: (i, 0)),
            pl.BlockSpec((_BR, win), lambda i: (i, 0)),
            pl.BlockSpec((_BR, 1), lambda i: (i, 0)),
            pl.BlockSpec((win,), lambda i: (0,)),
            pl.BlockSpec((win, w_out), lambda i: (0, 0)),
        ],
        out_specs=pl.BlockSpec((_BR, w_out), lambda i: (i, 0)),
        out_shape=jax.ShapeDtypeStruct((N_PAD, w_out), jnp.float32),
    )(s0, s1, u, dinv, b, w)


def _post_body(s0_ref, s1_ref, u_ref, dinv_ref, b_ref, out_ref):
    z = dinv_ref[...] * (s0_ref[...] + s1_ref[...] + u_ref[...]) + b_ref[...]
    m = jnp.max(z, axis=1, keepdims=True)
    e = jnp.exp(z - m)
    ssum = jnp.sum(e, axis=1, keepdims=True)
    out_ref[...] = z - m - jnp.log(ssum)


def _tc_post(s0, s1, u, dinv, b3p):
    return pl.pallas_call(
        _post_body,
        grid=(_GRID,),
        in_specs=[
            pl.BlockSpec((_BR, C_PAD), lambda i: (i, 0)),
            pl.BlockSpec((_BR, C_PAD), lambda i: (i, 0)),
            pl.BlockSpec((_BR, C_PAD), lambda i: (i, 0)),
            pl.BlockSpec((_BR, 1), lambda i: (i, 0)),
            pl.BlockSpec((C_PAD,), lambda i: (0,)),
        ],
        out_specs=pl.BlockSpec((_BR, C_PAD), lambda i: (i, 0)),
        out_shape=jax.ShapeDtypeStruct((N_PAD, C_PAD), jnp.float32),
    )(s0, s1, u, dinv, b3p)



def kernel(x, edge_index, W1, b1, W2, b2, W3, b3):
    pad_e = jnp.full((NW, EPW_PAD - EPW), N_PAD - 1, dtype=jnp.int32)
    src = jnp.concatenate(
        [edge_index[0].reshape(NW, EPW), pad_e], axis=1)
    dst = jnp.concatenate(
        [edge_index[1].reshape(NW, EPW), pad_e], axis=1)
    dst_flat = dst
    src = src.reshape(NW, CHUNKS, CHUNK)
    dst = dst.reshape(NW, CHUNKS, CHUNK)
    x_pad = jnp.pad(x, ((0, N_PAD - N), (0, 0)))
    W3p = jnp.pad(W3, ((0, 0), (0, C_PAD - C)))
    b3p = jnp.pad(b3, (0, C_PAD - C), constant_values=-1e30)

    degp = _deg_kernel(dst_flat)
    degT = degp.T

    u1, dinv = _tc_pre1(x_pad, W1, degT)
    s1 = _prop128(u1, src, dst)
    u2 = _tc_mid(s1[0], s1[1], u1, dinv, b1, W2, H)
    s2 = _prop128(u2, src, dst)
    u3 = _tc_mid(s2[0], s2[1], u2, dinv, b2, W3p, C_PAD)
    s3 = _prop64(u3, src, dst)
    out = _tc_post(s3[0], s3[1], u3, dinv, b3p)
    return out[:N, :C]

# --- scband reference (transcript-rebuilt; emitter-appended) ---
"""Pipeline reference for scband-gcnmodel-31662498906603 (READ-ONLY COPY).

The authoritative reference and input builder live on the scoring server;
editing this copy changes nothing except your own understanding.
"""

import jax, jax.numpy as jnp
import numpy as np

N = 10000
E = 320000
D = 128
H = 128
C = 40


def setup_inputs(seed: int = 0) -> dict:
    key = jax.random.key(seed)
    ks = jax.random.split(key, 8)
    x = jax.random.normal(ks[0], (N, D), dtype=jnp.float32)
    edge_index = jax.random.randint(ks[1], (2, E), 0, N, dtype=jnp.int32)
    W1 = jax.random.normal(ks[2], (D, H), dtype=jnp.float32) / np.sqrt(D)
    b1 = jnp.zeros((H,), dtype=jnp.float32)
    W2 = jax.random.normal(ks[3], (H, H), dtype=jnp.float32) / np.sqrt(H)
    b2 = jnp.zeros((H,), dtype=jnp.float32)
    W3 = jax.random.normal(ks[4], (H, C), dtype=jnp.float32) / np.sqrt(H)
    b3 = jnp.zeros((C,), dtype=jnp.float32)
    return {"x": x, "edge_index": edge_index, "W1": W1, "b1": b1, "W2": W2, "b2": b2, "W3": W3, "b3": b3}


def _gcn_conv(x, W, b, src, dst):
    # GCNConv with added self-loops and symmetric normalization:
    # out = D^{-1/2} (A + I) D^{-1/2} (x W) + b
    n = x.shape[0]
    loops = jnp.arange(n, dtype=src.dtype)
    src_sl = jnp.concatenate([src, loops])
    dst_sl = jnp.concatenate([dst, loops])
    deg = jnp.zeros((n,), dtype=x.dtype).at[dst_sl].add(1.0)
    dinv = jax.lax.rsqrt(jnp.maximum(deg, 1.0))
    norm = dinv[src_sl] * dinv[dst_sl]
    h = x @ W
    msg = jnp.take(h, src_sl, axis=0) * norm[:, None]
    agg = jax.ops.segment_sum(msg, dst_sl, num_segments=n)
    return agg + b


def reference(x, edge_index, W1, b1, W2, b2, W3, b3):
    src = edge_index[0]
    dst = edge_index[1]
    h = jax.nn.relu(_gcn_conv(x, W1, b1, src, dst))
    h = jax.nn.relu(_gcn_conv(h, W2, b2, src, dst))
    h = _gcn_conv(h, W3, b3, src, dst)
    return jax.nn.log_softmax(h, axis=1)

if __name__ == "__main__":
    import jax
    _d = setup_inputs()
    print(jax.jit(kernel)(*tuple(_d.values())))

</pallas_src>

<mosaic_0001>
#map = affine_map<(d0, d1) -> (0, 0)>
#map1 = affine_map<(d0, d1) -> (0, 0, 0)>
module attributes {stable_mosaic.version = 14 : i64} {
  func.func @_prop(%arg0: i32, %arg1: i32, %arg2: memref<10240x128xf32, #tpu.memory_space<hbm>>, %arg3: memref<32x125x80xi32, #tpu.memory_space<hbm>>, %arg4: memref<32x125x80xi32, #tpu.memory_space<hbm>>, %arg5: memref<2x10240x128xf32, #tpu.memory_space<hbm>>, %arg6: memref<125x80xi32, #tpu.memory_space<vmem>>, %arg7: memref<125x80xi32, #tpu.memory_space<vmem>>, %arg8: memref<80x128xf32, #tpu.memory_space<vmem>>, %arg9: memref<80x128xf32, #tpu.memory_space<vmem>>, %arg10: memref<10240x128xf32, #tpu.memory_space<vmem_shared>>, %arg11: memref<!tpu.dma_semaphore, #tpu.memory_space<semaphore_mem>>, %arg12: memref<!tpu.dma_semaphore, #tpu.memory_space<semaphore_mem>>) attributes {dimension_semantics = [#tpu.dimension_semantics<core_parallel>, #tpu.dimension_semantics<subcore_parallel>], iteration_bounds = array<i64: 2, 16>, scalar_prefetch = 0 : i64, scratch_operands = 7 : i64, tpu.core_type = #tpu.core_type<sc_vector_subcore>, window_params = [{transform_indices = #map}, {transform_indices = #map1}, {transform_indices = #map1}, {transform_indices = #map1}]} {
    %mul3A = arith.constant 2 : i32
    %mul3A_0 = arith.muli %arg1, %mul3A : i32
    %add3A = arith.addi %mul3A_0, %arg0 : i32
    "tpu.region"() ({
      %run_scoped3A_64 = tpu.sem_alloc : memref<!tpu.dma_semaphore, #tpu.memory_space<semaphore_mem>>
      %dma_start3A_65 = arith.constant 0 : i32
      %dma_start3A_66 = arith.constant 0 : i32
      %dma_start3A_67 = tpu.memref_slice %arg3[%add3A, %dma_start3A_65, %dma_start3A_66] : memref<32x125x80xi32, #tpu.memory_space<hbm>> -> memref<1x125x80xi32, #tpu.memory_space<hbm>>
      %dma_start3A_68 = tpu.memref_squeeze %dma_start3A_67 : memref<1x125x80xi32, #tpu.memory_space<hbm>> -> memref<125x80xi32, #tpu.memory_space<hbm>>
      %dma_start3A_69 = arith.constant 0 : i32
      %dma_start3A_70 = arith.constant 0 : i32
      %dma_start3A_71 = tpu.memref_slice %arg3[%add3A, %dma_start3A_69, %dma_start3A_70] : memref<32x125x80xi32, #tpu.memory_space<hbm>> -> memref<1x125x80xi32, #tpu.memory_space<hbm>>
      %dma_start3A_72 = tpu.memref_squeeze %dma_start3A_71 : memref<1x125x80xi32, #tpu.memory_space<hbm>> -> memref<125x80xi32, #tpu.memory_space<hbm>>
      tpu.enqueue_dma source(%dma_start3A_72 : memref<125x80xi32, #tpu.memory_space<hbm>>) target(%arg6 : memref<125x80xi32, #tpu.memory_space<vmem>>) target_semaphore(%run_scoped3A_64 : memref<!tpu.dma_semaphore, #tpu.memory_space<semaphore_mem>>)
      %dma_wait3A_73 = arith.constant 0 : i32
      %dma_wait3A_74 = arith.constant 0 : i32
      %dma_wait3A_75 = tpu.memref_slice %arg3[%add3A, %dma_wait3A_73, %dma_wait3A_74] : memref<32x125x80xi32, #tpu.memory_space<hbm>> -> memref<1x125x80xi32, #tpu.memory_space<hbm>>
      %dma_wait3A_76 = tpu.memref_squeeze %dma_wait3A_75 : memref<1x125x80xi32, #tpu.memory_space<hbm>> -> memref<125x80xi32, #tpu.memory_space<hbm>>
      %dma_wait3A_77 = arith.constant 0 : i32
      %dma_wait3A_78 = arith.constant 0 : i32
      %dma_wait3A_79 = tpu.memref_slice %arg3[%add3A, %dma_wait3A_77, %dma_wait3A_78] : memref<32x125x80xi32, #tpu.memory_space<hbm>> -> memref<1x125x80xi32, #tpu.memory_space<hbm>>
      %dma_wait3A_80 = tpu.memref_squeeze %dma_wait3A_79 : memref<1x125x80xi32, #tpu.memory_space<hbm>> -> memref<125x80xi32, #tpu.memory_space<hbm>>
      tpu.wait_dma2 semaphore(%run_scoped3A_64 : memref<!tpu.dma_semaphore, #tpu.memory_space<semaphore_mem>>) src(%dma_wait3A_80 : memref<125x80xi32, #tpu.memory_space<hbm>>) dst(%arg6 : memref<125x80xi32, #tpu.memory_space<vmem>>)
      tpu.yield
    }) : () -> ()
    "tpu.region"() ({
      %run_scoped3A_64 = tpu.sem_alloc : memref<!tpu.dma_semaphore, #tpu.memory_space<semaphore_mem>>
      %dma_start3A_65 = arith.constant 0 : i32
      %dma_start3A_66 = arith.constant 0 : i32
      %dma_start3A_67 = tpu.memref_slice %arg4[%add3A, %dma_start3A_65, %dma_start3A_66] : memref<32x125x80xi32, #tpu.memory_space<hbm>> -> memref<1x125x80xi32, #tpu.memory_space<hbm>>
      %dma_start3A_68 = tpu.memref_squeeze %dma_start3A_67 : memref<1x125x80xi32, #tpu.memory_space<hbm>> -> memref<125x80xi32, #tpu.memory_space<hbm>>
      %dma_start3A_69 = arith.constant 0 : i32
      %dma_start3A_70 = arith.constant 0 : i32
      %dma_start3A_71 = tpu.memref_slice %arg4[%add3A, %dma_start3A_69, %dma_start3A_70] : memref<32x125x80xi32, #tpu.memory_space<hbm>> -> memref<1x125x80xi32, #tpu.memory_space<hbm>>
      %dma_start3A_72 = tpu.memref_squeeze %dma_start3A_71 : memref<1x125x80xi32, #tpu.memory_space<hbm>> -> memref<125x80xi32, #tpu.memory_space<hbm>>
      tpu.enqueue_dma source(%dma_start3A_72 : memref<125x80xi32, #tpu.memory_space<hbm>>) target(%arg7 : memref<125x80xi32, #tpu.memory_space<vmem>>) target_semaphore(%run_scoped3A_64 : memref<!tpu.dma_semaphore, #tpu.memory_space<semaphore_mem>>)
      %dma_wait3A_73 = arith.constant 0 : i32
      %dma_wait3A_74 = arith.constant 0 : i32
      %dma_wait3A_75 = tpu.memref_slice %arg4[%add3A, %dma_wait3A_73, %dma_wait3A_74] : memref<32x125x80xi32, #tpu.memory_space<hbm>> -> memref<1x125x80xi32, #tpu.memory_space<hbm>>
      %dma_wait3A_76 = tpu.memref_squeeze %dma_wait3A_75 : memref<1x125x80xi32, #tpu.memory_space<hbm>> -> memref<125x80xi32, #tpu.memory_space<hbm>>
      %dma_wait3A_77 = arith.constant 0 : i32
      %dma_wait3A_78 = arith.constant 0 : i32
      %dma_wait3A_79 = tpu.memref_slice %arg4[%add3A, %dma_wait3A_77, %dma_wait3A_78] : memref<32x125x80xi32, #tpu.memory_space<hbm>> -> memref<1x125x80xi32, #tpu.memory_space<hbm>>
      %dma_wait3A_80 = tpu.memref_squeeze %dma_wait3A_79 : memref<1x125x80xi32, #tpu.memory_space<hbm>> -> memref<125x80xi32, #tpu.memory_space<hbm>>
      tpu.wait_dma2 semaphore(%run_scoped3A_64 : memref<!tpu.dma_semaphore, #tpu.memory_space<semaphore_mem>>) src(%dma_wait3A_80 : memref<125x80xi32, #tpu.memory_space<hbm>>) dst(%arg7 : memref<125x80xi32, #tpu.memory_space<vmem>>)
      tpu.yield
    }) : () -> ()
    %broadcast_in_dim3A = arith.constant 0.000000e+00 : f32
    %broadcast_in_dim3A_1 = vector.broadcast %broadcast_in_dim3A : f32 to vector<16xf32>
    %scan3A = arith.constant 0 : i32
    %scan3A_2 = arith.constant 0 : i32
    %scan3A_3 = arith.constant 80 : i32
    %scan3A_4 = arith.addi %scan3A_2, %scan3A_3 : i32
    %scan3A_5 = arith.constant 1 : i32
    %scan3A_6 = scf.for %scan3A_64 = %scan3A_2 to %scan3A_4 step %scan3A_5 iter_args(%scan3A_65 = %scan3A) -> (i32)  : i32 {
      %swap3A = arith.index_cast %scan3A_64 : i32 to index
      %swap3A_66 = arith.constant 0 : index
      %swap3A_67 = tpu.vector_load %arg8[%swap3A, %swap3A_66] {strides = array<i32>} : memref<80x128xf32, #tpu.memory_space<vmem>>, vector<1x16xf32>,
      %swap3A_68 = vector.shape_cast %swap3A_67 : vector<1x16xf32> to vector<16xf32>
      %swap3A_69 = vector.shape_cast %broadcast_in_dim3A_1 : vector<16xf32> to vector<1x16xf32>
      tpu.vector_store %arg8[%swap3A, %swap3A_66], %swap3A_69 {strides = array<i32>} : memref<80x128xf32, #tpu.memory_space<vmem>>, vector<1x16xf32>,
      %swap3A_70 = arith.index_cast %scan3A_64 : i32 to index
      %swap3A_71 = arith.constant 16 : index
      %swap3A_72 = tpu.vector_load %arg8[%swap3A_70, %swap3A_71] {strides = array<i32>} : memref<80x128xf32, #tpu.memory_space<vmem>>, vector<1x16xf32>,
      %swap3A_73 = vector.shape_cast %swap3A_72 : vector<1x16xf32> to vector<16xf32>
      %swap3A_74 = vector.shape_cast %broadcast_in_dim3A_1 : vector<16xf32> to vector<1x16xf32>
      tpu.vector_store %arg8[%swap3A_70, %swap3A_71], %swap3A_74 {strides = array<i32>} : memref<80x128xf32, #tpu.memory_space<vmem>>, vector<1x16xf32>,
      %swap3A_75 = arith.index_cast %scan3A_64 : i32 to index
      %swap3A_76 = arith.constant 32 : index
      %swap3A_77 = tpu.vector_load %arg8[%swap3A_75, %swap3A_76] {strides = array<i32>} : memref<80x128xf32, #tpu.memory_space<vmem>>, vector<1x16xf32>,
      %swap3A_78 = vector.shape_cast %swap3A_77 : vector<1x16xf32> to vector<16xf32>
      %swap3A_79 = vector.shape_cast %broadcast_in_dim3A_1 : vector<16xf32> to vector<1x16xf32>
      tpu.vector_store %arg8[%swap3A_75, %swap3A_76], %swap3A_79 {strides = array<i32>} : memref<80x128xf32, #tpu.memory_space<vmem>>, vector<1x16xf32>,
      %swap3A_80 = arith.index_cast %scan3A_64 : i32 to index
      %swap3A_81 = arith.constant 48 : index
      %swap3A_82 = tpu.vector_load %arg8[%swap3A_80, %swap3A_81] {strides = array<i32>} : memref<80x128xf32, #tpu.memory_space<vmem>>, vector<1x16xf32>,
      %swap3A_83 = vector.shape_cast %swap3A_82 : vector<1x16xf32> to vector<16xf32>
      %swap3A_84 = vector.shape_cast %broadcast_in_dim3A_1 : vector<16xf32> to vector<1x16xf32>
      tpu.vector_store %arg8[%swap3A_80, %swap3A_81], %swap3A_84 {strides = array<i32>} : memref<80x128xf32, #tpu.memory_space<vmem>>, vector<1x16xf32>,
      %swap3A_85 = arith.index_cast %scan3A_64 : i32 to index
      %swap3A_86 = arith.constant 64 : index
      %swap3A_87 = tpu.vector_load %arg8[%swap3A_85, %swap3A_86] {strides = array<i32>} : memref<80x128xf32, #tpu.memory_space<vmem>>, vector<1x16xf32>,
      %swap3A_88 = vector.shape_cast %swap3A_87 : vector<1x16xf32> to vector<16xf32>
      %swap3A_89 = vector.shape_cast %broadcast_in_dim3A_1 : vector<16xf32> to vector<1x16xf32>
      tpu.vector_store %arg8[%swap3A_85, %swap3A_86], %swap3A_89 {strides = array<i32>} : memref<80x128xf32, #tpu.memory_space<vmem>>, vector<1x16xf32>,
      %swap3A_90 = arith.index_cast %scan3A_64 : i32 to index
      %swap3A_91 = arith.constant 80 : index
      %swap3A_92 = tpu.vector_load %arg8[%swap3A_90, %swap3A_91] {strides = array<i32>} : memref<80x128xf32, #tpu.memory_space<vmem>>, vector<1x16xf32>,
      %swap3A_93 = vector.shape_cast %swap3A_92 : vector<1x16xf32> to vector<16xf32>
      %swap3A_94 = vector.shape_cast %broadcast_in_dim3A_1 : vector<16xf32> to vector<1x16xf32>
      tpu.vector_store %arg8[%swap3A_90, %swap3A_91], %swap3A_94 {strides = array<i32>} : memref<80x128xf32, #tpu.memory_space<vmem>>, vector<1x16xf32>,
      %swap3A_95 = arith.index_cast %scan3A_64 : i32 to index
      %swap3A_96 = arith.constant 96 : index
      %swap3A_97 = tpu.vector_load %arg8[%swap3A_95, %swap3A_96] {strides = array<i32>} : memref<80x128xf32, #tpu.memory_space<vmem>>, vector<1x16xf32>,
      %swap3A_98 = vector.shape_cast %swap3A_97 : vector<1x16xf32> to vector<16xf32>
      %swap3A_99 = vector.shape_cast %broadcast_in_dim3A_1 : vector<16xf32> to vector<1x16xf32>
      tpu.vector_store %arg8[%swap3A_95, %swap3A_96], %swap3A_99 {strides = array<i32>} : memref<80x128xf32, #tpu.memory_space<vmem>>, vector<1x16xf32>,
      %swap3A_100 = arith.index_cast %scan3A_64 : i32 to index
      %swap3A_101 = arith.constant 112 : index
      %swap3A_102 = tpu.vector_load %arg8[%swap3A_100, %swap3A_101] {strides = array<i32>} : memref<80x128xf32, #tpu.memory_space<vmem>>, vector<1x16xf32>,
      %swap3A_103 = vector.shape_cast %swap3A_102 : vector<1x16xf32> to vector<16xf32>
      %swap3A_104 = vector.shape_cast %broadcast_in_dim3A_1 : vector<16xf32> to vector<1x16xf32>
      tpu.vector_store %arg8[%swap3A_100, %swap3A_101], %swap3A_104 {strides = array<i32>} : memref<80x128xf32, #tpu.memory_space<vmem>>, vector<1x16xf32>,
      %scan3A_105 = arith.constant 0 : i32
      scf.yield %scan3A_105 : i32
    }
    %scan3A_7 = arith.constant 80 : i32
    %mul3A_8 = arith.constant 640 : i32
    %mul3A_9 = arith.muli %arg1, %mul3A_8 : i32
    %add3A_10 = arith.constant 0 : i32
    %add3A_11 = arith.addi %mul3A_9, %add3A_10 : i32
    "tpu.region"() ({
      %run_scoped3A_64 = tpu.sem_alloc : memref<!tpu.dma_semaphore, #tpu.memory_space<semaphore_mem>>
      %dma_start3A_65 = arith.constant 0 : i32
      %dma_start3A_66 = tpu.memref_slice %arg10[%add3A_11, %dma_start3A_65] : memref<10240x128xf32, #tpu.memory_space<vmem_shared>> -> memref<80x128xf32, #tpu.memory_space<vmem_shared>>
      %dma_start3A_67 = arith.constant 0 : i32
      %dma_start3A_68 = tpu.memref_slice %arg10[%add3A_11, %dma_start3A_67] : memref<10240x128xf32, #tpu.memory_space<vmem_shared>> -> memref<80x128xf32, #tpu.memory_space<vmem_shared>>
      tpu.enqueue_dma source(%arg8 : memref<80x128xf32, #tpu.memory_space<vmem>>) target(%dma_start3A_68 : memref<80x128xf32, #tpu.memory_space<vmem_shared>>) target_semaphore(%run_scoped3A_64 : memref<!tpu.dma_semaphore, #tpu.memory_space<semaphore_mem>>)
      %dma_wait3A_69 = arith.constant 0 : i32
      %dma_wait3A_70 = tpu.memref_slice %arg10[%add3A_11, %dma_wait3A_69] : memref<10240x128xf32, #tpu.memory_space<vmem_shared>> -> memref<80x128xf32, #tpu.memory_space<vmem_shared>>
      %dma_wait3A_71 = arith.constant 0 : i32
      %dma_wait3A_72 = tpu.memref_slice %arg10[%add3A_11, %dma_wait3A_71] : memref<10240x128xf32, #tpu.memory_space<vmem_shared>> -> memref<80x128xf32, #tpu.memory_space<vmem_shared>>
      tpu.wait_dma2 semaphore(%run_scoped3A_64 : memref<!tpu.dma_semaphore, #tpu.memory_space<semaphore_mem>>) src(%arg8 : memref<80x128xf32, #tpu.memory_space<vmem>>) dst(%dma_wait3A_72 : memref<80x128xf32, #tpu.memory_space<vmem_shared>>)
      tpu.yield
    }) : () -> ()
    %mul3A_12 = arith.constant 640 : i32
    %mul3A_13 = arith.muli %arg1, %mul3A_12 : i32
    %add3A_14 = arith.constant 80 : i32
    %add3A_15 = arith.addi %mul3A_13, %add3A_14 : i32
    "tpu.region"() ({
      %run_scoped3A_64 = tpu.sem_alloc : memref<!tpu.dma_semaphore, #tpu.memory_space<semaphore_mem>>
      %dma_start3A_65 = arith.constant 0 : i32
      %dma_start3A_66 = tpu.memref_slice %arg10[%add3A_15, %dma_start3A_65] : memref<10240x128xf32, #tpu.memory_space<vmem_shared>> -> memref<80x128xf32, #tpu.memory_space<vmem_shared>>
      %dma_start3A_67 = arith.constant 0 : i32
      %dma_start3A_68 = tpu.memref_slice %arg10[%add3A_15, %dma_start3A_67] : memref<10240x128xf32, #tpu.memory_space<vmem_shared>> -> memref<80x128xf32, #tpu.memory_space<vmem_shared>>
      tpu.enqueue_dma source(%arg8 : memref<80x128xf32, #tpu.memory_space<vmem>>) target(%dma_start3A_68 : memref<80x128xf32, #tpu.memory_space<vmem_shared>>) target_semaphore(%run_scoped3A_64 : memref<!tpu.dma_semaphore, #tpu.memory_space<semaphore_mem>>)
      %dma_wait3A_69 = arith.constant 0 : i32
      %dma_wait3A_70 = tpu.memref_slice %arg10[%add3A_15, %dma_wait3A_69] : memref<10240x128xf32, #tpu.memory_space<vmem_shared>> -> memref<80x128xf32, #tpu.memory_space<vmem_shared>>
      %dma_wait3A_71 = arith.constant 0 : i32
      %dma_wait3A_72 = tpu.memref_slice %arg10[%add3A_15, %dma_wait3A_71] : memref<10240x128xf32, #tpu.memory_space<vmem_shared>> -> memref<80x128xf32, #tpu.memory_space<vmem_shared>>
      tpu.wait_dma2 semaphore(%run_scoped3A_64 : memref<!tpu.dma_semaphore, #tpu.memory_space<semaphore_mem>>) src(%arg8 : memref<80x128xf32, #tpu.memory_space<vmem>>) dst(%dma_wait3A_72 : memref<80x128xf32, #tpu.memory_space<vmem_shared>>)
      tpu.yield
    }) : () -> ()
    %mul3A_16 = arith.constant 640 : i32
    %mul3A_17 = arith.muli %arg1, %mul3A_16 : i32
    %add3A_18 = arith.constant 160 : i32
    %add3A_19 = arith.addi %mul3A_17, %add3A_18 : i32
    "tpu.region"() ({
      %run_scoped3A_64 = tpu.sem_alloc : memref<!tpu.dma_semaphore, #tpu.memory_space<semaphore_mem>>
      %dma_start3A_65 = arith.constant 0 : i32
      %dma_start3A_66 = tpu.memref_slice %arg10[%add3A_19, %dma_start3A_65] : memref<10240x128xf32, #tpu.memory_space<vmem_shared>> -> memref<80x128xf32, #tpu.memory_space<vmem_shared>>
      %dma_start3A_67 = arith.constant 0 : i32
      %dma_start3A_68 = tpu.memref_slice %arg10[%add3A_19, %dma_start3A_67] : memref<10240x128xf32, #tpu.memory_space<vmem_shared>> -> memref<80x128xf32, #tpu.memory_space<vmem_shared>>
      tpu.enqueue_dma source(%arg8 : memref<80x128xf32, #tpu.memory_space<vmem>>) target(%dma_start3A_68 : memref<80x128xf32, #tpu.memory_space<vmem_shared>>) target_semaphore(%run_scoped3A_64 : memref<!tpu.dma_semaphore, #tpu.memory_space<semaphore_mem>>)
      %dma_wait3A_69 = arith.constant 0 : i32
      %dma_wait3A_70 = tpu.memref_slice %arg10[%add3A_19, %dma_wait3A_69] : memref<10240x128xf32, #tpu.memory_space<vmem_shared>> -> memref<80x128xf32, #tpu.memory_space<vmem_shared>>
      %dma_wait3A_71 = arith.constant 0 : i32
      %dma_wait3A_72 = tpu.memref_slice %arg10[%add3A_19, %dma_wait3A_71] : memref<10240x128xf32, #tpu.memory_space<vmem_shared>> -> memref<80x128xf32, #tpu.memory_space<vmem_shared>>
      tpu.wait_dma2 semaphore(%run_scoped3A_64 : memref<!tpu.dma_semaphore, #tpu.memory_space<semaphore_mem>>) src(%arg8 : memref<80x128xf32, #tpu.memory_space<vmem>>) dst(%dma_wait3A_72 : memref<80x128xf32, #tpu.memory_space<vmem_shared>>)
      tpu.yield
    }) : () -> ()
    %mul3A_20 = arith.constant 640 : i32
    %mul3A_21 = arith.muli %arg1, %mul3A_20 : i32
    %add3A_22 = arith.constant 240 : i32
    %add3A_23 = arith.addi %mul3A_21, %add3A_22 : i32
    "tpu.region"() ({
      %run_scoped3A_64 = tpu.sem_alloc : memref<!tpu.dma_semaphore, #tpu.memory_space<semaphore_mem>>
      %dma_start3A_65 = arith.constant 0 : i32
      %dma_start3A_66 = tpu.memref_slice %arg10[%add3A_23, %dma_start3A_65] : memref<10240x128xf32, #tpu.memory_space<vmem_shared>> -> memref<80x128xf32, #tpu.memory_space<vmem_shared>>
      %dma_start3A_67 = arith.constant 0 : i32
      %dma_start3A_68 = tpu.memref_slice %arg10[%add3A_23, %dma_start3A_67] : memref<10240x128xf32, #tpu.memory_space<vmem_shared>> -> memref<80x128xf32, #tpu.memory_space<vmem_shared>>
      tpu.enqueue_dma source(%arg8 : memref<80x128xf32, #tpu.memory_space<vmem>>) target(%dma_start3A_68 : memref<80x128xf32, #tpu.memory_space<vmem_shared>>) target_semaphore(%run_scoped3A_64 : memref<!tpu.dma_semaphore, #tpu.memory_space<semaphore_mem>>)
      %dma_wait3A_69 = arith.constant 0 : i32
      %dma_wait3A_70 = tpu.memref_slice %arg10[%add3A_23, %dma_wait3A_69] : memref<10240x128xf32, #tpu.memory_space<vmem_shared>> -> memref<80x128xf32, #tpu.memory_space<vmem_shared>>
      %dma_wait3A_71 = arith.constant 0 : i32
      %dma_wait3A_72 = tpu.memref_slice %arg10[%add3A_23, %dma_wait3A_71] : memref<10240x128xf32, #tpu.memory_space<vmem_shared>> -> memref<80x128xf32, #tpu.memory_space<vmem_shared>>
      tpu.wait_dma2 semaphore(%run_scoped3A_64 : memref<!tpu.dma_semaphore, #tpu.memory_space<semaphore_mem>>) src(%arg8 : memref<80x128xf32, #tpu.memory_space<vmem>>) dst(%dma_wait3A_72 : memref<80x128xf32, #tpu.memory_space<vmem_shared>>)
      tpu.yield
    }) : () -> ()
    %mul3A_24 = arith.constant 640 : i32
    %mul3A_25 = arith.muli %arg1, %mul3A_24 : i32
    %add3A_26 = arith.constant 320 : i32
    %add3A_27 = arith.addi %mul3A_25, %add3A_26 : i32
    "tpu.region"() ({
      %run_scoped3A_64 = tpu.sem_alloc : memref<!tpu.dma_semaphore, #tpu.memory_space<semaphore_mem>>
      %dma_start3A_65 = arith.constant 0 : i32
      %dma_start3A_66 = tpu.memref_slice %arg10[%add3A_27, %dma_start3A_65] : memref<10240x128xf32, #tpu.memory_space<vmem_shared>> -> memref<80x128xf32, #tpu.memory_space<vmem_shared>>
      %dma_start3A_67 = arith.constant 0 : i32
      %dma_start3A_68 = tpu.memref_slice %arg10[%add3A_27, %dma_start3A_67] : memref<10240x128xf32, #tpu.memory_space<vmem_shared>> -> memref<80x128xf32, #tpu.memory_space<vmem_shared>>
      tpu.enqueue_dma source(%arg8 : memref<80x128xf32, #tpu.memory_space<vmem>>) target(%dma_start3A_68 : memref<80x128xf32, #tpu.memory_space<vmem_shared>>) target_semaphore(%run_scoped3A_64 : memref<!tpu.dma_semaphore, #tpu.memory_space<semaphore_mem>>)
      %dma_wait3A_69 = arith.constant 0 : i32
      %dma_wait3A_70 = tpu.memref_slice %arg10[%add3A_27, %dma_wait3A_69] : memref<10240x128xf32, #tpu.memory_space<vmem_shared>> -> memref<80x128xf32, #tpu.memory_space<vmem_shared>>
      %dma_wait3A_71 = arith.constant 0 : i32
      %dma_wait3A_72 = tpu.memref_slice %arg10[%add3A_27, %dma_wait3A_71] : memref<10240x128xf32, #tpu.memory_space<vmem_shared>> -> memref<80x128xf32, #tpu.memory_space<vmem_shared>>
      tpu.wait_dma2 semaphore(%run_scoped3A_64 : memref<!tpu.dma_semaphore, #tpu.memory_space<semaphore_mem>>) src(%arg8 : memref<80x128xf32, #tpu.memory_space<vmem>>) dst(%dma_wait3A_72 : memref<80x128xf32, #tpu.memory_space<vmem_shared>>)
      tpu.yield
    }) : () -> ()
    %mul3A_28 = arith.constant 640 : i32
    %mul3A_29 = arith.muli %arg1, %mul3A_28 : i32
    %add3A_30 = arith.constant 400 : i32
    %add3A_31 = arith.addi %mul3A_29, %add3A_30 : i32
    "tpu.region"() ({
      %run_scoped3A_64 = tpu.sem_alloc : memref<!tpu.dma_semaphore, #tpu.memory_space<semaphore_mem>>
      %dma_start3A_65 = arith.constant 0 : i32
      %dma_start3A_66 = tpu.memref_slice %arg10[%add3A_31, %dma_start3A_65] : memref<10240x128xf32, #tpu.memory_space<vmem_shared>> -> memref<80x128xf32, #tpu.memory_space<vmem_shared>>
      %dma_start3A_67 = arith.constant 0 : i32
      %dma_start3A_68 = tpu.memref_slice %arg10[%add3A_31, %dma_start3A_67] : memref<10240x128xf32, #tpu.memory_space<vmem_shared>> -> memref<80x128xf32, #tpu.memory_space<vmem_shared>>
      tpu.enqueue_dma source(%arg8 : memref<80x128xf32, #tpu.memory_space<vmem>>) target(%dma_start3A_68 : memref<80x128xf32, #tpu.memory_space<vmem_shared>>) target_semaphore(%run_scoped3A_64 : memref<!tpu.dma_semaphore, #tpu.memory_space<semaphore_mem>>)
      %dma_wait3A_69 = arith.constant 0 : i32
      %dma_wait3A_70 = tpu.memref_slice %arg10[%add3A_31, %dma_wait3A_69] : memref<10240x128xf32, #tpu.memory_space<vmem_shared>> -> memref<80x128xf32, #tpu.memory_space<vmem_shared>>
      %dma_wait3A_71 = arith.constant 0 : i32
      %dma_wait3A_72 = tpu.memref_slice %arg10[%add3A_31, %dma_wait3A_71] : memref<10240x128xf32, #tpu.memory_space<vmem_shared>> -> memref<80x128xf32, #tpu.memory_space<vmem_shared>>
      tpu.wait_dma2 semaphore(%run_scoped3A_64 : memref<!tpu.dma_semaphore, #tpu.memory_space<semaphore_mem>>) src(%arg8 : memref<80x128xf32, #tpu.memory_space<vmem>>) dst(%dma_wait3A_72 : memref<80x128xf32, #tpu.memory_space<vmem_shared>>)
      tpu.yield
    }) : () -> ()
    %mul3A_32 = arith.constant 640 : i32
    %mul3A_33 = arith.muli %arg1, %mul3A_32 : i32
    %add3A_34 = arith.constant 480 : i32
    %add3A_35 = arith.addi %mul3A_33, %add3A_34 : i32
    "tpu.region"() ({
      %run_scoped3A_64 = tpu.sem_alloc : memref<!tpu.dma_semaphore, #tpu.memory_space<semaphore_mem>>
      %dma_start3A_65 = arith.constant 0 : i32
      %dma_start3A_66 = tpu.memref_slice %arg10[%add3A_35, %dma_start3A_65] : memref<10240x128xf32, #tpu.memory_space<vmem_shared>> -> memref<80x128xf32, #tpu.memory_space<vmem_shared>>
      %dma_start3A_67 = arith.constant 0 : i32
      %dma_start3A_68 = tpu.memref_slice %arg10[%add3A_35, %dma_start3A_67] : memref<10240x128xf32, #tpu.memory_space<vmem_shared>> -> memref<80x128xf32, #tpu.memory_space<vmem_shared>>
      tpu.enqueue_dma source(%arg8 : memref<80x128xf32, #tpu.memory_space<vmem>>) target(%dma_start3A_68 : memref<80x128xf32, #tpu.memory_space<vmem_shared>>) target_semaphore(%run_scoped3A_64 : memref<!tpu.dma_semaphore, #tpu.memory_space<semaphore_mem>>)
      %dma_wait3A_69 = arith.constant 0 : i32
      %dma_wait3A_70 = tpu.memref_slice %arg10[%add3A_35, %dma_wait3A_69] : memref<10240x128xf32, #tpu.memory_space<vmem_shared>> -> memref<80x128xf32, #tpu.memory_space<vmem_shared>>
      %dma_wait3A_71 = arith.constant 0 : i32
      %dma_wait3A_72 = tpu.memref_slice %arg10[%add3A_35, %dma_wait3A_71] : memref<10240x128xf32, #tpu.memory_space<vmem_shared>> -> memref<80x128xf32, #tpu.memory_space<vmem_shared>>
      tpu.wait_dma2 semaphore(%run_scoped3A_64 : memref<!tpu.dma_semaphore, #tpu.memory_space<semaphore_mem>>) src(%arg8 : memref<80x128xf32, #tpu.memory_space<vmem>>) dst(%dma_wait3A_72 : memref<80x128xf32, #tpu.memory_space<vmem_shared>>)
      tpu.yield
    }) : () -> ()
    %mul3A_36 = arith.constant 640 : i32
    %mul3A_37 = arith.muli %arg1, %mul3A_36 : i32
    %add3A_38 = arith.constant 560 : i32
    %add3A_39 = arith.addi %mul3A_37, %add3A_38 : i32
    "tpu.region"() ({
      %run_scoped3A_64 = tpu.sem_alloc : memref<!tpu.dma_semaphore, #tpu.memory_space<semaphore_mem>>
      %dma_start3A_65 = arith.constant 0 : i32
      %dma_start3A_66 = tpu.memref_slice %arg10[%add3A_39, %dma_start3A_65] : memref<10240x128xf32, #tpu.memory_space<vmem_shared>> -> memref<80x128xf32, #tpu.memory_space<vmem_shared>>
      %dma_start3A_67 = arith.constant 0 : i32
      %dma_start3A_68 = tpu.memref_slice %arg10[%add3A_39, %dma_start3A_67] : memref<10240x128xf32, #tpu.memory_space<vmem_shared>> -> memref<80x128xf32, #tpu.memory_space<vmem_shared>>
      tpu.enqueue_dma source(%arg8 : memref<80x128xf32, #tpu.memory_space<vmem>>) target(%dma_start3A_68 : memref<80x128xf32, #tpu.memory_space<vmem_shared>>) target_semaphore(%run_scoped3A_64 : memref<!tpu.dma_semaphore, #tpu.memory_space<semaphore_mem>>)
      %dma_wait3A_69 = arith.constant 0 : i32
      %dma_wait3A_70 = tpu.memref_slice %arg10[%add3A_39, %dma_wait3A_69] : memref<10240x128xf32, #tpu.memory_space<vmem_shared>> -> memref<80x128xf32, #tpu.memory_space<vmem_shared>>
      %dma_wait3A_71 = arith.constant 0 : i32
      %dma_wait3A_72 = tpu.memref_slice %arg10[%add3A_39, %dma_wait3A_71] : memref<10240x128xf32, #tpu.memory_space<vmem_shared>> -> memref<80x128xf32, #tpu.memory_space<vmem_shared>>
      tpu.wait_dma2 semaphore(%run_scoped3A_64 : memref<!tpu.dma_semaphore, #tpu.memory_space<semaphore_mem>>) src(%arg8 : memref<80x128xf32, #tpu.memory_space<vmem>>) dst(%dma_wait3A_72 : memref<80x128xf32, #tpu.memory_space<vmem_shared>>)
      tpu.yield
    }) : () -> ()
    %barrier3A = arith.constant 0 : index
    tpu.barrier barrier_id(%barrier3A)
    %dma_start3A = arith.constant 0 : i32
    %dma_start3A_40 = arith.constant 0 : i32
    %dma_start3A_41 = tpu.memref_slice %arg6[%dma_start3A, %dma_start3A_40] : memref<125x80xi32, #tpu.memory_space<vmem>> -> memref<1x80xi32, #tpu.memory_space<vmem>>
    %dma_start3A_42 = tpu.memref_squeeze %dma_start3A_41 : memref<1x80xi32, #tpu.memory_space<vmem>> -> memref<80xi32, #tpu.memory_space<vmem>>
    %dma_start3A_43 = arith.constant 0 : i32
    %dma_start3A_44 = arith.constant 0 : i32
    %dma_start3A_45 = tpu.memref_slice %arg2[%dma_start3A_43, %dma_start3A_44] : memref<10240x128xf32, #tpu.memory_space<hbm>> -> memref<10240x128xf32, #tpu.memory_space<hbm>>
    tpu.enqueue_indirect_dma source(%dma_start3A_45 : memref<10240x128xf32, #tpu.memory_space<hbm>>) target(%arg8 : memref<80x128xf32, #tpu.memory_space<vmem>>) offsets(%dma_start3A_42 : memref<80xi32, #tpu.memory_space<vmem>>) semaphore(%arg11 : memref<!tpu.dma_semaphore, #tpu.memory_space<semaphore_mem>>)
    %scan3A_46 = arith.constant 0 : i32
    %scan3A_47 = arith.constant 0 : i32
    %scan3A_48 = arith.constant 62 : i32
    %scan3A_49 = arith.addi %scan3A_47, %scan3A_48 : i32
    %scan3A_50 = arith.constant 1 : i32
    %scan3A_51 = scf.for %scan3A_64 = %scan3A_47 to %scan3A_49 step %scan3A_50 iter_args(%scan3A_65 = %scan3A_46) -> (i32)  : i32 {
      %mul3A_66 = arith.constant 2 : i32
      %mul3A_67 = arith.muli %mul3A_66, %scan3A_64 : i32
      %add3A_68 = arith.constant 1 : i32
      %add3A_69 = arith.addi %mul3A_67, %add3A_68 : i32
      %dma_start3A_70 = arith.constant 0 : i32
      %dma_start3A_71 = tpu.memref_slice %arg6[%add3A_69, %dma_start3A_70] : memref<125x80xi32, #tpu.memory_space<vmem>> -> memref<1x80xi32, #tpu.memory_space<vmem>>
      %dma_start3A_72 = tpu.memref_squeeze %dma_start3A_71 : memref<1x80xi32, #tpu.memory_space<vmem>> -> memref<80xi32, #tpu.memory_space<vmem>>
      %dma_start3A_73 = arith.constant 0 : i32
      %dma_start3A_74 = arith.constant 0 : i32
      %dma_start3A_75 = tpu.memref_slice %arg2[%dma_start3A_73, %dma_start3A_74] : memref<10240x128xf32, #tpu.memory_space<hbm>> -> memref<10240x128xf32, #tpu.memory_space<hbm>>
      tpu.enqueue_indirect_dma source(%dma_start3A_75 : memref<10240x128xf32, #tpu.memory_space<hbm>>) target(%arg9 : memref<80x128xf32, #tpu.memory_space<vmem>>) offsets(%dma_start3A_72 : memref<80xi32, #tpu.memory_space<vmem>>) semaphore(%arg12 : memref<!tpu.dma_semaphore, #tpu.memory_space<semaphore_mem>>)
      %dma_wait3A_76 = arith.constant 0 : i32
      %dma_wait3A_77 = tpu.memref_slice %arg6[%mul3A_67, %dma_wait3A_76] : memref<125x80xi32, #tpu.memory_space<vmem>> -> memref<1x80xi32, #tpu.memory_space<vmem>>
      %dma_wait3A_78 = tpu.memref_squeeze %dma_wait3A_77 : memref<1x80xi32, #tpu.memory_space<vmem>> -> memref<80xi32, #tpu.memory_space<vmem>>
      %dma_wait3A_79 = arith.constant 0 : i32
      %dma_wait3A_80 = arith.constant 0 : i32
      %dma_wait3A_81 = tpu.memref_slice %arg2[%dma_wait3A_79, %dma_wait3A_80] : memref<10240x128xf32, #tpu.memory_space<hbm>> -> memref<10240x128xf32, #tpu.memory_space<hbm>>
      tpu.wait_indirect_dma semaphore(%arg11 : memref<!tpu.dma_semaphore, #tpu.memory_space<semaphore_mem>>) src(%dma_wait3A_81 : memref<10240x128xf32, #tpu.memory_space<hbm>>) dst(%arg8 : memref<80x128xf32, #tpu.memory_space<vmem>>)
      "tpu.region"() ({
        %run_scoped3A_101 = tpu.sem_alloc : memref<!tpu.dma_semaphore, #tpu.memory_space<semaphore_mem>>
        %dma_start3A_102 = arith.constant 0 : i32
        %dma_start3A_103 = tpu.memref_slice %arg7[%mul3A_67, %dma_start3A_102] : memref<125x80xi32, #tpu.memory_space<vmem>> -> memref<1x80xi32, #tpu.memory_space<vmem>>
        %dma_start3A_104 = tpu.memref_squeeze %dma_start3A_103 : memref<1x80xi32, #tpu.memory_space<vmem>> -> memref<80xi32, #tpu.memory_space<vmem>>
        %dma_start3A_105 = arith.constant 0 : i32
        %dma_start3A_106 = arith.constant 0 : i32
        %dma_start3A_107 = tpu.memref_slice %arg10[%dma_start3A_105, %dma_start3A_106] : memref<10240x128xf32, #tpu.memory_space<vmem_shared>> -> memref<10240x128xf32, #tpu.memory_space<vmem_shared>>
        tpu.enqueue_indirect_dma source(%arg8 : memref<80x128xf32, #tpu.memory_space<vmem>>) target(%dma_start3A_107 : memref<10240x128xf32, #tpu.memory_space<vmem_shared>>) offsets(%dma_start3A_104 : memref<80xi32, #tpu.memory_space<vmem>>) semaphore(%run_scoped3A_101 : memref<!tpu.dma_semaphore, #tpu.memory_space<semaphore_mem>>) {add = true}
        %dma_wait3A_108 = arith.constant 0 : i32
        %dma_wait3A_109 = tpu.memref_slice %arg7[%mul3A_67, %dma_wait3A_108] : memref<125x80xi32, #tpu.memory_space<vmem>> -> memref<1x80xi32, #tpu.memory_space<vmem>>
        %dma_wait3A_110 = tpu.memref_squeeze %dma_wait3A_109 : memref<1x80xi32, #tpu.memory_space<vmem>> -> memref<80xi32, #tpu.memory_space<vmem>>
        %dma_wait3A_111 = arith.constant 0 : i32
        %dma_wait3A_112 = arith.constant 0 : i32
        %dma_wait3A_113 = tpu.memref_slice %arg10[%dma_wait3A_111, %dma_wait3A_112] : memref<10240x128xf32, #tpu.memory_space<vmem_shared>> -> memref<10240x128xf32, #tpu.memory_space<vmem_shared>>
        tpu.wait_indirect_dma semaphore(%run_scoped3A_101 : memref<!tpu.dma_semaphore, #tpu.memory_space<semaphore_mem>>) src(%arg8 : memref<80x128xf32, #tpu.memory_space<vmem>>) dst(%dma_wait3A_113 : memref<10240x128xf32, #tpu.memory_space<vmem_shared>>)
        tpu.yield
      }) : () -> ()
      %add3A_82 = arith.constant 2 : i32
      %add3A_83 = arith.addi %mul3A_67, %add3A_82 : i32
      %dma_start3A_84 = arith.constant 0 : i32
      %dma_start3A_85 = tpu.memref_slice %arg6[%add3A_83, %dma_start3A_84] : memref<125x80xi32, #tpu.memory_space<vmem>> -> memref<1x80xi32, #tpu.memory_space<vmem>>
      %dma_start3A_86 = tpu.memref_squeeze %dma_start3A_85 : memref<1x80xi32, #tpu.memory_space<vmem>> -> memref<80xi32, #tpu.memory_space<vmem>>
      %dma_start3A_87 = arith.constant 0 : i32
      %dma_start3A_88 = arith.constant 0 : i32
      %dma_start3A_89 = tpu.memref_slice %arg2[%dma_start3A_87, %dma_start3A_88] : memref<10240x128xf32, #tpu.memory_space<hbm>> -> memref<10240x128xf32, #tpu.memory_space<hbm>>
      tpu.enqueue_indirect_dma source(%dma_start3A_89 : memref<10240x128xf32, #tpu.memory_space<hbm>>) target(%arg8 : memref<80x128xf32, #tpu.memory_space<vmem>>) offsets(%dma_start3A_86 : memref<80xi32, #tpu.memory_space<vmem>>) semaphore(%arg11 : memref<!tpu.dma_semaphore, #tpu.memory_space<semaphore_mem>>)
      %add3A_90 = arith.constant 1 : i32
      %add3A_91 = arith.addi %mul3A_67, %add3A_90 : i32
      %dma_wait3A_92 = arith.constant 0 : i32
      %dma_wait3A_93 = tpu.memref_slice %arg6[%add3A_91, %dma_wait3A_92] : memref<125x80xi32, #tpu.memory_space<vmem>> -> memref<1x80xi32, #tpu.memory_space<vmem>>
      %dma_wait3A_94 = tpu.memref_squeeze %dma_wait3A_93 : memref<1x80xi32, #tpu.memory_space<vmem>> -> memref<80xi32, #tpu.memory_space<vmem>>
      %dma_wait3A_95 = arith.constant 0 : i32
      %dma_wait3A_96 = arith.constant 0 : i32
      %dma_wait3A_97 = tpu.memref_slice %arg2[%dma_wait3A_95, %dma_wait3A_96] : memref<10240x128xf32, #tpu.memory_space<hbm>> -> memref<10240x128xf32, #tpu.memory_space<hbm>>
      tpu.wait_indirect_dma semaphore(%arg12 : memref<!tpu.dma_semaphore, #tpu.memory_space<semaphore_mem>>) src(%dma_wait3A_97 : memref<10240x128xf32, #tpu.memory_space<hbm>>) dst(%arg9 : memref<80x128xf32, #tpu.memory_space<vmem>>)
      %add3A_98 = arith.constant 1 : i32
      %add3A_99 = arith.addi %mul3A_67, %add3A_98 : i32
      "tpu.region"() ({
        %run_scoped3A_101 = tpu.sem_alloc : memref<!tpu.dma_semaphore, #tpu.memory_space<semaphore_mem>>
        %dma_start3A_102 = arith.constant 0 : i32
        %dma_start3A_103 = tpu.memref_slice %arg7[%add3A_99, %dma_start3A_102] : memref<125x80xi32, #tpu.memory_space<vmem>> -> memref<1x80xi32, #tpu.memory_space<vmem>>
        %dma_start3A_104 = tpu.memref_squeeze %dma_start3A_103 : memref<1x80xi32, #tpu.memory_space<vmem>> -> memref<80xi32, #tpu.memory_space<vmem>>
        %dma_start3A_105 = arith.constant 0 : i32
        %dma_start3A_106 = arith.constant 0 : i32
        %dma_start3A_107 = tpu.memref_slice %arg10[%dma_start3A_105, %dma_start3A_106] : memref<10240x128xf32, #tpu.memory_space<vmem_shared>> -> memref<10240x128xf32, #tpu.memory_space<vmem_shared>>
        tpu.enqueue_indirect_dma source(%arg9 : memref<80x128xf32, #tpu.memory_space<vmem>>) target(%dma_start3A_107 : memref<10240x128xf32, #tpu.memory_space<vmem_shared>>) offsets(%dma_start3A_104 : memref<80xi32, #tpu.memory_space<vmem>>) semaphore(%run_scoped3A_101 : memref<!tpu.dma_semaphore, #tpu.memory_space<semaphore_mem>>) {add = true}
        %dma_wait3A_108 = arith.constant 0 : i32
        %dma_wait3A_109 = tpu.memref_slice %arg7[%add3A_99, %dma_wait3A_108] : memref<125x80xi32, #tpu.memory_space<vmem>> -> memref<1x80xi32, #tpu.memory_space<vmem>>
        %dma_wait3A_110 = tpu.memref_squeeze %dma_wait3A_109 : memref<1x80xi32, #tpu.memory_space<vmem>> -> memref<80xi32, #tpu.memory_space<vmem>>
        %dma_wait3A_111 = arith.constant 0 : i32
        %dma_wait3A_112 = arith.constant 0 : i32
        %dma_wait3A_113 = tpu.memref_slice %arg10[%dma_wait3A_111, %dma_wait3A_112] : memref<10240x128xf32, #tpu.memory_space<vmem_shared>> -> memref<10240x128xf32, #tpu.memory_space<vmem_shared>>
        tpu.wait_indirect_dma semaphore(%run_scoped3A_101 : memref<!tpu.dma_semaphore, #tpu.memory_space<semaphore_mem>>) src(%arg9 : memref<80x128xf32, #tpu.memory_space<vmem>>) dst(%dma_wait3A_113 : memref<10240x128xf32, #tpu.memory_space<vmem_shared>>)
        tpu.yield
      }) : () -> ()
      %scan3A_100 = arith.constant 0 : i32
      scf.yield %scan3A_100 : i32
    }
    %scan3A_52 = arith.constant 62 : i32
    %dma_wait3A = arith.constant 124 : i32
    %dma_wait3A_53 = arith.constant 0 : i32
    %dma_wait3A_54 = tpu.memref_slice %arg6[%dma_wait3A, %dma_wait3A_53] : memref<125x80xi32, #tpu.memory_space<vmem>> -> memref<1x80xi32, #tpu.memory_space<vmem>>
    %dma_wait3A_55 = tpu.memref_squeeze %dma_wait3A_54 : memref<1x80xi32, #tpu.memory_space<vmem>> -> memref<80xi32, #tpu.memory_space<vmem>>
    %dma_wait3A_56 = arith.constant 0 : i32
    %dma_wait3A_57 = arith.constant 0 : i32
    %dma_wait3A_58 = tpu.memref_slice %arg2[%dma_wait3A_56, %dma_wait3A_57] : memref<10240x128xf32, #tpu.memory_space<hbm>> -> memref<10240x128xf32, #tpu.memory_space<hbm>>
    tpu.wait_indirect_dma semaphore(%arg11 : memref<!tpu.dma_semaphore, #tpu.memory_space<semaphore_mem>>) src(%dma_wait3A_58 : memref<10240x128xf32, #tpu.memory_space<hbm>>) dst(%arg8 : memref<80x128xf32, #tpu.memory_space<vmem>>)
    %run_scoped3A = arith.constant 124 : i32
    "tpu.region"() ({
      %run_scoped3A_64 = tpu.sem_alloc : memref<!tpu.dma_semaphore, #tpu.memory_space<semaphore_mem>>
      %dma_start3A_65 = arith.constant 0 : i32
      %dma_start3A_66 = tpu.memref_slice %arg7[%run_scoped3A, %dma_start3A_65] : memref<125x80xi32, #tpu.memory_space<vmem>> -> memref<1x80xi32, #tpu.memory_space<vmem>>
      %dma_start3A_67 = tpu.memref_squeeze %dma_start3A_66 : memref<1x80xi32, #tpu.memory_space<vmem>> -> memref<80xi32, #tpu.memory_space<vmem>>
      %dma_start3A_68 = arith.constant 0 : i32
      %dma_start3A_69 = arith.constant 0 : i32
      %dma_start3A_70 = tpu.memref_slice %arg10[%dma_start3A_68, %dma_start3A_69] : memref<10240x128xf32, #tpu.memory_space<vmem_shared>> -> memref<10240x128xf32, #tpu.memory_space<vmem_shared>>
      tpu.enqueue_indirect_dma source(%arg8 : memref<80x128xf32, #tpu.memory_space<vmem>>) target(%dma_start3A_70 : memref<10240x128xf32, #tpu.memory_space<vmem_shared>>) offsets(%dma_start3A_67 : memref<80xi32, #tpu.memory_space<vmem>>) semaphore(%run_scoped3A_64 : memref<!tpu.dma_semaphore, #tpu.memory_space<semaphore_mem>>) {add = true}
      %dma_wait3A_71 = arith.constant 0 : i32
      %dma_wait3A_72 = tpu.memref_slice %arg7[%run_scoped3A, %dma_wait3A_71] : memref<125x80xi32, #tpu.memory_space<vmem>> -> memref<1x80xi32, #tpu.memory_space<vmem>>
      %dma_wait3A_73 = tpu.memref_squeeze %dma_wait3A_72 : memref<1x80xi32, #tpu.memory_space<vmem>> -> memref<80xi32, #tpu.memory_space<vmem>>
      %dma_wait3A_74 = arith.constant 0 : i32
      %dma_wait3A_75 = arith.constant 0 : i32
      %dma_wait3A_76 = tpu.memref_slice %arg10[%dma_wait3A_74, %dma_wait3A_75] : memref<10240x128xf32, #tpu.memory_space<vmem_shared>> -> memref<10240x128xf32, #tpu.memory_space<vmem_shared>>
      tpu.wait_indirect_dma semaphore(%run_scoped3A_64 : memref<!tpu.dma_semaphore, #tpu.memory_space<semaphore_mem>>) src(%arg8 : memref<80x128xf32, #tpu.memory_space<vmem>>) dst(%dma_wait3A_76 : memref<10240x128xf32, #tpu.memory_space<vmem_shared>>)
      tpu.yield
    }) : () -> ()
    %barrier3A_59 = arith.constant 0 : index
    tpu.barrier barrier_id(%barrier3A_59)
    %mul3A_60 = arith.constant 640 : i32
    %mul3A_61 = arith.muli %arg1, %mul3A_60 : i32
    %mul3A_62 = arith.constant 640 : i32
    %mul3A_63 = arith.muli %arg1, %mul3A_62 : i32
    "tpu.region"() ({
      %run_scoped3A_64 = tpu.sem_alloc : memref<!tpu.dma_semaphore, #tpu.memory_space<semaphore_mem>>
      %dma_start3A_65 = arith.constant 0 : i32
      %dma_start3A_66 = tpu.memref_slice %arg5[%arg0, %mul3A_63, %dma_start3A_65] : memref<2x10240x128xf32, #tpu.memory_space<hbm>> -> memref<1x640x128xf32, #tpu.memory_space<hbm>>
      %dma_start3A_67 = tpu.memref_squeeze %dma_start3A_66 : memref<1x640x128xf32, #tpu.memory_space<hbm>> -> memref<640x128xf32, #tpu.memory_space<hbm>>
      %dma_start3A_68 = arith.constant 0 : i32
      %dma_start3A_69 = tpu.memref_slice %arg10[%mul3A_61, %dma_start3A_68] : memref<10240x128xf32, #tpu.memory_space<vmem_shared>> -> memref<640x128xf32, #tpu.memory_space<vmem_shared>>
      tpu.enqueue_dma source(%dma_start3A_69 : memref<640x128xf32, #tpu.memory_space<vmem_shared>>) target(%dma_start3A_67 : memref<640x128xf32, #tpu.memory_space<hbm>>) target_semaphore(%run_scoped3A_64 : memref<!tpu.dma_semaphore, #tpu.memory_space<semaphore_mem>>)
      %dma_wait3A_70 = arith.constant 0 : i32
      %dma_wait3A_71 = tpu.memref_slice %arg5[%arg0, %mul3A_63, %dma_wait3A_70] : memref<2x10240x128xf32, #tpu.memory_space<hbm>> -> memref<1x640x128xf32, #tpu.memory_space<hbm>>
      %dma_wait3A_72 = tpu.memref_squeeze %dma_wait3A_71 : memref<1x640x128xf32, #tpu.memory_space<hbm>> -> memref<640x128xf32, #tpu.memory_space<hbm>>
      %dma_wait3A_73 = arith.constant 0 : i32
      %dma_wait3A_74 = tpu.memref_slice %arg10[%mul3A_61, %dma_wait3A_73] : memref<10240x128xf32, #tpu.memory_space<vmem_shared>> -> memref<640x128xf32, #tpu.memory_space<vmem_shared>>
      tpu.wait_dma2 semaphore(%run_scoped3A_64 : memref<!tpu.dma_semaphore, #tpu.memory_space<semaphore_mem>>) src(%dma_wait3A_74 : memref<640x128xf32, #tpu.memory_space<vmem_shared>>) dst(%dma_wait3A_72 : memref<640x128xf32, #tpu.memory_space<hbm>>)
      tpu.yield
    }) : () -> ()
    return
  }
}

#map = affine_map<(d0, d1) -> (0, 0)>
module attributes {stable_mosaic.version = 14 : i64} {
  func.func @_deg_kernel(%arg0: i32, %arg1: i32, %arg2: memref<32x10000xi32, #tpu.memory_space<hbm>>, %arg3: memref<32x10240xf32, #tpu.memory_space<hbm>>, %arg4: memref<10000xi32, #tpu.memory_space<vmem>>, %arg5: memref<10240xf32, #tpu.memory_space<vmem>>) attributes {dimension_semantics = [#tpu.dimension_semantics<core_parallel>, #tpu.dimension_semantics<subcore_parallel>], iteration_bounds = array<i64: 2, 16>, scalar_prefetch = 0 : i64, scratch_operands = 2 : i64, tpu.core_type = #tpu.core_type<sc_vector_subcore>, window_params = [{transform_indices = #map}, {transform_indices = #map}]} {
    %mul3A = arith.constant 2 : i32
    %mul3A_0 = arith.muli %arg1, %mul3A : i32
    %add3A = arith.addi %mul3A_0, %arg0 : i32
    "tpu.region"() ({
      %run_scoped3A = tpu.sem_alloc : memref<!tpu.dma_semaphore, #tpu.memory_space<semaphore_mem>>
      %dma_start3A = arith.constant 0 : i32
      %dma_start3A_17 = tpu.memref_slice %arg2[%add3A, %dma_start3A] : memref<32x10000xi32, #tpu.memory_space<hbm>> -> memref<1x10000xi32, #tpu.memory_space<hbm>>
      %dma_start3A_18 = tpu.memref_squeeze %dma_start3A_17 : memref<1x10000xi32, #tpu.memory_space<hbm>> -> memref<10000xi32, #tpu.memory_space<hbm>>
      %dma_start3A_19 = arith.constant 0 : i32
      %dma_start3A_20 = tpu.memref_slice %arg2[%add3A, %dma_start3A_19] : memref<32x10000xi32, #tpu.memory_space<hbm>> -> memref<1x10000xi32, #tpu.memory_space<hbm>>
      %dma_start3A_21 = tpu.memref_squeeze %dma_start3A_20 : memref<1x10000xi32, #tpu.memory_space<hbm>> -> memref<10000xi32, #tpu.memory_space<hbm>>
      tpu.enqueue_dma source(%dma_start3A_21 : memref<10000xi32, #tpu.memory_space<hbm>>) target(%arg4 : memref<10000xi32, #tpu.memory_space<vmem>>) target_semaphore(%run_scoped3A : memref<!tpu.dma_semaphore, #tpu.memory_space<semaphore_mem>>)
      %dma_wait3A = arith.constant 0 : i32
      %dma_wait3A_22 = tpu.memref_slice %arg2[%add3A, %dma_wait3A] : memref<32x10000xi32, #tpu.memory_space<hbm>> -> memref<1x10000xi32, #tpu.memory_space<hbm>>
      %dma_wait3A_23 = tpu.memref_squeeze %dma_wait3A_22 : memref<1x10000xi32, #tpu.memory_space<hbm>> -> memref<10000xi32, #tpu.memory_space<hbm>>
      %dma_wait3A_24 = arith.constant 0 : i32
      %dma_wait3A_25 = tpu.memref_slice %arg2[%add3A, %dma_wait3A_24] : memref<32x10000xi32, #tpu.memory_space<hbm>> -> memref<1x10000xi32, #tpu.memory_space<hbm>>
      %dma_wait3A_26 = tpu.memref_squeeze %dma_wait3A_25 : memref<1x10000xi32, #tpu.memory_space<hbm>> -> memref<10000xi32, #tpu.memory_space<hbm>>
      tpu.wait_dma2 semaphore(%run_scoped3A : memref<!tpu.dma_semaphore, #tpu.memory_space<semaphore_mem>>) src(%dma_wait3A_26 : memref<10000xi32, #tpu.memory_space<hbm>>) dst(%arg4 : memref<10000xi32, #tpu.memory_space<vmem>>)
      tpu.yield
    }) : () -> ()
    %broadcast_in_dim3A = arith.constant 0.000000e+00 : f32
    %broadcast_in_dim3A_1 = vector.broadcast %broadcast_in_dim3A : f32 to vector<16xf32>
    %scan3A = arith.constant 0 : i32
    %scan3A_2 = arith.constant 0 : i32
    %scan3A_3 = arith.constant 640 : i32
    %scan3A_4 = arith.addi %scan3A_2, %scan3A_3 : i32
    %scan3A_5 = arith.constant 1 : i32
    %scan3A_6 = scf.for %scan3A_17 = %scan3A_2 to %scan3A_4 step %scan3A_5 iter_args(%scan3A_18 = %scan3A) -> (i32)  : i32 {
      %mul3A_19 = arith.constant 16 : i32
      %mul3A_20 = arith.muli %scan3A_17, %mul3A_19 : i32
      %swap3A = arith.index_cast %mul3A_20 : i32 to index
      %swap3A_21 = tpu.vector_load %arg5[%swap3A] {strides = array<i32>} : memref<10240xf32, #tpu.memory_space<vmem>>, vector<16xf32>,
      tpu.vector_store %arg5[%swap3A], %broadcast_in_dim3A_1 {strides = array<i32>} : memref<10240xf32, #tpu.memory_space<vmem>>, vector<16xf32>,
      %scan3A_22 = arith.constant 0 : i32
      scf.yield %scan3A_22 : i32
    }
    %scan3A_7 = arith.constant 640 : i32
    %broadcast_in_dim3A_8 = arith.constant 1.000000e+00 : f32
    %broadcast_in_dim3A_9 = vector.broadcast %broadcast_in_dim3A_8 : f32 to vector<16xf32>
    %scan3A_10 = arith.constant 0 : i32
    %scan3A_11 = arith.constant 0 : i32
    %scan3A_12 = arith.constant 625 : i32
    %scan3A_13 = arith.addi %scan3A_11, %scan3A_12 : i32
    %scan3A_14 = arith.constant 1 : i32
    %scan3A_15 = scf.for %scan3A_17 = %scan3A_11 to %scan3A_13 step %scan3A_14 iter_args(%scan3A_18 = %scan3A_10) -> (i32)  : i32 {
      %mul3A_19 = arith.constant 16 : i32
      %mul3A_20 = arith.muli %scan3A_17, %mul3A_19 : i32
      %get3A = arith.index_cast %mul3A_20 : i32 to index
      %get3A_21 = tpu.vector_load %arg4[%get3A] {strides = array<i32>} : memref<10000xi32, #tpu.memory_space<vmem>>, vector<16xi32>,
      tpu.vector_store_idx %arg5[%get3A_21], %broadcast_in_dim3A_9 {add = true} : memref<10240xf32, #tpu.memory_space<vmem>>[vector<16xi32>], vector<16xf32>,
      %scan3A_22 = arith.constant 0 : i32
      scf.yield %scan3A_22 : i32
    }
    %scan3A_16 = arith.constant 625 : i32
    "tpu.region"() ({
      %run_scoped3A = tpu.sem_alloc : memref<!tpu.dma_semaphore, #tpu.memory_space<semaphore_mem>>
      %dma_start3A = arith.constant 0 : i32
      %dma_start3A_17 = tpu.memref_slice %arg3[%add3A, %dma_start3A] : memref<32x10240xf32, #tpu.memory_space<hbm>> -> memref<1x10240xf32, #tpu.memory_space<hbm>>
      %dma_start3A_18 = tpu.memref_squeeze %dma_start3A_17 : memref<1x10240xf32, #tpu.memory_space<hbm>> -> memref<10240xf32, #tpu.memory_space<hbm>>
      %dma_start3A_19 = arith.constant 0 : i32
      %dma_start3A_20 = tpu.memref_slice %arg3[%add3A, %dma_start3A_19] : memref<32x10240xf32, #tpu.memory_space<hbm>> -> memref<1x10240xf32, #tpu.memory_space<hbm>>
      %dma_start3A_21 = tpu.memref_squeeze %dma_start3A_20 : memref<1x10240xf32, #tpu.memory_space<hbm>> -> memref<10240xf32, #tpu.memory_space<hbm>>
      tpu.enqueue_dma source(%arg5 : memref<10240xf32, #tpu.memory_space<vmem>>) target(%dma_start3A_21 : memref<10240xf32, #tpu.memory_space<hbm>>) target_semaphore(%run_scoped3A : memref<!tpu.dma_semaphore, #tpu.memory_space<semaphore_mem>>)
      %dma_wait3A = arith.constant 0 : i32
      %dma_wait3A_22 = tpu.memref_slice %arg3[%add3A, %dma_wait3A] : memref<32x10240xf32, #tpu.memory_space<hbm>> -> memref<1x10240xf32, #tpu.memory_space<hbm>>
      %dma_wait3A_23 = tpu.memref_squeeze %dma_wait3A_22 : memref<1x10240xf32, #tpu.memory_space<hbm>> -> memref<10240xf32, #tpu.memory_space<hbm>>
      %dma_wait3A_24 = arith.constant 0 : i32
      %dma_wait3A_25 = tpu.memref_slice %arg3[%add3A, %dma_wait3A_24] : memref<32x10240xf32, #tpu.memory_space<hbm>> -> memref<1x10240xf32, #tpu.memory_space<hbm>>
      %dma_wait3A_26 = tpu.memref_squeeze %dma_wait3A_25 : memref<1x10240xf32, #tpu.memory_space<hbm>> -> memref<10240xf32, #tpu.memory_space<hbm>>
      tpu.wait_dma2 semaphore(%run_scoped3A : memref<!tpu.dma_semaphore, #tpu.memory_space<semaphore_mem>>) src(%arg5 : memref<10240xf32, #tpu.memory_space<vmem>>) dst(%dma_wait3A_26 : memref<10240xf32, #tpu.memory_space<hbm>>)
      tpu.yield
    }) : () -> ()
    return
  }
}

#map = affine_map<(d0, d1) -> (0, 0)>
#map1 = affine_map<(d0, d1) -> (0, 0, 0)>
module attributes {stable_mosaic.version = 14 : i64} {
  func.func @_prop(%arg0: i32, %arg1: i32, %arg2: memref<10240x128xf32, #tpu.memory_space<hbm>>, %arg3: memref<32x125x80xi32, #tpu.memory_space<hbm>>, %arg4: memref<32x125x80xi32, #tpu.memory_space<hbm>>, %arg5: memref<2x10240x128xf32, #tpu.memory_space<hbm>>, %arg6: memref<125x80xi32, #tpu.memory_space<vmem>>, %arg7: memref<125x80xi32, #tpu.memory_space<vmem>>, %arg8: memref<80x128xf32, #tpu.memory_space<vmem>>, %arg9: memref<80x128xf32, #tpu.memory_space<vmem>>, %arg10: memref<10240x128xf32, #tpu.memory_space<vmem_shared>>, %arg11: memref<!tpu.dma_semaphore, #tpu.memory_space<semaphore_mem>>, %arg12: memref<!tpu.dma_semaphore, #tpu.memory_space<semaphore_mem>>) attributes {dimension_semantics = [#tpu.dimension_semantics<core_parallel>, #tpu.dimension_semantics<subcore_parallel>], iteration_bounds = array<i64: 2, 16>, scalar_prefetch = 0 : i64, scratch_operands = 7 : i64, tpu.core_type = #tpu.core_type<sc_vector_subcore>, window_params = [{transform_indices = #map}, {transform_indices = #map1}, {transform_indices = #map1}, {transform_indices = #map1}]} {
    %mul3A = arith.constant 2 : i32
    %mul3A_0 = arith.muli %arg1, %mul3A : i32
    %add3A = arith.addi %mul3A_0, %arg0 : i32
    "tpu.region"() ({
      %run_scoped3A_64 = tpu.sem_alloc : memref<!tpu.dma_semaphore, #tpu.memory_space<semaphore_mem>>
      %dma_start3A_65 = arith.constant 0 : i32
      %dma_start3A_66 = arith.constant 0 : i32
      %dma_start3A_67 = tpu.memref_slice %arg3[%add3A, %dma_start3A_65, %dma_start3A_66] : memref<32x125x80xi32, #tpu.memory_space<hbm>> -> memref<1x125x80xi32, #tpu.memory_space<hbm>>
      %dma_start3A_68 = tpu.memref_squeeze %dma_start3A_67 : memref<1x125x80xi32, #tpu.memory_space<hbm>> -> memref<125x80xi32, #tpu.memory_space<hbm>>
      %dma_start3A_69 = arith.constant 0 : i32
      %dma_start3A_70 = arith.constant 0 : i32
      %dma_start3A_71 = tpu.memref_slice %arg3[%add3A, %dma_start3A_69, %dma_start3A_70] : memref<32x125x80xi32, #tpu.memory_space<hbm>> -> memref<1x125x80xi32, #tpu.memory_space<hbm>>
      %dma_start3A_72 = tpu.memref_squeeze %dma_start3A_71 : memref<1x125x80xi32, #tpu.memory_space<hbm>> -> memref<125x80xi32, #tpu.memory_space<hbm>>
      tpu.enqueue_dma source(%dma_start3A_72 : memref<125x80xi32, #tpu.memory_space<hbm>>) target(%arg6 : memref<125x80xi32, #tpu.memory_space<vmem>>) target_semaphore(%run_scoped3A_64 : memref<!tpu.dma_semaphore, #tpu.memory_space<semaphore_mem>>)
      %dma_wait3A_73 = arith.constant 0 : i32
      %dma_wait3A_74 = arith.constant 0 : i32
      %dma_wait3A_75 = tpu.memref_slice %arg3[%add3A, %dma_wait3A_73, %dma_wait3A_74] : memref<32x125x80xi32, #tpu.memory_space<hbm>> -> memref<1x125x80xi32, #tpu.memory_space<hbm>>
      %dma_wait3A_76 = tpu.memref_squeeze %dma_wait3A_75 : memref<1x125x80xi32, #tpu.memory_space<hbm>> -> memref<125x80xi32, #tpu.memory_space<hbm>>
      %dma_wait3A_77 = arith.constant 0 : i32
      %dma_wait3A_78 = arith.constant 0 : i32
      %dma_wait3A_79 = tpu.memref_slice %arg3[%add3A, %dma_wait3A_77, %dma_wait3A_78] : memref<32x125x80xi32, #tpu.memory_space<hbm>> -> memref<1x125x80xi32, #tpu.memory_space<hbm>>
      %dma_wait3A_80 = tpu.memref_squeeze %dma_wait3A_79 : memref<1x125x80xi32, #tpu.memory_space<hbm>> -> memref<125x80xi32, #tpu.memory_space<hbm>>
      tpu.wait_dma2 semaphore(%run_scoped3A_64 : memref<!tpu.dma_semaphore, #tpu.memory_space<semaphore_mem>>) src(%dma_wait3A_80 : memref<125x80xi32, #tpu.memory_space<hbm>>) dst(%arg6 : memref<125x80xi32, #tpu.memory_space<vmem>>)
      tpu.yield
    }) : () -> ()
    "tpu.region"() ({
      %run_scoped3A_64 = tpu.sem_alloc : memref<!tpu.dma_semaphore, #tpu.memory_space<semaphore_mem>>
      %dma_start3A_65 = arith.constant 0 : i32
      %dma_start3A_66 = arith.constant 0 : i32
      %dma_start3A_67 = tpu.memref_slice %arg4[%add3A, %dma_start3A_65, %dma_start3A_66] : memref<32x125x80xi32, #tpu.memory_space<hbm>> -> memref<1x125x80xi32, #tpu.memory_space<hbm>>
      %dma_start3A_68 = tpu.memref_squeeze %dma_start3A_67 : memref<1x125x80xi32, #tpu.memory_space<hbm>> -> memref<125x80xi32, #tpu.memory_space<hbm>>
      %dma_start3A_69 = arith.constant 0 : i32
      %dma_start3A_70 = arith.constant 0 : i32
      %dma_start3A_71 = tpu.memref_slice %arg4[%add3A, %dma_start3A_69, %dma_start3A_70] : memref<32x125x80xi32, #tpu.memory_space<hbm>> -> memref<1x125x80xi32, #tpu.memory_space<hbm>>
      %dma_start3A_72 = tpu.memref_squeeze %dma_start3A_71 : memref<1x125x80xi32, #tpu.memory_space<hbm>> -> memref<125x80xi32, #tpu.memory_space<hbm>>
      tpu.enqueue_dma source(%dma_start3A_72 : memref<125x80xi32, #tpu.memory_space<hbm>>) target(%arg7 : memref<125x80xi32, #tpu.memory_space<vmem>>) target_semaphore(%run_scoped3A_64 : memref<!tpu.dma_semaphore, #tpu.memory_space<semaphore_mem>>)
      %dma_wait3A_73 = arith.constant 0 : i32
      %dma_wait3A_74 = arith.constant 0 : i32
      %dma_wait3A_75 = tpu.memref_slice %arg4[%add3A, %dma_wait3A_73, %dma_wait3A_74] : memref<32x125x80xi32, #tpu.memory_space<hbm>> -> memref<1x125x80xi32, #tpu.memory_space<hbm>>
      %dma_wait3A_76 = tpu.memref_squeeze %dma_wait3A_75 : memref<1x125x80xi32, #tpu.memory_space<hbm>> -> memref<125x80xi32, #tpu.memory_space<hbm>>
      %dma_wait3A_77 = arith.constant 0 : i32
      %dma_wait3A_78 = arith.constant 0 : i32
      %dma_wait3A_79 = tpu.memref_slice %arg4[%add3A, %dma_wait3A_77, %dma_wait3A_78] : memref<32x125x80xi32, #tpu.memory_space<hbm>> -> memref<1x125x80xi32, #tpu.memory_space<hbm>>
      %dma_wait3A_80 = tpu.memref_squeeze %dma_wait3A_79 : memref<1x125x80xi32, #tpu.memory_space<hbm>> -> memref<125x80xi32, #tpu.memory_space<hbm>>
      tpu.wait_dma2 semaphore(%run_scoped3A_64 : memref<!tpu.dma_semaphore, #tpu.memory_space<semaphore_mem>>) src(%dma_wait3A_80 : memref<125x80xi32, #tpu.memory_space<hbm>>) dst(%arg7 : memref<125x80xi32, #tpu.memory_space<vmem>>)
      tpu.yield
    }) : () -> ()
    %broadcast_in_dim3A = arith.constant 0.000000e+00 : f32
    %broadcast_in_dim3A_1 = vector.broadcast %broadcast_in_dim3A : f32 to vector<16xf32>
    %scan3A = arith.constant 0 : i32
    %scan3A_2 = arith.constant 0 : i32
    %scan3A_3 = arith.constant 80 : i32
    %scan3A_4 = arith.addi %scan3A_2, %scan3A_3 : i32
    %scan3A_5 = arith.constant 1 : i32
    %scan3A_6 = scf.for %scan3A_64 = %scan3A_2 to %scan3A_4 step %scan3A_5 iter_args(%scan3A_65 = %scan3A) -> (i32)  : i32 {
      %swap3A = arith.index_cast %scan3A_64 : i32 to index
      %swap3A_66 = arith.constant 0 : index
      %swap3A_67 = tpu.vector_load %arg8[%swap3A, %swap3A_66] {strides = array<i32>} : memref<80x128xf32, #tpu.memory_space<vmem>>, vector<1x16xf32>,
      %swap3A_68 = vector.shape_cast %swap3A_67 : vector<1x16xf32> to vector<16xf32>
      %swap3A_69 = vector.shape_cast %broadcast_in_dim3A_1 : vector<16xf32> to vector<1x16xf32>
      tpu.vector_store %arg8[%swap3A, %swap3A_66], %swap3A_69 {strides = array<i32>} : memref<80x128xf32, #tpu.memory_space<vmem>>, vector<1x16xf32>,
      %swap3A_70 = arith.index_cast %scan3A_64 : i32 to index
      %swap3A_71 = arith.constant 16 : index
      %swap3A_72 = tpu.vector_load %arg8[%swap3A_70, %swap3A_71] {strides = array<i32>} : memref<80x128xf32, #tpu.memory_space<vmem>>, vector<1x16xf32>,
      %swap3A_73 = vector.shape_cast %swap3A_72 : vector<1x16xf32> to vector<16xf32>
      %swap3A_74 = vector.shape_cast %broadcast_in_dim3A_1 : vector<16xf32> to vector<1x16xf32>
      tpu.vector_store %arg8[%swap3A_70, %swap3A_71], %swap3A_74 {strides = array<i32>} : memref<80x128xf32, #tpu.memory_space<vmem>>, vector<1x16xf32>,
      %swap3A_75 = arith.index_cast %scan3A_64 : i32 to index
      %swap3A_76 = arith.constant 32 : index
      %swap3A_77 = tpu.vector_load %arg8[%swap3A_75, %swap3A_76] {strides = array<i32>} : memref<80x128xf32, #tpu.memory_space<vmem>>, vector<1x16xf32>,
      %swap3A_78 = vector.shape_cast %swap3A_77 : vector<1x16xf32> to vector<16xf32>
      %swap3A_79 = vector.shape_cast %broadcast_in_dim3A_1 : vector<16xf32> to vector<1x16xf32>
      tpu.vector_store %arg8[%swap3A_75, %swap3A_76], %swap3A_79 {strides = array<i32>} : memref<80x128xf32, #tpu.memory_space<vmem>>, vector<1x16xf32>,
      %swap3A_80 = arith.index_cast %scan3A_64 : i32 to index
      %swap3A_81 = arith.constant 48 : index
      %swap3A_82 = tpu.vector_load %arg8[%swap3A_80, %swap3A_81] {strides = array<i32>} : memref<80x128xf32, #tpu.memory_space<vmem>>, vector<1x16xf32>,
      %swap3A_83 = vector.shape_cast %swap3A_82 : vector<1x16xf32> to vector<16xf32>
      %swap3A_84 = vector.shape_cast %broadcast_in_dim3A_1 : vector<16xf32> to vector<1x16xf32>
      tpu.vector_store %arg8[%swap3A_80, %swap3A_81], %swap3A_84 {strides = array<i32>} : memref<80x128xf32, #tpu.memory_space<vmem>>, vector<1x16xf32>,
      %swap3A_85 = arith.index_cast %scan3A_64 : i32 to index
      %swap3A_86 = arith.constant 64 : index
      %swap3A_87 = tpu.vector_load %arg8[%swap3A_85, %swap3A_86] {strides = array<i32>} : memref<80x128xf32, #tpu.memory_space<vmem>>, vector<1x16xf32>,
      %swap3A_88 = vector.shape_cast %swap3A_87 : vector<1x16xf32> to vector<16xf32>
      %swap3A_89 = vector.shape_cast %broadcast_in_dim3A_1 : vector<16xf32> to vector<1x16xf32>
      tpu.vector_store %arg8[%swap3A_85, %swap3A_86], %swap3A_89 {strides = array<i32>} : memref<80x128xf32, #tpu.memory_space<vmem>>, vector<1x16xf32>,
      %swap3A_90 = arith.index_cast %scan3A_64 : i32 to index
      %swap3A_91 = arith.constant 80 : index
      %swap3A_92 = tpu.vector_load %arg8[%swap3A_90, %swap3A_91] {strides = array<i32>} : memref<80x128xf32, #tpu.memory_space<vmem>>, vector<1x16xf32>,
      %swap3A_93 = vector.shape_cast %swap3A_92 : vector<1x16xf32> to vector<16xf32>
      %swap3A_94 = vector.shape_cast %broadcast_in_dim3A_1 : vector<16xf32> to vector<1x16xf32>
      tpu.vector_store %arg8[%swap3A_90, %swap3A_91], %swap3A_94 {strides = array<i32>} : memref<80x128xf32, #tpu.memory_space<vmem>>, vector<1x16xf32>,
      %swap3A_95 = arith.index_cast %scan3A_64 : i32 to index
      %swap3A_96 = arith.constant 96 : index
      %swap3A_97 = tpu.vector_load %arg8[%swap3A_95, %swap3A_96] {strides = array<i32>} : memref<80x128xf32, #tpu.memory_space<vmem>>, vector<1x16xf32>,
      %swap3A_98 = vector.shape_cast %swap3A_97 : vector<1x16xf32> to vector<16xf32>
      %swap3A_99 = vector.shape_cast %broadcast_in_dim3A_1 : vector<16xf32> to vector<1x16xf32>
      tpu.vector_store %arg8[%swap3A_95, %swap3A_96], %swap3A_99 {strides = array<i32>} : memref<80x128xf32, #tpu.memory_space<vmem>>, vector<1x16xf32>,
      %swap3A_100 = arith.index_cast %scan3A_64 : i32 to index
      %swap3A_101 = arith.constant 112 : index
      %swap3A_102 = tpu.vector_load %arg8[%swap3A_100, %swap3A_101] {strides = array<i32>} : memref<80x128xf32, #tpu.memory_space<vmem>>, vector<1x16xf32>,
      %swap3A_103 = vector.shape_cast %swap3A_102 : vector<1x16xf32> to vector<16xf32>
      %swap3A_104 = vector.shape_cast %broadcast_in_dim3A_1 : vector<16xf32> to vector<1x16xf32>
      tpu.vector_store %arg8[%swap3A_100, %swap3A_101], %swap3A_104 {strides = array<i32>} : memref<80x128xf32, #tpu.memory_space<vmem>>, vector<1x16xf32>,
      %scan3A_105 = arith.constant 0 : i32
      scf.yield %scan3A_105 : i32
    }
    %scan3A_7 = arith.constant 80 : i32
    %mul3A_8 = arith.constant 640 : i32
    %mul3A_9 = arith.muli %arg1, %mul3A_8 : i32
    %add3A_10 = arith.constant 0 : i32
    %add3A_11 = arith.addi %mul3A_9, %add3A_10 : i32
    "tpu.region"() ({
      %run_scoped3A_64 = tpu.sem_alloc : memref<!tpu.dma_semaphore, #tpu.memory_space<semaphore_mem>>
      %dma_start3A_65 = arith.constant 0 : i32
      %dma_start3A_66 = tpu.memref_slice %arg10[%add3A_11, %dma_start3A_65] : memref<10240x128xf32, #tpu.memory_space<vmem_shared>> -> memref<80x128xf32, #tpu.memory_space<vmem_shared>>
      %dma_start3A_67 = arith.constant 0 : i32
      %dma_start3A_68 = tpu.memref_slice %arg10[%add3A_11, %dma_start3A_67] : memref<10240x128xf32, #tpu.memory_space<vmem_shared>> -> memref<80x128xf32, #tpu.memory_space<vmem_shared>>
      tpu.enqueue_dma source(%arg8 : memref<80x128xf32, #tpu.memory_space<vmem>>) target(%dma_start3A_68 : memref<80x128xf32, #tpu.memory_space<vmem_shared>>) target_semaphore(%run_scoped3A_64 : memref<!tpu.dma_semaphore, #tpu.memory_space<semaphore_mem>>)
      %dma_wait3A_69 = arith.constant 0 : i32
      %dma_wait3A_70 = tpu.memref_slice %arg10[%add3A_11, %dma_wait3A_69] : memref<10240x128xf32, #tpu.memory_space<vmem_shared>> -> memref<80x128xf32, #tpu.memory_space<vmem_shared>>
      %dma_wait3A_71 = arith.constant 0 : i32
      %dma_wait3A_72 = tpu.memref_slice %arg10[%add3A_11, %dma_wait3A_71] : memref<10240x128xf32, #tpu.memory_space<vmem_shared>> -> memref<80x128xf32, #tpu.memory_space<vmem_shared>>
      tpu.wait_dma2 semaphore(%run_scoped3A_64 : memref<!tpu.dma_semaphore, #tpu.memory_space<semaphore_mem>>) src(%arg8 : memref<80x128xf32, #tpu.memory_space<vmem>>) dst(%dma_wait3A_72 : memref<80x128xf32, #tpu.memory_space<vmem_shared>>)
      tpu.yield
    }) : () -> ()
    %mul3A_12 = arith.constant 640 : i32
    %mul3A_13 = arith.muli %arg1, %mul3A_12 : i32
    %add3A_14 = arith.constant 80 : i32
    %add3A_15 = arith.addi %mul3A_13, %add3A_14 : i32
    "tpu.region"() ({
      %run_scoped3A_64 = tpu.sem_alloc : memref<!tpu.dma_semaphore, #tpu.memory_space<semaphore_mem>>
      %dma_start3A_65 = arith.constant 0 : i32
      %dma_start3A_66 = tpu.memref_slice %arg10[%add3A_15, %dma_start3A_65] : memref<10240x128xf32, #tpu.memory_space<vmem_shared>> -> memref<80x128xf32, #tpu.memory_space<vmem_shared>>
      %dma_start3A_67 = arith.constant 0 : i32
      %dma_start3A_68 = tpu.memref_slice %arg10[%add3A_15, %dma_start3A_67] : memref<10240x128xf32, #tpu.memory_space<vmem_shared>> -> memref<80x128xf32, #tpu.memory_space<vmem_shared>>
      tpu.enqueue_dma source(%arg8 : memref<80x128xf32, #tpu.memory_space<vmem>>) target(%dma_start3A_68 : memref<80x128xf32, #tpu.memory_space<vmem_shared>>) target_semaphore(%run_scoped3A_64 : memref<!tpu.dma_semaphore, #tpu.memory_space<semaphore_mem>>)
      %dma_wait3A_69 = arith.constant 0 : i32
      %dma_wait3A_70 = tpu.memref_slice %arg10[%add3A_15, %dma_wait3A_69] : memref<10240x128xf32, #tpu.memory_space<vmem_shared>> -> memref<80x128xf32, #tpu.memory_space<vmem_shared>>
      %dma_wait3A_71 = arith.constant 0 : i32
      %dma_wait3A_72 = tpu.memref_slice %arg10[%add3A_15, %dma_wait3A_71] : memref<10240x128xf32, #tpu.memory_space<vmem_shared>> -> memref<80x128xf32, #tpu.memory_space<vmem_shared>>
      tpu.wait_dma2 semaphore(%run_scoped3A_64 : memref<!tpu.dma_semaphore, #tpu.memory_space<semaphore_mem>>) src(%arg8 : memref<80x128xf32, #tpu.memory_space<vmem>>) dst(%dma_wait3A_72 : memref<80x128xf32, #tpu.memory_space<vmem_shared>>)
      tpu.yield
    }) : () -> ()
    %mul3A_16 = arith.constant 640 : i32
    %mul3A_17 = arith.muli %arg1, %mul3A_16 : i32
    %add3A_18 = arith.constant 160 : i32
    %add3A_19 = arith.addi %mul3A_17, %add3A_18 : i32
    "tpu.region"() ({
      %run_scoped3A_64 = tpu.sem_alloc : memref<!tpu.dma_semaphore, #tpu.memory_space<semaphore_mem>>
      %dma_start3A_65 = arith.constant 0 : i32
      %dma_start3A_66 = tpu.memref_slice %arg10[%add3A_19, %dma_start3A_65] : memref<10240x128xf32, #tpu.memory_space<vmem_shared>> -> memref<80x128xf32, #tpu.memory_space<vmem_shared>>
      %dma_start3A_67 = arith.constant 0 : i32
      %dma_start3A_68 = tpu.memref_slice %arg10[%add3A_19, %dma_start3A_67] : memref<10240x128xf32, #tpu.memory_space<vmem_shared>> -> memref<80x128xf32, #tpu.memory_space<vmem_shared>>
      tpu.enqueue_dma source(%arg8 : memref<80x128xf32, #tpu.memory_space<vmem>>) target(%dma_start3A_68 : memref<80x128xf32, #tpu.memory_space<vmem_shared>>) target_semaphore(%run_scoped3A_64 : memref<!tpu.dma_semaphore, #tpu.memory_space<semaphore_mem>>)
      %dma_wait3A_69 = arith.constant 0 : i32
      %dma_wait3A_70 = tpu.memref_slice %arg10[%add3A_19, %dma_wait3A_69] : memref<10240x128xf32, #tpu.memory_space<vmem_shared>> -> memref<80x128xf32, #tpu.memory_space<vmem_shared>>
      %dma_wait3A_71 = arith.constant 0 : i32
      %dma_wait3A_72 = tpu.memref_slice %arg10[%add3A_19, %dma_wait3A_71] : memref<10240x128xf32, #tpu.memory_space<vmem_shared>> -> memref<80x128xf32, #tpu.memory_space<vmem_shared>>
      tpu.wait_dma2 semaphore(%run_scoped3A_64 : memref<!tpu.dma_semaphore, #tpu.memory_space<semaphore_mem>>) src(%arg8 : memref<80x128xf32, #tpu.memory_space<vmem>>) dst(%dma_wait3A_72 : memref<80x128xf32, #tpu.memory_space<vmem_shared>>)
      tpu.yield
    }) : () -> ()
    %mul3A_20 = arith.constant 640 : i32
    %mul3A_21 = arith.muli %arg1, %mul3A_20 : i32
    %add3A_22 = arith.constant 240 : i32
    %add3A_23 = arith.addi %mul3A_21, %add3A_22 : i32
    "tpu.region"() ({
      %run_scoped3A_64 = tpu.sem_alloc : memref<!tpu.dma_semaphore, #tpu.memory_space<semaphore_mem>>
      %dma_start3A_65 = arith.constant 0 : i32
      %dma_start3A_66 = tpu.memref_slice %arg10[%add3A_23, %dma_start3A_65] : memref<10240x128xf32, #tpu.memory_space<vmem_shared>> -> memref<80x128xf32, #tpu.memory_space<vmem_shared>>
      %dma_start3A_67 = arith.constant 0 : i32
      %dma_start3A_68 = tpu.memref_slice %arg10[%add3A_23, %dma_start3A_67] : memref<10240x128xf32, #tpu.memory_space<vmem_shared>> -> memref<80x128xf32, #tpu.memory_space<vmem_shared>>
      tpu.enqueue_dma source(%arg8 : memref<80x128xf32, #tpu.memory_space<vmem>>) target(%dma_start3A_68 : memref<80x128xf32, #tpu.memory_space<vmem_shared>>) target_semaphore(%run_scoped3A_64 : memref<!tpu.dma_semaphore, #tpu.memory_space<semaphore_mem>>)
      %dma_wait3A_69 = arith.constant 0 : i32
      %dma_wait3A_70 = tpu.memref_slice %arg10[%add3A_23, %dma_wait3A_69] : memref<10240x128xf32, #tpu.memory_space<vmem_shared>> -> memref<80x128xf32, #tpu.memory_space<vmem_shared>>
      %dma_wait3A_71 = arith.constant 0 : i32
      %dma_wait3A_72 = tpu.memref_slice %arg10[%add3A_23, %dma_wait3A_71] : memref<10240x128xf32, #tpu.memory_space<vmem_shared>> -> memref<80x128xf32, #tpu.memory_space<vmem_shared>>
      tpu.wait_dma2 semaphore(%run_scoped3A_64 : memref<!tpu.dma_semaphore, #tpu.memory_space<semaphore_mem>>) src(%arg8 : memref<80x128xf32, #tpu.memory_space<vmem>>) dst(%dma_wait3A_72 : memref<80x128xf32, #tpu.memory_space<vmem_shared>>)
      tpu.yield
    }) : () -> ()
    %mul3A_24 = arith.constant 640 : i32
    %mul3A_25 = arith.muli %arg1, %mul3A_24 : i32
    %add3A_26 = arith.constant 320 : i32
    %add3A_27 = arith.addi %mul3A_25, %add3A_26 : i32
    "tpu.region"() ({
      %run_scoped3A_64 = tpu.sem_alloc : memref<!tpu.dma_semaphore, #tpu.memory_space<semaphore_mem>>
      %dma_start3A_65 = arith.constant 0 : i32
      %dma_start3A_66 = tpu.memref_slice %arg10[%add3A_27, %dma_start3A_65] : memref<10240x128xf32, #tpu.memory_space<vmem_shared>> -> memref<80x128xf32, #tpu.memory_space<vmem_shared>>
      %dma_start3A_67 = arith.constant 0 : i32
      %dma_start3A_68 = tpu.memref_slice %arg10[%add3A_27, %dma_start3A_67] : memref<10240x128xf32, #tpu.memory_space<vmem_shared>> -> memref<80x128xf32, #tpu.memory_space<vmem_shared>>
      tpu.enqueue_dma source(%arg8 : memref<80x128xf32, #tpu.memory_space<vmem>>) target(%dma_start3A_68 : memref<80x128xf32, #tpu.memory_space<vmem_shared>>) target_semaphore(%run_scoped3A_64 : memref<!tpu.dma_semaphore, #tpu.memory_space<semaphore_mem>>)
      %dma_wait3A_69 = arith.constant 0 : i32
      %dma_wait3A_70 = tpu.memref_slice %arg10[%add3A_27, %dma_wait3A_69] : memref<10240x128xf32, #tpu.memory_space<vmem_shared>> -> memref<80x128xf32, #tpu.memory_space<vmem_shared>>
      %dma_wait3A_71 = arith.constant 0 : i32
      %dma_wait3A_72 = tpu.memref_slice %arg10[%add3A_27, %dma_wait3A_71] : memref<10240x128xf32, #tpu.memory_space<vmem_shared>> -> memref<80x128xf32, #tpu.memory_space<vmem_shared>>
      tpu.wait_dma2 semaphore(%run_scoped3A_64 : memref<!tpu.dma_semaphore, #tpu.memory_space<semaphore_mem>>) src(%arg8 : memref<80x128xf32, #tpu.memory_space<vmem>>) dst(%dma_wait3A_72 : memref<80x128xf32, #tpu.memory_space<vmem_shared>>)
      tpu.yield
    }) : () -> ()
    %mul3A_28 = arith.constant 640 : i32
    %mul3A_29 = arith.muli %arg1, %mul3A_28 : i32
    %add3A_30 = arith.constant 400 : i32
    %add3A_31 = arith.addi %mul3A_29, %add3A_30 : i32
    "tpu.region"() ({
      %run_scoped3A_64 = tpu.sem_alloc : memref<!tpu.dma_semaphore, #tpu.memory_space<semaphore_mem>>
      %dma_start3A_65 = arith.constant 0 : i32
      %dma_start3A_66 = tpu.memref_slice %arg10[%add3A_31, %dma_start3A_65] : memref<10240x128xf32, #tpu.memory_space<vmem_shared>> -> memref<80x128xf32, #tpu.memory_space<vmem_shared>>
      %dma_start3A_67 = arith.constant 0 : i32
      %dma_start3A_68 = tpu.memref_slice %arg10[%add3A_31, %dma_start3A_67] : memref<10240x128xf32, #tpu.memory_space<vmem_shared>> -> memref<80x128xf32, #tpu.memory_space<vmem_shared>>
      tpu.enqueue_dma source(%arg8 : memref<80x128xf32, #tpu.memory_space<vmem>>) target(%dma_start3A_68 : memref<80x128xf32, #tpu.memory_space<vmem_shared>>) target_semaphore(%run_scoped3A_64 : memref<!tpu.dma_semaphore, #tpu.memory_space<semaphore_mem>>)
      %dma_wait3A_69 = arith.constant 0 : i32
      %dma_wait3A_70 = tpu.memref_slice %arg10[%add3A_31, %dma_wait3A_69] : memref<10240x128xf32, #tpu.memory_space<vmem_shared>> -> memref<80x128xf32, #tpu.memory_space<vmem_shared>>
      %dma_wait3A_71 = arith.constant 0 : i32
      %dma_wait3A_72 = tpu.memref_slice %arg10[%add3A_31, %dma_wait3A_71] : memref<10240x128xf32, #tpu.memory_space<vmem_shared>> -> memref<80x128xf32, #tpu.memory_space<vmem_shared>>
      tpu.wait_dma2 semaphore(%run_scoped3A_64 : memref<!tpu.dma_semaphore, #tpu.memory_space<semaphore_mem>>) src(%arg8 : memref<80x128xf32, #tpu.memory_space<vmem>>) dst(%dma_wait3A_72 : memref<80x128xf32, #tpu.memory_space<vmem_shared>>)
      tpu.yield
    }) : () -> ()
    %mul3A_32 = arith.constant 640 : i32
    %mul3A_33 = arith.muli %arg1, %mul3A_32 : i32
    %add3A_34 = arith.constant 480 : i32
    %add3A_35 = arith.addi %mul3A_33, %add3A_34 : i32
    "tpu.region"() ({
      %run_scoped3A_64 = tpu.sem_alloc : memref<!tpu.dma_semaphore, #tpu.memory_space<semaphore_mem>>
      %dma_start3A_65 = arith.constant 0 : i32
      %dma_start3A_66 = tpu.memref_slice %arg10[%add3A_35, %dma_start3A_65] : memref<10240x128xf32, #tpu.memory_space<vmem_shared>> -> memref<80x128xf32, #tpu.memory_space<vmem_shared>>
      %dma_start3A_67 = arith.constant 0 : i32
      %dma_start3A_68 = tpu.memref_slice %arg10[%add3A_35, %dma_start3A_67] : memref<10240x128xf32, #tpu.memory_space<vmem_shared>> -> memref<80x128xf32, #tpu.memory_space<vmem_shared>>
      tpu.enqueue_dma source(%arg8 : memref<80x128xf32, #tpu.memory_space<vmem>>) target(%dma_start3A_68 : memref<80x128xf32, #tpu.memory_space<vmem_shared>>) target_semaphore(%run_scoped3A_64 : memref<!tpu.dma_semaphore, #tpu.memory_space<semaphore_mem>>)
      %dma_wait3A_69 = arith.constant 0 : i32
      %dma_wait3A_70 = tpu.memref_slice %arg10[%add3A_35, %dma_wait3A_69] : memref<10240x128xf32, #tpu.memory_space<vmem_shared>> -> memref<80x128xf32, #tpu.memory_space<vmem_shared>>
      %dma_wait3A_71 = arith.constant 0 : i32
      %dma_wait3A_72 = tpu.memref_slice %arg10[%add3A_35, %dma_wait3A_71] : memref<10240x128xf32, #tpu.memory_space<vmem_shared>> -> memref<80x128xf32, #tpu.memory_space<vmem_shared>>
      tpu.wait_dma2 semaphore(%run_scoped3A_64 : memref<!tpu.dma_semaphore, #tpu.memory_space<semaphore_mem>>) src(%arg8 : memref<80x128xf32, #tpu.memory_space<vmem>>) dst(%dma_wait3A_72 : memref<80x128xf32, #tpu.memory_space<vmem_shared>>)
      tpu.yield
    }) : () -> ()
    %mul3A_36 = arith.constant 640 : i32
    %mul3A_37 = arith.muli %arg1, %mul3A_36 : i32
    %add3A_38 = arith.constant 560 : i32
    %add3A_39 = arith.addi %mul3A_37, %add3A_38 : i32
    "tpu.region"() ({
      %run_scoped3A_64 = tpu.sem_alloc : memref<!tpu.dma_semaphore, #tpu.memory_space<semaphore_mem>>
      %dma_start3A_65 = arith.constant 0 : i32
      %dma_start3A_66 = tpu.memref_slice %arg10[%add3A_39, %dma_start3A_65] : memref<10240x128xf32, #tpu.memory_space<vmem_shared>> -> memref<80x128xf32, #tpu.memory_space<vmem_shared>>
      %dma_start3A_67 = arith.constant 0 : i32
      %dma_start3A_68 = tpu.memref_slice %arg10[%add3A_39, %dma_start3A_67] : memref<10240x128xf32, #tpu.memory_space<vmem_shared>> -> memref<80x128xf32, #tpu.memory_space<vmem_shared>>
      tpu.enqueue_dma source(%arg8 : memref<80x128xf32, #tpu.memory_space<vmem>>) target(%dma_start3A_68 : memref<80x128xf32, #tpu.memory_space<vmem_shared>>) target_semaphore(%run_scoped3A_64 : memref<!tpu.dma_semaphore, #tpu.memory_space<semaphore_mem>>)
      %dma_wait3A_69 = arith.constant 0 : i32
      %dma_wait3A_70 = tpu.memref_slice %arg10[%add3A_39, %dma_wait3A_69] : memref<10240x128xf32, #tpu.memory_space<vmem_shared>> -> memref<80x128xf32, #tpu.memory_space<vmem_shared>>
      %dma_wait3A_71 = arith.constant 0 : i32
      %dma_wait3A_72 = tpu.memref_slice %arg10[%add3A_39, %dma_wait3A_71] : memref<10240x128xf32, #tpu.memory_space<vmem_shared>> -> memref<80x128xf32, #tpu.memory_space<vmem_shared>>
      tpu.wait_dma2 semaphore(%run_scoped3A_64 : memref<!tpu.dma_semaphore, #tpu.memory_space<semaphore_mem>>) src(%arg8 : memref<80x128xf32, #tpu.memory_space<vmem>>) dst(%dma_wait3A_72 : memref<80x128xf32, #tpu.memory_space<vmem_shared>>)
      tpu.yield
    }) : () -> ()
    %barrier3A = arith.constant 0 : index
    tpu.barrier barrier_id(%barrier3A)
    %dma_start3A = arith.constant 0 : i32
    %dma_start3A_40 = arith.constant 0 : i32
    %dma_start3A_41 = tpu.memref_slice %arg6[%dma_start3A, %dma_start3A_40] : memref<125x80xi32, #tpu.memory_space<vmem>> -> memref<1x80xi32, #tpu.memory_space<vmem>>
    %dma_start3A_42 = tpu.memref_squeeze %dma_start3A_41 : memref<1x80xi32, #tpu.memory_space<vmem>> -> memref<80xi32, #tpu.memory_space<vmem>>
    %dma_start3A_43 = arith.constant 0 : i32
    %dma_start3A_44 = arith.constant 0 : i32
    %dma_start3A_45 = tpu.memref_slice %arg2[%dma_start3A_43, %dma_start3A_44] : memref<10240x128xf32, #tpu.memory_space<hbm>> -> memref<10240x128xf32, #tpu.memory_space<hbm>>
    tpu.enqueue_indirect_dma source(%dma_start3A_45 : memref<10240x128xf32, #tpu.memory_space<hbm>>) target(%arg8 : memref<80x128xf32, #tpu.memory_space<vmem>>) offsets(%dma_start3A_42 : memref<80xi32, #tpu.memory_space<vmem>>) semaphore(%arg11 : memref<!tpu.dma_semaphore, #tpu.memory_space<semaphore_mem>>)
    %scan3A_46 = arith.constant 0 : i32
    %scan3A_47 = arith.constant 0 : i32
    %scan3A_48 = arith.constant 62 : i32
    %scan3A_49 = arith.addi %scan3A_47, %scan3A_48 : i32
    %scan3A_50 = arith.constant 1 : i32
    %scan3A_51 = scf.for %scan3A_64 = %scan3A_47 to %scan3A_49 step %scan3A_50 iter_args(%scan3A_65 = %scan3A_46) -> (i32)  : i32 {
      %mul3A_66 = arith.constant 2 : i32
      %mul3A_67 = arith.muli %mul3A_66, %scan3A_64 : i32
      %add3A_68 = arith.constant 1 : i32
      %add3A_69 = arith.addi %mul3A_67, %add3A_68 : i32
      %dma_start3A_70 = arith.constant 0 : i32
      %dma_start3A_71 = tpu.memref_slice %arg6[%add3A_69, %dma_start3A_70] : memref<125x80xi32, #tpu.memory_space<vmem>> -> memref<1x80xi32, #tpu.memory_space<vmem>>
      %dma_start3A_72 = tpu.memref_squeeze %dma_start3A_71 : memref<1x80xi32, #tpu.memory_space<vmem>> -> memref<80xi32, #tpu.memory_space<vmem>>
      %dma_start3A_73 = arith.constant 0 : i32
      %dma_start3A_74 = arith.constant 0 : i32
      %dma_start3A_75 = tpu.memref_slice %arg2[%dma_start3A_73, %dma_start3A_74] : memref<10240x128xf32, #tpu.memory_space<hbm>> -> memref<10240x128xf32, #tpu.memory_space<hbm>>
      tpu.enqueue_indirect_dma source(%dma_start3A_75 : memref<10240x128xf32, #tpu.memory_space<hbm>>) target(%arg9 : memref<80x128xf32, #tpu.memory_space<vmem>>) offsets(%dma_start3A_72 : memref<80xi32, #tpu.memory_space<vmem>>) semaphore(%arg12 : memref<!tpu.dma_semaphore, #tpu.memory_space<semaphore_mem>>)
      %dma_wait3A_76 = arith.constant 0 : i32
      %dma_wait3A_77 = tpu.memref_slice %arg6[%mul3A_67, %dma_wait3A_76] : memref<125x80xi32, #tpu.memory_space<vmem>> -> memref<1x80xi32, #tpu.memory_space<vmem>>
      %dma_wait3A_78 = tpu.memref_squeeze %dma_wait3A_77 : memref<1x80xi32, #tpu.memory_space<vmem>> -> memref<80xi32, #tpu.memory_space<vmem>>
      %dma_wait3A_79 = arith.constant 0 : i32
      %dma_wait3A_80 = arith.constant 0 : i32
      %dma_wait3A_81 = tpu.memref_slice %arg2[%dma_wait3A_79, %dma_wait3A_80] : memref<10240x128xf32, #tpu.memory_space<hbm>> -> memref<10240x128xf32, #tpu.memory_space<hbm>>
      tpu.wait_indirect_dma semaphore(%arg11 : memref<!tpu.dma_semaphore, #tpu.memory_space<semaphore_mem>>) src(%dma_wait3A_81 : memref<10240x128xf32, #tpu.memory_space<hbm>>) dst(%arg8 : memref<80x128xf32, #tpu.memory_space<vmem>>)
      "tpu.region"() ({
        %run_scoped3A_101 = tpu.sem_alloc : memref<!tpu.dma_semaphore, #tpu.memory_space<semaphore_mem>>
        %dma_start3A_102 = arith.constant 0 : i32
        %dma_start3A_103 = tpu.memref_slice %arg7[%mul3A_67, %dma_start3A_102] : memref<125x80xi32, #tpu.memory_space<vmem>> -> memref<1x80xi32, #tpu.memory_space<vmem>>
        %dma_start3A_104 = tpu.memref_squeeze %dma_start3A_103 : memref<1x80xi32, #tpu.memory_space<vmem>> -> memref<80xi32, #tpu.memory_space<vmem>>
        %dma_start3A_105 = arith.constant 0 : i32
        %dma_start3A_106 = arith.constant 0 : i32
        %dma_start3A_107 = tpu.memref_slice %arg10[%dma_start3A_105, %dma_start3A_106] : memref<10240x128xf32, #tpu.memory_space<vmem_shared>> -> memref<10240x128xf32, #tpu.memory_space<vmem_shared>>
        tpu.enqueue_indirect_dma source(%arg8 : memref<80x128xf32, #tpu.memory_space<vmem>>) target(%dma_start3A_107 : memref<10240x128xf32, #tpu.memory_space<vmem_shared>>) offsets(%dma_start3A_104 : memref<80xi32, #tpu.memory_space<vmem>>) semaphore(%run_scoped3A_101 : memref<!tpu.dma_semaphore, #tpu.memory_space<semaphore_mem>>) {add = true}
        %dma_wait3A_108 = arith.constant 0 : i32
        %dma_wait3A_109 = tpu.memref_slice %arg7[%mul3A_67, %dma_wait3A_108] : memref<125x80xi32, #tpu.memory_space<vmem>> -> memref<1x80xi32, #tpu.memory_space<vmem>>
        %dma_wait3A_110 = tpu.memref_squeeze %dma_wait3A_109 : memref<1x80xi32, #tpu.memory_space<vmem>> -> memref<80xi32, #tpu.memory_space<vmem>>
        %dma_wait3A_111 = arith.constant 0 : i32
        %dma_wait3A_112 = arith.constant 0 : i32
        %dma_wait3A_113 = tpu.memref_slice %arg10[%dma_wait3A_111, %dma_wait3A_112] : memref<10240x128xf32, #tpu.memory_space<vmem_shared>> -> memref<10240x128xf32, #tpu.memory_space<vmem_shared>>
        tpu.wait_indirect_dma semaphore(%run_scoped3A_101 : memref<!tpu.dma_semaphore, #tpu.memory_space<semaphore_mem>>) src(%arg8 : memref<80x128xf32, #tpu.memory_space<vmem>>) dst(%dma_wait3A_113 : memref<10240x128xf32, #tpu.memory_space<vmem_shared>>)
        tpu.yield
      }) : () -> ()
      %add3A_82 = arith.constant 2 : i32
      %add3A_83 = arith.addi %mul3A_67, %add3A_82 : i32
      %dma_start3A_84 = arith.constant 0 : i32
      %dma_start3A_85 = tpu.memref_slice %arg6[%add3A_83, %dma_start3A_84] : memref<125x80xi32, #tpu.memory_space<vmem>> -> memref<1x80xi32, #tpu.memory_space<vmem>>
      %dma_start3A_86 = tpu.memref_squeeze %dma_start3A_85 : memref<1x80xi32, #tpu.memory_space<vmem>> -> memref<80xi32, #tpu.memory_space<vmem>>
      %dma_start3A_87 = arith.constant 0 : i32
      %dma_start3A_88 = arith.constant 0 : i32
      %dma_start3A_89 = tpu.memref_slice %arg2[%dma_start3A_87, %dma_start3A_88] : memref<10240x128xf32, #tpu.memory_space<hbm>> -> memref<10240x128xf32, #tpu.memory_space<hbm>>
      tpu.enqueue_indirect_dma source(%dma_start3A_89 : memref<10240x128xf32, #tpu.memory_space<hbm>>) target(%arg8 : memref<80x128xf32, #tpu.memory_space<vmem>>) offsets(%dma_start3A_86 : memref<80xi32, #tpu.memory_space<vmem>>) semaphore(%arg11 : memref<!tpu.dma_semaphore, #tpu.memory_space<semaphore_mem>>)
      %add3A_90 = arith.constant 1 : i32
      %add3A_91 = arith.addi %mul3A_67, %add3A_90 : i32
      %dma_wait3A_92 = arith.constant 0 : i32
      %dma_wait3A_93 = tpu.memref_slice %arg6[%add3A_91, %dma_wait3A_92] : memref<125x80xi32, #tpu.memory_space<vmem>> -> memref<1x80xi32, #tpu.memory_space<vmem>>
      %dma_wait3A_94 = tpu.memref_squeeze %dma_wait3A_93 : memref<1x80xi32, #tpu.memory_space<vmem>> -> memref<80xi32, #tpu.memory_space<vmem>>
      %dma_wait3A_95 = arith.constant 0 : i32
      %dma_wait3A_96 = arith.constant 0 : i32
      %dma_wait3A_97 = tpu.memref_slice %arg2[%dma_wait3A_95, %dma_wait3A_96] : memref<10240x128xf32, #tpu.memory_space<hbm>> -> memref<10240x128xf32, #tpu.memory_space<hbm>>
      tpu.wait_indirect_dma semaphore(%arg12 : memref<!tpu.dma_semaphore, #tpu.memory_space<semaphore_mem>>) src(%dma_wait3A_97 : memref<10240x128xf32, #tpu.memory_space<hbm>>) dst(%arg9 : memref<80x128xf32, #tpu.memory_space<vmem>>)
      %add3A_98 = arith.constant 1 : i32
      %add3A_99 = arith.addi %mul3A_67, %add3A_98 : i32
      "tpu.region"() ({
        %run_scoped3A_101 = tpu.sem_alloc : memref<!tpu.dma_semaphore, #tpu.memory_space<semaphore_mem>>
        %dma_start3A_102 = arith.constant 0 : i32
        %dma_start3A_103 = tpu.memref_slice %arg7[%add3A_99, %dma_start3A_102] : memref<125x80xi32, #tpu.memory_space<vmem>> -> memref<1x80xi32, #tpu.memory_space<vmem>>
        %dma_start3A_104 = tpu.memref_squeeze %dma_start3A_103 : memref<1x80xi32, #tpu.memory_space<vmem>> -> memref<80xi32, #tpu.memory_space<vmem>>
        %dma_start3A_105 = arith.constant 0 : i32
        %dma_start3A_106 = arith.constant 0 : i32
        %dma_start3A_107 = tpu.memref_slice %arg10[%dma_start3A_105, %dma_start3A_106] : memref<10240x128xf32, #tpu.memory_space<vmem_shared>> -> memref<10240x128xf32, #tpu.memory_space<vmem_shared>>
        tpu.enqueue_indirect_dma source(%arg9 : memref<80x128xf32, #tpu.memory_space<vmem>>) target(%dma_start3A_107 : memref<10240x128xf32, #tpu.memory_space<vmem_shared>>) offsets(%dma_start3A_104 : memref<80xi32, #tpu.memory_space<vmem>>) semaphore(%run_scoped3A_101 : memref<!tpu.dma_semaphore, #tpu.memory_space<semaphore_mem>>) {add = true}
        %dma_wait3A_108 = arith.constant 0 : i32
        %dma_wait3A_109 = tpu.memref_slice %arg7[%add3A_99, %dma_wait3A_108] : memref<125x80xi32, #tpu.memory_space<vmem>> -> memref<1x80xi32, #tpu.memory_space<vmem>>
        %dma_wait3A_110 = tpu.memref_squeeze %dma_wait3A_109 : memref<1x80xi32, #tpu.memory_space<vmem>> -> memref<80xi32, #tpu.memory_space<vmem>>
        %dma_wait3A_111 = arith.constant 0 : i32
        %dma_wait3A_112 = arith.constant 0 : i32
        %dma_wait3A_113 = tpu.memref_slice %arg10[%dma_wait3A_111, %dma_wait3A_112] : memref<10240x128xf32, #tpu.memory_space<vmem_shared>> -> memref<10240x128xf32, #tpu.memory_space<vmem_shared>>
        tpu.wait_indirect_dma semaphore(%run_scoped3A_101 : memref<!tpu.dma_semaphore, #tpu.memory_space<semaphore_mem>>) src(%arg9 : memref<80x128xf32, #tpu.memory_space<vmem>>) dst(%dma_wait3A_113 : memref<10240x128xf32, #tpu.memory_space<vmem_shared>>)
        tpu.yield
      }) : () -> ()
      %scan3A_100 = arith.constant 0 : i32
      scf.yield %scan3A_100 : i32
    }
    %scan3A_52 = arith.constant 62 : i32
    %dma_wait3A = arith.constant 124 : i32
    %dma_wait3A_53 = arith.constant 0 : i32
    %dma_wait3A_54 = tpu.memref_slice %arg6[%dma_wait3A, %dma_wait3A_53] : memref<125x80xi32, #tpu.memory_space<vmem>> -> memref<1x80xi32, #tpu.memory_space<vmem>>
    %dma_wait3A_55 = tpu.memref_squeeze %dma_wait3A_54 : memref<1x80xi32, #tpu.memory_space<vmem>> -> memref<80xi32, #tpu.memory_space<vmem>>
    %dma_wait3A_56 = arith.constant 0 : i32
    %dma_wait3A_57 = arith.constant 0 : i32
    %dma_wait3A_58 = tpu.memref_slice %arg2[%dma_wait3A_56, %dma_wait3A_57] : memref<10240x128xf32, #tpu.memory_space<hbm>> -> memref<10240x128xf32, #tpu.memory_space<hbm>>
    tpu.wait_indirect_dma semaphore(%arg11 : memref<!tpu.dma_semaphore, #tpu.memory_space<semaphore_mem>>) src(%dma_wait3A_58 : memref<10240x128xf32, #tpu.memory_space<hbm>>) dst(%arg8 : memref<80x128xf32, #tpu.memory_space<vmem>>)
    %run_scoped3A = arith.constant 124 : i32
    "tpu.region"() ({
      %run_scoped3A_64 = tpu.sem_alloc : memref<!tpu.dma_semaphore, #tpu.memory_space<semaphore_mem>>
      %dma_start3A_65 = arith.constant 0 : i32
      %dma_start3A_66 = tpu.memref_slice %arg7[%run_scoped3A, %dma_start3A_65] : memref<125x80xi32, #tpu.memory_space<vmem>> -> memref<1x80xi32, #tpu.memory_space<vmem>>
      %dma_start3A_67 = tpu.memref_squeeze %dma_start3A_66 : memref<1x80xi32, #tpu.memory_space<vmem>> -> memref<80xi32, #tpu.memory_space<vmem>>
      %dma_start3A_68 = arith.constant 0 : i32
      %dma_start3A_69 = arith.constant 0 : i32
      %dma_start3A_70 = tpu.memref_slice %arg10[%dma_start3A_68, %dma_start3A_69] : memref<10240x128xf32, #tpu.memory_space<vmem_shared>> -> memref<10240x128xf32, #tpu.memory_space<vmem_shared>>
      tpu.enqueue_indirect_dma source(%arg8 : memref<80x128xf32, #tpu.memory_space<vmem>>) target(%dma_start3A_70 : memref<10240x128xf32, #tpu.memory_space<vmem_shared>>) offsets(%dma_start3A_67 : memref<80xi32, #tpu.memory_space<vmem>>) semaphore(%run_scoped3A_64 : memref<!tpu.dma_semaphore, #tpu.memory_space<semaphore_mem>>) {add = true}
      %dma_wait3A_71 = arith.constant 0 : i32
      %dma_wait3A_72 = tpu.memref_slice %arg7[%run_scoped3A, %dma_wait3A_71] : memref<125x80xi32, #tpu.memory_space<vmem>> -> memref<1x80xi32, #tpu.memory_space<vmem>>
      %dma_wait3A_73 = tpu.memref_squeeze %dma_wait3A_72 : memref<1x80xi32, #tpu.memory_space<vmem>> -> memref<80xi32, #tpu.memory_space<vmem>>
      %dma_wait3A_74 = arith.constant 0 : i32
      %dma_wait3A_75 = arith.constant 0 : i32
      %dma_wait3A_76 = tpu.memref_slice %arg10[%dma_wait3A_74, %dma_wait3A_75] : memref<10240x128xf32, #tpu.memory_space<vmem_shared>> -> memref<10240x128xf32, #tpu.memory_space<vmem_shared>>
      tpu.wait_indirect_dma semaphore(%run_scoped3A_64 : memref<!tpu.dma_semaphore, #tpu.memory_space<semaphore_mem>>) src(%arg8 : memref<80x128xf32, #tpu.memory_space<vmem>>) dst(%dma_wait3A_76 : memref<10240x128xf32, #tpu.memory_space<vmem_shared>>)
      tpu.yield
    }) : () -> ()
    %barrier3A_59 = arith.constant 0 : index
    tpu.barrier barrier_id(%barrier3A_59)
    %mul3A_60 = arith.constant 640 : i32
    %mul3A_61 = arith.muli %arg1, %mul3A_60 : i32
    %mul3A_62 = arith.constant 640 : i32
    %mul3A_63 = arith.muli %arg1, %mul3A_62 : i32
    "tpu.region"() ({
      %run_scoped3A_64 = tpu.sem_alloc : memref<!tpu.dma_semaphore, #tpu.memory_space<semaphore_mem>>
      %dma_start3A_65 = arith.constant 0 : i32
      %dma_start3A_66 = tpu.memref_slice %arg5[%arg0, %mul3A_63, %dma_start3A_65] : memref<2x10240x128xf32, #tpu.memory_space<hbm>> -> memref<1x640x128xf32, #tpu.memory_space<hbm>>
      %dma_start3A_67 = tpu.memref_squeeze %dma_start3A_66 : memref<1x640x128xf32, #tpu.memory_space<hbm>> -> memref<640x128xf32, #tpu.memory_space<hbm>>
      %dma_start3A_68 = arith.constant 0 : i32
      %dma_start3A_69 = tpu.memref_slice %arg10[%mul3A_61, %dma_start3A_68] : memref<10240x128xf32, #tpu.memory_space<vmem_shared>> -> memref<640x128xf32, #tpu.memory_space<vmem_shared>>
      tpu.enqueue_dma source(%dma_start3A_69 : memref<640x128xf32, #tpu.memory_space<vmem_shared>>) target(%dma_start3A_67 : memref<640x128xf32, #tpu.memory_space<hbm>>) target_semaphore(%run_scoped3A_64 : memref<!tpu.dma_semaphore, #tpu.memory_space<semaphore_mem>>)
      %dma_wait3A_70 = arith.constant 0 : i32
      %dma_wait3A_71 = tpu.memref_slice %arg5[%arg0, %mul3A_63, %dma_wait3A_70] : memref<2x10240x128xf32, #tpu.memory_space<hbm>> -> memref<1x640x128xf32, #tpu.memory_space<hbm>>
      %dma_wait3A_72 = tpu.memref_squeeze %dma_wait3A_71 : memref<1x640x128xf32, #tpu.memory_space<hbm>> -> memref<640x128xf32, #tpu.memory_space<hbm>>
      %dma_wait3A_73 = arith.constant 0 : i32
      %dma_wait3A_74 = tpu.memref_slice %arg10[%mul3A_61, %dma_wait3A_73] : memref<10240x128xf32, #tpu.memory_space<vmem_shared>> -> memref<640x128xf32, #tpu.memory_space<vmem_shared>>
      tpu.wait_dma2 semaphore(%run_scoped3A_64 : memref<!tpu.dma_semaphore, #tpu.memory_space<semaphore_mem>>) src(%dma_wait3A_74 : memref<640x128xf32, #tpu.memory_space<vmem_shared>>) dst(%dma_wait3A_72 : memref<640x128xf32, #tpu.memory_space<hbm>>)
      tpu.yield
    }) : () -> ()
    return
  }
}

#map = affine_map<(d0, d1) -> (0, 0)>
#map1 = affine_map<(d0, d1) -> (0, 0, 0)>
module attributes {stable_mosaic.version = 14 : i64} {
  func.func @_prop(%arg0: i32, %arg1: i32, %arg2: memref<10240x64xf32, #tpu.memory_space<hbm>>, %arg3: memref<32x125x80xi32, #tpu.memory_space<hbm>>, %arg4: memref<32x125x80xi32, #tpu.memory_space<hbm>>, %arg5: memref<2x10240x64xf32, #tpu.memory_space<hbm>>, %arg6: memref<125x80xi32, #tpu.memory_space<vmem>>, %arg7: memref<125x80xi32, #tpu.memory_space<vmem>>, %arg8: memref<80x64xf32, #tpu.memory_space<vmem>>, %arg9: memref<80x64xf32, #tpu.memory_space<vmem>>, %arg10: memref<10240x64xf32, #tpu.memory_space<vmem_shared>>, %arg11: memref<!tpu.dma_semaphore, #tpu.memory_space<semaphore_mem>>, %arg12: memref<!tpu.dma_semaphore, #tpu.memory_space<semaphore_mem>>) attributes {dimension_semantics = [#tpu.dimension_semantics<core_parallel>, #tpu.dimension_semantics<subcore_parallel>], iteration_bounds = array<i64: 2, 16>, scalar_prefetch = 0 : i64, scratch_operands = 7 : i64, tpu.core_type = #tpu.core_type<sc_vector_subcore>, window_params = [{transform_indices = #map}, {transform_indices = #map1}, {transform_indices = #map1}, {transform_indices = #map1}]} {
    %mul3A = arith.constant 2 : i32
    %mul3A_0 = arith.muli %arg1, %mul3A : i32
    %add3A = arith.addi %mul3A_0, %arg0 : i32
    "tpu.region"() ({
      %run_scoped3A_64 = tpu.sem_alloc : memref<!tpu.dma_semaphore, #tpu.memory_space<semaphore_mem>>
      %dma_start3A_65 = arith.constant 0 : i32
      %dma_start3A_66 = arith.constant 0 : i32
      %dma_start3A_67 = tpu.memref_slice %arg3[%add3A, %dma_start3A_65, %dma_start3A_66] : memref<32x125x80xi32, #tpu.memory_space<hbm>> -> memref<1x125x80xi32, #tpu.memory_space<hbm>>
      %dma_start3A_68 = tpu.memref_squeeze %dma_start3A_67 : memref<1x125x80xi32, #tpu.memory_space<hbm>> -> memref<125x80xi32, #tpu.memory_space<hbm>>
      %dma_start3A_69 = arith.constant 0 : i32
      %dma_start3A_70 = arith.constant 0 : i32
      %dma_start3A_71 = tpu.memref_slice %arg3[%add3A, %dma_start3A_69, %dma_start3A_70] : memref<32x125x80xi32, #tpu.memory_space<hbm>> -> memref<1x125x80xi32, #tpu.memory_space<hbm>>
      %dma_start3A_72 = tpu.memref_squeeze %dma_start3A_71 : memref<1x125x80xi32, #tpu.memory_space<hbm>> -> memref<125x80xi32, #tpu.memory_space<hbm>>
      tpu.enqueue_dma source(%dma_start3A_72 : memref<125x80xi32, #tpu.memory_space<hbm>>) target(%arg6 : memref<125x80xi32, #tpu.memory_space<vmem>>) target_semaphore(%run_scoped3A_64 : memref<!tpu.dma_semaphore, #tpu.memory_space<semaphore_mem>>)
      %dma_wait3A_73 = arith.constant 0 : i32
      %dma_wait3A_74 = arith.constant 0 : i32
      %dma_wait3A_75 = tpu.memref_slice %arg3[%add3A, %dma_wait3A_73, %dma_wait3A_74] : memref<32x125x80xi32, #tpu.memory_space<hbm>> -> memref<1x125x80xi32, #tpu.memory_space<hbm>>
      %dma_wait3A_76 = tpu.memref_squeeze %dma_wait3A_75 : memref<1x125x80xi32, #tpu.memory_space<hbm>> -> memref<125x80xi32, #tpu.memory_space<hbm>>
      %dma_wait3A_77 = arith.constant 0 : i32
      %dma_wait3A_78 = arith.constant 0 : i32
      %dma_wait3A_79 = tpu.memref_slice %arg3[%add3A, %dma_wait3A_77, %dma_wait3A_78] : memref<32x125x80xi32, #tpu.memory_space<hbm>> -> memref<1x125x80xi32, #tpu.memory_space<hbm>>
      %dma_wait3A_80 = tpu.memref_squeeze %dma_wait3A_79 : memref<1x125x80xi32, #tpu.memory_space<hbm>> -> memref<125x80xi32, #tpu.memory_space<hbm>>
      tpu.wait_dma2 semaphore(%run_scoped3A_64 : memref<!tpu.dma_semaphore, #tpu.memory_space<semaphore_mem>>) src(%dma_wait3A_80 : memref<125x80xi32, #tpu.memory_space<hbm>>) dst(%arg6 : memref<125x80xi32, #tpu.memory_space<vmem>>)
      tpu.yield
    }) : () -> ()
    "tpu.region"() ({
      %run_scoped3A_64 = tpu.sem_alloc : memref<!tpu.dma_semaphore, #tpu.memory_space<semaphore_mem>>
      %dma_start3A_65 = arith.constant 0 : i32
      %dma_start3A_66 = arith.constant 0 : i32
      %dma_start3A_67 = tpu.memref_slice %arg4[%add3A, %dma_start3A_65, %dma_start3A_66] : memref<32x125x80xi32, #tpu.memory_space<hbm>> -> memref<1x125x80xi32, #tpu.memory_space<hbm>>
      %dma_start3A_68 = tpu.memref_squeeze %dma_start3A_67 : memref<1x125x80xi32, #tpu.memory_space<hbm>> -> memref<125x80xi32, #tpu.memory_space<hbm>>
      %dma_start3A_69 = arith.constant 0 : i32
      %dma_start3A_70 = arith.constant 0 : i32
      %dma_start3A_71 = tpu.memref_slice %arg4[%add3A, %dma_start3A_69, %dma_start3A_70] : memref<32x125x80xi32, #tpu.memory_space<hbm>> -> memref<1x125x80xi32, #tpu.memory_space<hbm>>
      %dma_start3A_72 = tpu.memref_squeeze %dma_start3A_71 : memref<1x125x80xi32, #tpu.memory_space<hbm>> -> memref<125x80xi32, #tpu.memory_space<hbm>>
      tpu.enqueue_dma source(%dma_start3A_72 : memref<125x80xi32, #tpu.memory_space<hbm>>) target(%arg7 : memref<125x80xi32, #tpu.memory_space<vmem>>) target_semaphore(%run_scoped3A_64 : memref<!tpu.dma_semaphore, #tpu.memory_space<semaphore_mem>>)
      %dma_wait3A_73 = arith.constant 0 : i32
      %dma_wait3A_74 = arith.constant 0 : i32
      %dma_wait3A_75 = tpu.memref_slice %arg4[%add3A, %dma_wait3A_73, %dma_wait3A_74] : memref<32x125x80xi32, #tpu.memory_space<hbm>> -> memref<1x125x80xi32, #tpu.memory_space<hbm>>
      %dma_wait3A_76 = tpu.memref_squeeze %dma_wait3A_75 : memref<1x125x80xi32, #tpu.memory_space<hbm>> -> memref<125x80xi32, #tpu.memory_space<hbm>>
      %dma_wait3A_77 = arith.constant 0 : i32
      %dma_wait3A_78 = arith.constant 0 : i32
      %dma_wait3A_79 = tpu.memref_slice %arg4[%add3A, %dma_wait3A_77, %dma_wait3A_78] : memref<32x125x80xi32, #tpu.memory_space<hbm>> -> memref<1x125x80xi32, #tpu.memory_space<hbm>>
      %dma_wait3A_80 = tpu.memref_squeeze %dma_wait3A_79 : memref<1x125x80xi32, #tpu.memory_space<hbm>> -> memref<125x80xi32, #tpu.memory_space<hbm>>
      tpu.wait_dma2 semaphore(%run_scoped3A_64 : memref<!tpu.dma_semaphore, #tpu.memory_space<semaphore_mem>>) src(%dma_wait3A_80 : memref<125x80xi32, #tpu.memory_space<hbm>>) dst(%arg7 : memref<125x80xi32, #tpu.memory_space<vmem>>)
      tpu.yield
    }) : () -> ()
    %broadcast_in_dim3A = arith.constant 0.000000e+00 : f32
    %broadcast_in_dim3A_1 = vector.broadcast %broadcast_in_dim3A : f32 to vector<16xf32>
    %scan3A = arith.constant 0 : i32
    %scan3A_2 = arith.constant 0 : i32
    %scan3A_3 = arith.constant 80 : i32
    %scan3A_4 = arith.addi %scan3A_2, %scan3A_3 : i32
    %scan3A_5 = arith.constant 1 : i32
    %scan3A_6 = scf.for %scan3A_64 = %scan3A_2 to %scan3A_4 step %scan3A_5 iter_args(%scan3A_65 = %scan3A) -> (i32)  : i32 {
      %swap3A = arith.index_cast %scan3A_64 : i32 to index
      %swap3A_66 = arith.constant 0 : index
      %swap3A_67 = tpu.vector_load %arg8[%swap3A, %swap3A_66] {strides = array<i32>} : memref<80x64xf32, #tpu.memory_space<vmem>>, vector<1x16xf32>,
      %swap3A_68 = vector.shape_cast %swap3A_67 : vector<1x16xf32> to vector<16xf32>
      %swap3A_69 = vector.shape_cast %broadcast_in_dim3A_1 : vector<16xf32> to vector<1x16xf32>
      tpu.vector_store %arg8[%swap3A, %swap3A_66], %swap3A_69 {strides = array<i32>} : memref<80x64xf32, #tpu.memory_space<vmem>>, vector<1x16xf32>,
      %swap3A_70 = arith.index_cast %scan3A_64 : i32 to index
      %swap3A_71 = arith.constant 16 : index
      %swap3A_72 = tpu.vector_load %arg8[%swap3A_70, %swap3A_71] {strides = array<i32>} : memref<80x64xf32, #tpu.memory_space<vmem>>, vector<1x16xf32>,
      %swap3A_73 = vector.shape_cast %swap3A_72 : vector<1x16xf32> to vector<16xf32>
      %swap3A_74 = vector.shape_cast %broadcast_in_dim3A_1 : vector<16xf32> to vector<1x16xf32>
      tpu.vector_store %arg8[%swap3A_70, %swap3A_71], %swap3A_74 {strides = array<i32>} : memref<80x64xf32, #tpu.memory_space<vmem>>, vector<1x16xf32>,
      %swap3A_75 = arith.index_cast %scan3A_64 : i32 to index
      %swap3A_76 = arith.constant 32 : index
      %swap3A_77 = tpu.vector_load %arg8[%swap3A_75, %swap3A_76] {strides = array<i32>} : memref<80x64xf32, #tpu.memory_space<vmem>>, vector<1x16xf32>,
      %swap3A_78 = vector.shape_cast %swap3A_77 : vector<1x16xf32> to vector<16xf32>
      %swap3A_79 = vector.shape_cast %broadcast_in_dim3A_1 : vector<16xf32> to vector<1x16xf32>
      tpu.vector_store %arg8[%swap3A_75, %swap3A_76], %swap3A_79 {strides = array<i32>} : memref<80x64xf32, #tpu.memory_space<vmem>>, vector<1x16xf32>,
      %swap3A_80 = arith.index_cast %scan3A_64 : i32 to index
      %swap3A_81 = arith.constant 48 : index
      %swap3A_82 = tpu.vector_load %arg8[%swap3A_80, %swap3A_81] {strides = array<i32>} : memref<80x64xf32, #tpu.memory_space<vmem>>, vector<1x16xf32>,
      %swap3A_83 = vector.shape_cast %swap3A_82 : vector<1x16xf32> to vector<16xf32>
      %swap3A_84 = vector.shape_cast %broadcast_in_dim3A_1 : vector<16xf32> to vector<1x16xf32>
      tpu.vector_store %arg8[%swap3A_80, %swap3A_81], %swap3A_84 {strides = array<i32>} : memref<80x64xf32, #tpu.memory_space<vmem>>, vector<1x16xf32>,
      %scan3A_85 = arith.constant 0 : i32
      scf.yield %scan3A_85 : i32
    }
    %scan3A_7 = arith.constant 80 : i32
    %mul3A_8 = arith.constant 640 : i32
    %mul3A_9 = arith.muli %arg1, %mul3A_8 : i32
    %add3A_10 = arith.constant 0 : i32
    %add3A_11 = arith.addi %mul3A_9, %add3A_10 : i32
    "tpu.region"() ({
      %run_scoped3A_64 = tpu.sem_alloc : memref<!tpu.dma_semaphore, #tpu.memory_space<semaphore_mem>>
      %dma_start3A_65 = arith.constant 0 : i32
      %dma_start3A_66 = tpu.memref_slice %arg10[%add3A_11, %dma_start3A_65] : memref<10240x64xf32, #tpu.memory_space<vmem_shared>> -> memref<80x64xf32, #tpu.memory_space<vmem_shared>>
      %dma_start3A_67 = arith.constant 0 : i32
      %dma_start3A_68 = tpu.memref_slice %arg10[%add3A_11, %dma_start3A_67] : memref<10240x64xf32, #tpu.memory_space<vmem_shared>> -> memref<80x64xf32, #tpu.memory_space<vmem_shared>>
      tpu.enqueue_dma source(%arg8 : memref<80x64xf32, #tpu.memory_space<vmem>>) target(%dma_start3A_68 : memref<80x64xf32, #tpu.memory_space<vmem_shared>>) target_semaphore(%run_scoped3A_64 : memref<!tpu.dma_semaphore, #tpu.memory_space<semaphore_mem>>)
      %dma_wait3A_69 = arith.constant 0 : i32
      %dma_wait3A_70 = tpu.memref_slice %arg10[%add3A_11, %dma_wait3A_69] : memref<10240x64xf32, #tpu.memory_space<vmem_shared>> -> memref<80x64xf32, #tpu.memory_space<vmem_shared>>
      %dma_wait3A_71 = arith.constant 0 : i32
      %dma_wait3A_72 = tpu.memref_slice %arg10[%add3A_11, %dma_wait3A_71] : memref<10240x64xf32, #tpu.memory_space<vmem_shared>> -> memref<80x64xf32, #tpu.memory_space<vmem_shared>>
      tpu.wait_dma2 semaphore(%run_scoped3A_64 : memref<!tpu.dma_semaphore, #tpu.memory_space<semaphore_mem>>) src(%arg8 : memref<80x64xf32, #tpu.memory_space<vmem>>) dst(%dma_wait3A_72 : memref<80x64xf32, #tpu.memory_space<vmem_shared>>)
      tpu.yield
    }) : () -> ()
    %mul3A_12 = arith.constant 640 : i32
    %mul3A_13 = arith.muli %arg1, %mul3A_12 : i32
    %add3A_14 = arith.constant 80 : i32
    %add3A_15 = arith.addi %mul3A_13, %add3A_14 : i32
    "tpu.region"() ({
      %run_scoped3A_64 = tpu.sem_alloc : memref<!tpu.dma_semaphore, #tpu.memory_space<semaphore_mem>>
      %dma_start3A_65 = arith.constant 0 : i32
      %dma_start3A_66 = tpu.memref_slice %arg10[%add3A_15, %dma_start3A_65] : memref<10240x64xf32, #tpu.memory_space<vmem_shared>> -> memref<80x64xf32, #tpu.memory_space<vmem_shared>>
      %dma_start3A_67 = arith.constant 0 : i32
      %dma_start3A_68 = tpu.memref_slice %arg10[%add3A_15, %dma_start3A_67] : memref<10240x64xf32, #tpu.memory_space<vmem_shared>> -> memref<80x64xf32, #tpu.memory_space<vmem_shared>>
      tpu.enqueue_dma source(%arg8 : memref<80x64xf32, #tpu.memory_space<vmem>>) target(%dma_start3A_68 : memref<80x64xf32, #tpu.memory_space<vmem_shared>>) target_semaphore(%run_scoped3A_64 : memref<!tpu.dma_semaphore, #tpu.memory_space<semaphore_mem>>)
      %dma_wait3A_69 = arith.constant 0 : i32
      %dma_wait3A_70 = tpu.memref_slice %arg10[%add3A_15, %dma_wait3A_69] : memref<10240x64xf32, #tpu.memory_space<vmem_shared>> -> memref<80x64xf32, #tpu.memory_space<vmem_shared>>
      %dma_wait3A_71 = arith.constant 0 : i32
      %dma_wait3A_72 = tpu.memref_slice %arg10[%add3A_15, %dma_wait3A_71] : memref<10240x64xf32, #tpu.memory_space<vmem_shared>> -> memref<80x64xf32, #tpu.memory_space<vmem_shared>>
      tpu.wait_dma2 semaphore(%run_scoped3A_64 : memref<!tpu.dma_semaphore, #tpu.memory_space<semaphore_mem>>) src(%arg8 : memref<80x64xf32, #tpu.memory_space<vmem>>) dst(%dma_wait3A_72 : memref<80x64xf32, #tpu.memory_space<vmem_shared>>)
      tpu.yield
    }) : () -> ()
    %mul3A_16 = arith.constant 640 : i32
    %mul3A_17 = arith.muli %arg1, %mul3A_16 : i32
    %add3A_18 = arith.constant 160 : i32
    %add3A_19 = arith.addi %mul3A_17, %add3A_18 : i32
    "tpu.region"() ({
      %run_scoped3A_64 = tpu.sem_alloc : memref<!tpu.dma_semaphore, #tpu.memory_space<semaphore_mem>>
      %dma_start3A_65 = arith.constant 0 : i32
      %dma_start3A_66 = tpu.memref_slice %arg10[%add3A_19, %dma_start3A_65] : memref<10240x64xf32, #tpu.memory_space<vmem_shared>> -> memref<80x64xf32, #tpu.memory_space<vmem_shared>>
      %dma_start3A_67 = arith.constant 0 : i32
      %dma_start3A_68 = tpu.memref_slice %arg10[%add3A_19, %dma_start3A_67] : memref<10240x64xf32, #tpu.memory_space<vmem_shared>> -> memref<80x64xf32, #tpu.memory_space<vmem_shared>>
      tpu.enqueue_dma source(%arg8 : memref<80x64xf32, #tpu.memory_space<vmem>>) target(%dma_start3A_68 : memref<80x64xf32, #tpu.memory_space<vmem_shared>>) target_semaphore(%run_scoped3A_64 : memref<!tpu.dma_semaphore, #tpu.memory_space<semaphore_mem>>)
      %dma_wait3A_69 = arith.constant 0 : i32
      %dma_wait3A_70 = tpu.memref_slice %arg10[%add3A_19, %dma_wait3A_69] : memref<10240x64xf32, #tpu.memory_space<vmem_shared>> -> memref<80x64xf32, #tpu.memory_space<vmem_shared>>
      %dma_wait3A_71 = arith.constant 0 : i32
      %dma_wait3A_72 = tpu.memref_slice %arg10[%add3A_19, %dma_wait3A_71] : memref<10240x64xf32, #tpu.memory_space<vmem_shared>> -> memref<80x64xf32, #tpu.memory_space<vmem_shared>>
      tpu.wait_dma2 semaphore(%run_scoped3A_64 : memref<!tpu.dma_semaphore, #tpu.memory_space<semaphore_mem>>) src(%arg8 : memref<80x64xf32, #tpu.memory_space<vmem>>) dst(%dma_wait3A_72 : memref<80x64xf32, #tpu.memory_space<vmem_shared>>)
      tpu.yield
    }) : () -> ()
    %mul3A_20 = arith.constant 640 : i32
    %mul3A_21 = arith.muli %arg1, %mul3A_20 : i32
    %add3A_22 = arith.constant 240 : i32
    %add3A_23 = arith.addi %mul3A_21, %add3A_22 : i32
    "tpu.region"() ({
      %run_scoped3A_64 = tpu.sem_alloc : memref<!tpu.dma_semaphore, #tpu.memory_space<semaphore_mem>>
      %dma_start3A_65 = arith.constant 0 : i32
      %dma_start3A_66 = tpu.memref_slice %arg10[%add3A_23, %dma_start3A_65] : memref<10240x64xf32, #tpu.memory_space<vmem_shared>> -> memref<80x64xf32, #tpu.memory_space<vmem_shared>>
      %dma_start3A_67 = arith.constant 0 : i32
      %dma_start3A_68 = tpu.memref_slice %arg10[%add3A_23, %dma_start3A_67] : memref<10240x64xf32, #tpu.memory_space<vmem_shared>> -> memref<80x64xf32, #tpu.memory_space<vmem_shared>>
      tpu.enqueue_dma source(%arg8 : memref<80x64xf32, #tpu.memory_space<vmem>>) target(%dma_start3A_68 : memref<80x64xf32, #tpu.memory_space<vmem_shared>>) target_semaphore(%run_scoped3A_64 : memref<!tpu.dma_semaphore, #tpu.memory_space<semaphore_mem>>)
      %dma_wait3A_69 = arith.constant 0 : i32
      %dma_wait3A_70 = tpu.memref_slice %arg10[%add3A_23, %dma_wait3A_69] : memref<10240x64xf32, #tpu.memory_space<vmem_shared>> -> memref<80x64xf32, #tpu.memory_space<vmem_shared>>
      %dma_wait3A_71 = arith.constant 0 : i32
      %dma_wait3A_72 = tpu.memref_slice %arg10[%add3A_23, %dma_wait3A_71] : memref<10240x64xf32, #tpu.memory_space<vmem_shared>> -> memref<80x64xf32, #tpu.memory_space<vmem_shared>>
      tpu.wait_dma2 semaphore(%run_scoped3A_64 : memref<!tpu.dma_semaphore, #tpu.memory_space<semaphore_mem>>) src(%arg8 : memref<80x64xf32, #tpu.memory_space<vmem>>) dst(%dma_wait3A_72 : memref<80x64xf32, #tpu.memory_space<vmem_shared>>)
      tpu.yield
    }) : () -> ()
    %mul3A_24 = arith.constant 640 : i32
    %mul3A_25 = arith.muli %arg1, %mul3A_24 : i32
    %add3A_26 = arith.constant 320 : i32
    %add3A_27 = arith.addi %mul3A_25, %add3A_26 : i32
    "tpu.region"() ({
      %run_scoped3A_64 = tpu.sem_alloc : memref<!tpu.dma_semaphore, #tpu.memory_space<semaphore_mem>>
      %dma_start3A_65 = arith.constant 0 : i32
      %dma_start3A_66 = tpu.memref_slice %arg10[%add3A_27, %dma_start3A_65] : memref<10240x64xf32, #tpu.memory_space<vmem_shared>> -> memref<80x64xf32, #tpu.memory_space<vmem_shared>>
      %dma_start3A_67 = arith.constant 0 : i32
      %dma_start3A_68 = tpu.memref_slice %arg10[%add3A_27, %dma_start3A_67] : memref<10240x64xf32, #tpu.memory_space<vmem_shared>> -> memref<80x64xf32, #tpu.memory_space<vmem_shared>>
      tpu.enqueue_dma source(%arg8 : memref<80x64xf32, #tpu.memory_space<vmem>>) target(%dma_start3A_68 : memref<80x64xf32, #tpu.memory_space<vmem_shared>>) target_semaphore(%run_scoped3A_64 : memref<!tpu.dma_semaphore, #tpu.memory_space<semaphore_mem>>)
      %dma_wait3A_69 = arith.constant 0 : i32
      %dma_wait3A_70 = tpu.memref_slice %arg10[%add3A_27, %dma_wait3A_69] : memref<10240x64xf32, #tpu.memory_space<vmem_shared>> -> memref<80x64xf32, #tpu.memory_space<vmem_shared>>
      %dma_wait3A_71 = arith.constant 0 : i32
      %dma_wait3A_72 = tpu.memref_slice %arg10[%add3A_27, %dma_wait3A_71] : memref<10240x64xf32, #tpu.memory_space<vmem_shared>> -> memref<80x64xf32, #tpu.memory_space<vmem_shared>>
      tpu.wait_dma2 semaphore(%run_scoped3A_64 : memref<!tpu.dma_semaphore, #tpu.memory_space<semaphore_mem>>) src(%arg8 : memref<80x64xf32, #tpu.memory_space<vmem>>) dst(%dma_wait3A_72 : memref<80x64xf32, #tpu.memory_space<vmem_shared>>)
      tpu.yield
    }) : () -> ()
    %mul3A_28 = arith.constant 640 : i32
    %mul3A_29 = arith.muli %arg1, %mul3A_28 : i32
    %add3A_30 = arith.constant 400 : i32
    %add3A_31 = arith.addi %mul3A_29, %add3A_30 : i32
    "tpu.region"() ({
      %run_scoped3A_64 = tpu.sem_alloc : memref<!tpu.dma_semaphore, #tpu.memory_space<semaphore_mem>>
      %dma_start3A_65 = arith.constant 0 : i32
      %dma_start3A_66 = tpu.memref_slice %arg10[%add3A_31, %dma_start3A_65] : memref<10240x64xf32, #tpu.memory_space<vmem_shared>> -> memref<80x64xf32, #tpu.memory_space<vmem_shared>>
      %dma_start3A_67 = arith.constant 0 : i32
      %dma_start3A_68 = tpu.memref_slice %arg10[%add3A_31, %dma_start3A_67] : memref<10240x64xf32, #tpu.memory_space<vmem_shared>> -> memref<80x64xf32, #tpu.memory_space<vmem_shared>>
      tpu.enqueue_dma source(%arg8 : memref<80x64xf32, #tpu.memory_space<vmem>>) target(%dma_start3A_68 : memref<80x64xf32, #tpu.memory_space<vmem_shared>>) target_semaphore(%run_scoped3A_64 : memref<!tpu.dma_semaphore, #tpu.memory_space<semaphore_mem>>)
      %dma_wait3A_69 = arith.constant 0 : i32
      %dma_wait3A_70 = tpu.memref_slice %arg10[%add3A_31, %dma_wait3A_69] : memref<10240x64xf32, #tpu.memory_space<vmem_shared>> -> memref<80x64xf32, #tpu.memory_space<vmem_shared>>
      %dma_wait3A_71 = arith.constant 0 : i32
      %dma_wait3A_72 = tpu.memref_slice %arg10[%add3A_31, %dma_wait3A_71] : memref<10240x64xf32, #tpu.memory_space<vmem_shared>> -> memref<80x64xf32, #tpu.memory_space<vmem_shared>>
      tpu.wait_dma2 semaphore(%run_scoped3A_64 : memref<!tpu.dma_semaphore, #tpu.memory_space<semaphore_mem>>) src(%arg8 : memref<80x64xf32, #tpu.memory_space<vmem>>) dst(%dma_wait3A_72 : memref<80x64xf32, #tpu.memory_space<vmem_shared>>)
      tpu.yield
    }) : () -> ()
    %mul3A_32 = arith.constant 640 : i32
    %mul3A_33 = arith.muli %arg1, %mul3A_32 : i32
    %add3A_34 = arith.constant 480 : i32
    %add3A_35 = arith.addi %mul3A_33, %add3A_34 : i32
    "tpu.region"() ({
      %run_scoped3A_64 = tpu.sem_alloc : memref<!tpu.dma_semaphore, #tpu.memory_space<semaphore_mem>>
      %dma_start3A_65 = arith.constant 0 : i32
      %dma_start3A_66 = tpu.memref_slice %arg10[%add3A_35, %dma_start3A_65] : memref<10240x64xf32, #tpu.memory_space<vmem_shared>> -> memref<80x64xf32, #tpu.memory_space<vmem_shared>>
      %dma_start3A_67 = arith.constant 0 : i32
      %dma_start3A_68 = tpu.memref_slice %arg10[%add3A_35, %dma_start3A_67] : memref<10240x64xf32, #tpu.memory_space<vmem_shared>> -> memref<80x64xf32, #tpu.memory_space<vmem_shared>>
      tpu.enqueue_dma source(%arg8 : memref<80x64xf32, #tpu.memory_space<vmem>>) target(%dma_start3A_68 : memref<80x64xf32, #tpu.memory_space<vmem_shared>>) target_semaphore(%run_scoped3A_64 : memref<!tpu.dma_semaphore, #tpu.memory_space<semaphore_mem>>)
      %dma_wait3A_69 = arith.constant 0 : i32
      %dma_wait3A_70 = tpu.memref_slice %arg10[%add3A_35, %dma_wait3A_69] : memref<10240x64xf32, #tpu.memory_space<vmem_shared>> -> memref<80x64xf32, #tpu.memory_space<vmem_shared>>
      %dma_wait3A_71 = arith.constant 0 : i32
      %dma_wait3A_72 = tpu.memref_slice %arg10[%add3A_35, %dma_wait3A_71] : memref<10240x64xf32, #tpu.memory_space<vmem_shared>> -> memref<80x64xf32, #tpu.memory_space<vmem_shared>>
      tpu.wait_dma2 semaphore(%run_scoped3A_64 : memref<!tpu.dma_semaphore, #tpu.memory_space<semaphore_mem>>) src(%arg8 : memref<80x64xf32, #tpu.memory_space<vmem>>) dst(%dma_wait3A_72 : memref<80x64xf32, #tpu.memory_space<vmem_shared>>)
      tpu.yield
    }) : () -> ()
    %mul3A_36 = arith.constant 640 : i32
    %mul3A_37 = arith.muli %arg1, %mul3A_36 : i32
    %add3A_38 = arith.constant 560 : i32
    %add3A_39 = arith.addi %mul3A_37, %add3A_38 : i32
    "tpu.region"() ({
      %run_scoped3A_64 = tpu.sem_alloc : memref<!tpu.dma_semaphore, #tpu.memory_space<semaphore_mem>>
      %dma_start3A_65 = arith.constant 0 : i32
      %dma_start3A_66 = tpu.memref_slice %arg10[%add3A_39, %dma_start3A_65] : memref<10240x64xf32, #tpu.memory_space<vmem_shared>> -> memref<80x64xf32, #tpu.memory_space<vmem_shared>>
      %dma_start3A_67 = arith.constant 0 : i32
      %dma_start3A_68 = tpu.memref_slice %arg10[%add3A_39, %dma_start3A_67] : memref<10240x64xf32, #tpu.memory_space<vmem_shared>> -> memref<80x64xf32, #tpu.memory_space<vmem_shared>>
      tpu.enqueue_dma source(%arg8 : memref<80x64xf32, #tpu.memory_space<vmem>>) target(%dma_start3A_68 : memref<80x64xf32, #tpu.memory_space<vmem_shared>>) target_semaphore(%run_scoped3A_64 : memref<!tpu.dma_semaphore, #tpu.memory_space<semaphore_mem>>)
      %dma_wait3A_69 = arith.constant 0 : i32
      %dma_wait3A_70 = tpu.memref_slice %arg10[%add3A_39, %dma_wait3A_69] : memref<10240x64xf32, #tpu.memory_space<vmem_shared>> -> memref<80x64xf32, #tpu.memory_space<vmem_shared>>
      %dma_wait3A_71 = arith.constant 0 : i32
      %dma_wait3A_72 = tpu.memref_slice %arg10[%add3A_39, %dma_wait3A_71] : memref<10240x64xf32, #tpu.memory_space<vmem_shared>> -> memref<80x64xf32, #tpu.memory_space<vmem_shared>>
      tpu.wait_dma2 semaphore(%run_scoped3A_64 : memref<!tpu.dma_semaphore, #tpu.memory_space<semaphore_mem>>) src(%arg8 : memref<80x64xf32, #tpu.memory_space<vmem>>) dst(%dma_wait3A_72 : memref<80x64xf32, #tpu.memory_space<vmem_shared>>)
      tpu.yield
    }) : () -> ()
    %barrier3A = arith.constant 0 : index
    tpu.barrier barrier_id(%barrier3A)
    %dma_start3A = arith.constant 0 : i32
    %dma_start3A_40 = arith.constant 0 : i32
    %dma_start3A_41 = tpu.memref_slice %arg6[%dma_start3A, %dma_start3A_40] : memref<125x80xi32, #tpu.memory_space<vmem>> -> memref<1x80xi32, #tpu.memory_space<vmem>>
    %dma_start3A_42 = tpu.memref_squeeze %dma_start3A_41 : memref<1x80xi32, #tpu.memory_space<vmem>> -> memref<80xi32, #tpu.memory_space<vmem>>
    %dma_start3A_43 = arith.constant 0 : i32
    %dma_start3A_44 = arith.constant 0 : i32
    %dma_start3A_45 = tpu.memref_slice %arg2[%dma_start3A_43, %dma_start3A_44] : memref<10240x64xf32, #tpu.memory_space<hbm>> -> memref<10240x64xf32, #tpu.memory_space<hbm>>
    tpu.enqueue_indirect_dma source(%dma_start3A_45 : memref<10240x64xf32, #tpu.memory_space<hbm>>) target(%arg8 : memref<80x64xf32, #tpu.memory_space<vmem>>) offsets(%dma_start3A_42 : memref<80xi32, #tpu.memory_space<vmem>>) semaphore(%arg11 : memref<!tpu.dma_semaphore, #tpu.memory_space<semaphore_mem>>)
    %scan3A_46 = arith.constant 0 : i32
    %scan3A_47 = arith.constant 0 : i32
    %scan3A_48 = arith.constant 62 : i32
    %scan3A_49 = arith.addi %scan3A_47, %scan3A_48 : i32
    %scan3A_50 = arith.constant 1 : i32
    %scan3A_51 = scf.for %scan3A_64 = %scan3A_47 to %scan3A_49 step %scan3A_50 iter_args(%scan3A_65 = %scan3A_46) -> (i32)  : i32 {
      %mul3A_66 = arith.constant 2 : i32
      %mul3A_67 = arith.muli %mul3A_66, %scan3A_64 : i32
      %add3A_68 = arith.constant 1 : i32
      %add3A_69 = arith.addi %mul3A_67, %add3A_68 : i32
      %dma_start3A_70 = arith.constant 0 : i32
      %dma_start3A_71 = tpu.memref_slice %arg6[%add3A_69, %dma_start3A_70] : memref<125x80xi32, #tpu.memory_space<vmem>> -> memref<1x80xi32, #tpu.memory_space<vmem>>
      %dma_start3A_72 = tpu.memref_squeeze %dma_start3A_71 : memref<1x80xi32, #tpu.memory_space<vmem>> -> memref<80xi32, #tpu.memory_space<vmem>>
      %dma_start3A_73 = arith.constant 0 : i32
      %dma_start3A_74 = arith.constant 0 : i32
      %dma_start3A_75 = tpu.memref_slice %arg2[%dma_start3A_73, %dma_start3A_74] : memref<10240x64xf32, #tpu.memory_space<hbm>> -> memref<10240x64xf32, #tpu.memory_space<hbm>>
      tpu.enqueue_indirect_dma source(%dma_start3A_75 : memref<10240x64xf32, #tpu.memory_space<hbm>>) target(%arg9 : memref<80x64xf32, #tpu.memory_space<vmem>>) offsets(%dma_start3A_72 : memref<80xi32, #tpu.memory_space<vmem>>) semaphore(%arg12 : memref<!tpu.dma_semaphore, #tpu.memory_space<semaphore_mem>>)
      %dma_wait3A_76 = arith.constant 0 : i32
      %dma_wait3A_77 = tpu.memref_slice %arg6[%mul3A_67, %dma_wait3A_76] : memref<125x80xi32, #tpu.memory_space<vmem>> -> memref<1x80xi32, #tpu.memory_space<vmem>>
      %dma_wait3A_78 = tpu.memref_squeeze %dma_wait3A_77 : memref<1x80xi32, #tpu.memory_space<vmem>> -> memref<80xi32, #tpu.memory_space<vmem>>
      %dma_wait3A_79 = arith.constant 0 : i32
      %dma_wait3A_80 = arith.constant 0 : i32
      %dma_wait3A_81 = tpu.memref_slice %arg2[%dma_wait3A_79, %dma_wait3A_80] : memref<10240x64xf32, #tpu.memory_space<hbm>> -> memref<10240x64xf32, #tpu.memory_space<hbm>>
      tpu.wait_indirect_dma semaphore(%arg11 : memref<!tpu.dma_semaphore, #tpu.memory_space<semaphore_mem>>) src(%dma_wait3A_81 : memref<10240x64xf32, #tpu.memory_space<hbm>>) dst(%arg8 : memref<80x64xf32, #tpu.memory_space<vmem>>)
      "tpu.region"() ({
        %run_scoped3A_101 = tpu.sem_alloc : memref<!tpu.dma_semaphore, #tpu.memory_space<semaphore_mem>>
        %dma_start3A_102 = arith.constant 0 : i32
        %dma_start3A_103 = tpu.memref_slice %arg7[%mul3A_67, %dma_start3A_102] : memref<125x80xi32, #tpu.memory_space<vmem>> -> memref<1x80xi32, #tpu.memory_space<vmem>>
        %dma_start3A_104 = tpu.memref_squeeze %dma_start3A_103 : memref<1x80xi32, #tpu.memory_space<vmem>> -> memref<80xi32, #tpu.memory_space<vmem>>
        %dma_start3A_105 = arith.constant 0 : i32
        %dma_start3A_106 = arith.constant 0 : i32
        %dma_start3A_107 = tpu.memref_slice %arg10[%dma_start3A_105, %dma_start3A_106] : memref<10240x64xf32, #tpu.memory_space<vmem_shared>> -> memref<10240x64xf32, #tpu.memory_space<vmem_shared>>
        tpu.enqueue_indirect_dma source(%arg8 : memref<80x64xf32, #tpu.memory_space<vmem>>) target(%dma_start3A_107 : memref<10240x64xf32, #tpu.memory_space<vmem_shared>>) offsets(%dma_start3A_104 : memref<80xi32, #tpu.memory_space<vmem>>) semaphore(%run_scoped3A_101 : memref<!tpu.dma_semaphore, #tpu.memory_space<semaphore_mem>>) {add = true}
        %dma_wait3A_108 = arith.constant 0 : i32
        %dma_wait3A_109 = tpu.memref_slice %arg7[%mul3A_67, %dma_wait3A_108] : memref<125x80xi32, #tpu.memory_space<vmem>> -> memref<1x80xi32, #tpu.memory_space<vmem>>
        %dma_wait3A_110 = tpu.memref_squeeze %dma_wait3A_109 : memref<1x80xi32, #tpu.memory_space<vmem>> -> memref<80xi32, #tpu.memory_space<vmem>>
        %dma_wait3A_111 = arith.constant 0 : i32
        %dma_wait3A_112 = arith.constant 0 : i32
        %dma_wait3A_113 = tpu.memref_slice %arg10[%dma_wait3A_111, %dma_wait3A_112] : memref<10240x64xf32, #tpu.memory_space<vmem_shared>> -> memref<10240x64xf32, #tpu.memory_space<vmem_shared>>
        tpu.wait_indirect_dma semaphore(%run_scoped3A_101 : memref<!tpu.dma_semaphore, #tpu.memory_space<semaphore_mem>>) src(%arg8 : memref<80x64xf32, #tpu.memory_space<vmem>>) dst(%dma_wait3A_113 : memref<10240x64xf32, #tpu.memory_space<vmem_shared>>)
        tpu.yield
      }) : () -> ()
      %add3A_82 = arith.constant 2 : i32
      %add3A_83 = arith.addi %mul3A_67, %add3A_82 : i32
      %dma_start3A_84 = arith.constant 0 : i32
      %dma_start3A_85 = tpu.memref_slice %arg6[%add3A_83, %dma_start3A_84] : memref<125x80xi32, #tpu.memory_space<vmem>> -> memref<1x80xi32, #tpu.memory_space<vmem>>
      %dma_start3A_86 = tpu.memref_squeeze %dma_start3A_85 : memref<1x80xi32, #tpu.memory_space<vmem>> -> memref<80xi32, #tpu.memory_space<vmem>>
      %dma_start3A_87 = arith.constant 0 : i32
      %dma_start3A_88 = arith.constant 0 : i32
      %dma_start3A_89 = tpu.memref_slice %arg2[%dma_start3A_87, %dma_start3A_88] : memref<10240x64xf32, #tpu.memory_space<hbm>> -> memref<10240x64xf32, #tpu.memory_space<hbm>>
      tpu.enqueue_indirect_dma source(%dma_start3A_89 : memref<10240x64xf32, #tpu.memory_space<hbm>>) target(%arg8 : memref<80x64xf32, #tpu.memory_space<vmem>>) offsets(%dma_start3A_86 : memref<80xi32, #tpu.memory_space<vmem>>) semaphore(%arg11 : memref<!tpu.dma_semaphore, #tpu.memory_space<semaphore_mem>>)
      %add3A_90 = arith.constant 1 : i32
      %add3A_91 = arith.addi %mul3A_67, %add3A_90 : i32
      %dma_wait3A_92 = arith.constant 0 : i32
      %dma_wait3A_93 = tpu.memref_slice %arg6[%add3A_91, %dma_wait3A_92] : memref<125x80xi32, #tpu.memory_space<vmem>> -> memref<1x80xi32, #tpu.memory_space<vmem>>
      %dma_wait3A_94 = tpu.memref_squeeze %dma_wait3A_93 : memref<1x80xi32, #tpu.memory_space<vmem>> -> memref<80xi32, #tpu.memory_space<vmem>>
      %dma_wait3A_95 = arith.constant 0 : i32
      %dma_wait3A_96 = arith.constant 0 : i32
      %dma_wait3A_97 = tpu.memref_slice %arg2[%dma_wait3A_95, %dma_wait3A_96] : memref<10240x64xf32, #tpu.memory_space<hbm>> -> memref<10240x64xf32, #tpu.memory_space<hbm>>
      tpu.wait_indirect_dma semaphore(%arg12 : memref<!tpu.dma_semaphore, #tpu.memory_space<semaphore_mem>>) src(%dma_wait3A_97 : memref<10240x64xf32, #tpu.memory_space<hbm>>) dst(%arg9 : memref<80x64xf32, #tpu.memory_space<vmem>>)
      %add3A_98 = arith.constant 1 : i32
      %add3A_99 = arith.addi %mul3A_67, %add3A_98 : i32
      "tpu.region"() ({
        %run_scoped3A_101 = tpu.sem_alloc : memref<!tpu.dma_semaphore, #tpu.memory_space<semaphore_mem>>
        %dma_start3A_102 = arith.constant 0 : i32
        %dma_start3A_103 = tpu.memref_slice %arg7[%add3A_99, %dma_start3A_102] : memref<125x80xi32, #tpu.memory_space<vmem>> -> memref<1x80xi32, #tpu.memory_space<vmem>>
        %dma_start3A_104 = tpu.memref_squeeze %dma_start3A_103 : memref<1x80xi32, #tpu.memory_space<vmem>> -> memref<80xi32, #tpu.memory_space<vmem>>
        %dma_start3A_105 = arith.constant 0 : i32
        %dma_start3A_106 = arith.constant 0 : i32
        %dma_start3A_107 = tpu.memref_slice %arg10[%dma_start3A_105, %dma_start3A_106] : memref<10240x64xf32, #tpu.memory_space<vmem_shared>> -> memref<10240x64xf32, #tpu.memory_space<vmem_shared>>
        tpu.enqueue_indirect_dma source(%arg9 : memref<80x64xf32, #tpu.memory_space<vmem>>) target(%dma_start3A_107 : memref<10240x64xf32, #tpu.memory_space<vmem_shared>>) offsets(%dma_start3A_104 : memref<80xi32, #tpu.memory_space<vmem>>) semaphore(%run_scoped3A_101 : memref<!tpu.dma_semaphore, #tpu.memory_space<semaphore_mem>>) {add = true}
        %dma_wait3A_108 = arith.constant 0 : i32
        %dma_wait3A_109 = tpu.memref_slice %arg7[%add3A_99, %dma_wait3A_108] : memref<125x80xi32, #tpu.memory_space<vmem>> -> memref<1x80xi32, #tpu.memory_space<vmem>>
        %dma_wait3A_110 = tpu.memref_squeeze %dma_wait3A_109 : memref<1x80xi32, #tpu.memory_space<vmem>> -> memref<80xi32, #tpu.memory_space<vmem>>
        %dma_wait3A_111 = arith.constant 0 : i32
        %dma_wait3A_112 = arith.constant 0 : i32
        %dma_wait3A_113 = tpu.memref_slice %arg10[%dma_wait3A_111, %dma_wait3A_112] : memref<10240x64xf32, #tpu.memory_space<vmem_shared>> -> memref<10240x64xf32, #tpu.memory_space<vmem_shared>>
        tpu.wait_indirect_dma semaphore(%run_scoped3A_101 : memref<!tpu.dma_semaphore, #tpu.memory_space<semaphore_mem>>) src(%arg9 : memref<80x64xf32, #tpu.memory_space<vmem>>) dst(%dma_wait3A_113 : memref<10240x64xf32, #tpu.memory_space<vmem_shared>>)
        tpu.yield
      }) : () -> ()
      %scan3A_100 = arith.constant 0 : i32
      scf.yield %scan3A_100 : i32
    }
    %scan3A_52 = arith.constant 62 : i32
    %dma_wait3A = arith.constant 124 : i32
    %dma_wait3A_53 = arith.constant 0 : i32
    %dma_wait3A_54 = tpu.memref_slice %arg6[%dma_wait3A, %dma_wait3A_53] : memref<125x80xi32, #tpu.memory_space<vmem>> -> memref<1x80xi32, #tpu.memory_space<vmem>>
    %dma_wait3A_55 = tpu.memref_squeeze %dma_wait3A_54 : memref<1x80xi32, #tpu.memory_space<vmem>> -> memref<80xi32, #tpu.memory_space<vmem>>
    %dma_wait3A_56 = arith.constant 0 : i32
    %dma_wait3A_57 = arith.constant 0 : i32
    %dma_wait3A_58 = tpu.memref_slice %arg2[%dma_wait3A_56, %dma_wait3A_57] : memref<10240x64xf32, #tpu.memory_space<hbm>> -> memref<10240x64xf32, #tpu.memory_space<hbm>>
    tpu.wait_indirect_dma semaphore(%arg11 : memref<!tpu.dma_semaphore, #tpu.memory_space<semaphore_mem>>) src(%dma_wait3A_58 : memref<10240x64xf32, #tpu.memory_space<hbm>>) dst(%arg8 : memref<80x64xf32, #tpu.memory_space<vmem>>)
    %run_scoped3A = arith.constant 124 : i32
    "tpu.region"() ({
      %run_scoped3A_64 = tpu.sem_alloc : memref<!tpu.dma_semaphore, #tpu.memory_space<semaphore_mem>>
      %dma_start3A_65 = arith.constant 0 : i32
      %dma_start3A_66 = tpu.memref_slice %arg7[%run_scoped3A, %dma_start3A_65] : memref<125x80xi32, #tpu.memory_space<vmem>> -> memref<1x80xi32, #tpu.memory_space<vmem>>
      %dma_start3A_67 = tpu.memref_squeeze %dma_start3A_66 : memref<1x80xi32, #tpu.memory_space<vmem>> -> memref<80xi32, #tpu.memory_space<vmem>>
      %dma_start3A_68 = arith.constant 0 : i32
      %dma_start3A_69 = arith.constant 0 : i32
      %dma_start3A_70 = tpu.memref_slice %arg10[%dma_start3A_68, %dma_start3A_69] : memref<10240x64xf32, #tpu.memory_space<vmem_shared>> -> memref<10240x64xf32, #tpu.memory_space<vmem_shared>>
      tpu.enqueue_indirect_dma source(%arg8 : memref<80x64xf32, #tpu.memory_space<vmem>>) target(%dma_start3A_70 : memref<10240x64xf32, #tpu.memory_space<vmem_shared>>) offsets(%dma_start3A_67 : memref<80xi32, #tpu.memory_space<vmem>>) semaphore(%run_scoped3A_64 : memref<!tpu.dma_semaphore, #tpu.memory_space<semaphore_mem>>) {add = true}
      %dma_wait3A_71 = arith.constant 0 : i32
      %dma_wait3A_72 = tpu.memref_slice %arg7[%run_scoped3A, %dma_wait3A_71] : memref<125x80xi32, #tpu.memory_space<vmem>> -> memref<1x80xi32, #tpu.memory_space<vmem>>
      %dma_wait3A_73 = tpu.memref_squeeze %dma_wait3A_72 : memref<1x80xi32, #tpu.memory_space<vmem>> -> memref<80xi32, #tpu.memory_space<vmem>>
      %dma_wait3A_74 = arith.constant 0 : i32
      %dma_wait3A_75 = arith.constant 0 : i32
      %dma_wait3A_76 = tpu.memref_slice %arg10[%dma_wait3A_74, %dma_wait3A_75] : memref<10240x64xf32, #tpu.memory_space<vmem_shared>> -> memref<10240x64xf32, #tpu.memory_space<vmem_shared>>
      tpu.wait_indirect_dma semaphore(%run_scoped3A_64 : memref<!tpu.dma_semaphore, #tpu.memory_space<semaphore_mem>>) src(%arg8 : memref<80x64xf32, #tpu.memory_space<vmem>>) dst(%dma_wait3A_76 : memref<10240x64xf32, #tpu.memory_space<vmem_shared>>)
      tpu.yield
    }) : () -> ()
    %barrier3A_59 = arith.constant 0 : index
    tpu.barrier barrier_id(%barrier3A_59)
    %mul3A_60 = arith.constant 640 : i32
    %mul3A_61 = arith.muli %arg1, %mul3A_60 : i32
    %mul3A_62 = arith.constant 640 : i32
    %mul3A_63 = arith.muli %arg1, %mul3A_62 : i32
    "tpu.region"() ({
      %run_scoped3A_64 = tpu.sem_alloc : memref<!tpu.dma_semaphore, #tpu.memory_space<semaphore_mem>>
      %dma_start3A_65 = arith.constant 0 : i32
      %dma_start3A_66 = tpu.memref_slice %arg5[%arg0, %mul3A_63, %dma_start3A_65] : memref<2x10240x64xf32, #tpu.memory_space<hbm>> -> memref<1x640x64xf32, #tpu.memory_space<hbm>>
      %dma_start3A_67 = tpu.memref_squeeze %dma_start3A_66 : memref<1x640x64xf32, #tpu.memory_space<hbm>> -> memref<640x64xf32, #tpu.memory_space<hbm>>
      %dma_start3A_68 = arith.constant 0 : i32
      %dma_start3A_69 = tpu.memref_slice %arg10[%mul3A_61, %dma_start3A_68] : memref<10240x64xf32, #tpu.memory_space<vmem_shared>> -> memref<640x64xf32, #tpu.memory_space<vmem_shared>>
      tpu.enqueue_dma source(%dma_start3A_69 : memref<640x64xf32, #tpu.memory_space<vmem_shared>>) target(%dma_start3A_67 : memref<640x64xf32, #tpu.memory_space<hbm>>) target_semaphore(%run_scoped3A_64 : memref<!tpu.dma_semaphore, #tpu.memory_space<semaphore_mem>>)
      %dma_wait3A_70 = arith.constant 0 : i32
      %dma_wait3A_71 = tpu.memref_slice %arg5[%arg0, %mul3A_63, %dma_wait3A_70] : memref<2x10240x64xf32, #tpu.memory_space<hbm>> -> memref<1x640x64xf32, #tpu.memory_space<hbm>>
      %dma_wait3A_72 = tpu.memref_squeeze %dma_wait3A_71 : memref<1x640x64xf32, #tpu.memory_space<hbm>> -> memref<640x64xf32, #tpu.memory_space<hbm>>
      %dma_wait3A_73 = arith.constant 0 : i32
      %dma_wait3A_74 = tpu.memref_slice %arg10[%mul3A_61, %dma_wait3A_73] : memref<10240x64xf32, #tpu.memory_space<vmem_shared>> -> memref<640x64xf32, #tpu.memory_space<vmem_shared>>
      tpu.wait_dma2 semaphore(%run_scoped3A_64 : memref<!tpu.dma_semaphore, #tpu.memory_space<semaphore_mem>>) src(%dma_wait3A_74 : memref<640x64xf32, #tpu.memory_space<vmem_shared>>) dst(%dma_wait3A_72 : memref<640x64xf32, #tpu.memory_space<hbm>>)
      tpu.yield
    }) : () -> ()
    return
  }
}

module attributes {stable_mosaic.version = 14 : i64} {
  func.func @_pre1_body(%arg0: i32, %arg1: memref<512x128xf32, #tpu.memory_space<vmem>>, %arg2: memref<128x128xf32, #tpu.memory_space<vmem>>, %arg3: memref<512x32xf32, #tpu.memory_space<vmem>>, %arg4: memref<512x128xf32, #tpu.memory_space<vmem>>, %arg5: memref<512x1xf32, #tpu.memory_space<vmem>>) attributes {dimension_semantics = [#tpu.dimension_semantics<arbitrary>], iteration_bounds = array<i64: 20>, scalar_prefetch = 0 : i64, scratch_operands = 0 : i64, tpu.core_type = #tpu.core_type<tc>, window_params = [{transform_indices = @transform_0, window_bounds = array<i64: 512, 128>}, {pipeline_mode = #tpu.pipeline_mode<synchronous>, transform_indices = @transform_1, window_bounds = array<i64: 128, 128>}, {transform_indices = @transform_2, window_bounds = array<i64: 512, 32>}, {transform_indices = @transform_3, window_bounds = array<i64: 512, 128>}, {transform_indices = @transform_4, window_bounds = array<i64: 512, 1>}]} {
    %get3A = arith.constant 0 : index
    %get3A_0 = arith.constant 0 : index
    %get3A_1 = vector.load %arg3[%get3A, %get3A_0] : memref<512x32xf32, #tpu.memory_space<vmem>>, vector<512x32xf32>
    %reduce_sum3A = arith.constant dense<0.000000e+00> : vector<512xf32>
    %reduce_sum3A_2 = vector.multi_reduction <add>, %get3A_1, %reduce_sum3A [1] : vector<512x32xf32> to vector<512xf32>
    %broadcast_in_dim3A = vector.shape_cast %reduce_sum3A_2 : vector<512xf32> to vector<512x1xf32>
    %add3A = arith.constant 1.000000e+00 : f32
    %add3A_3 = vector.broadcast %add3A : f32 to vector<512x1xf32>
    %add3A_4 = arith.addf %broadcast_in_dim3A, %add3A_3 : vector<512x1xf32>
    %rsqrt3A = math.rsqrt %add3A_4 : vector<512x1xf32>
    %get3A_5 = arith.constant 0 : index
    %get3A_6 = arith.constant 0 : index
    %get3A_7 = vector.load %arg1[%get3A_5, %get3A_6] : memref<512x128xf32, #tpu.memory_space<vmem>>, vector<512x128xf32>
    %get3A_8 = arith.constant 0 : index
    %get3A_9 = arith.constant 0 : index
    %get3A_10 = vector.load %arg2[%get3A_8, %get3A_9] : memref<128x128xf32, #tpu.memory_space<vmem>>, vector<128x128xf32>
    %dot_general3A = arith.constant dense<0.000000e+00> : vector<512x128xf32>
    %dot_general3A_11 = tpu.matmul %get3A_7, %get3A_10, %dot_general3A {dimension_numbers = #tpu.dot_dimension_numbers<[1], [0], [0], [1], [0, 0, 1, 1], [], []>, transpose_lhs_hint = false} : vector<512x128xf32>, vector<128x128xf32>, vector<512x128xf32> -> vector<512x128xf32>
    %mul3A = vector.broadcast %rsqrt3A : vector<512x1xf32> to vector<512x128xf32>
    %mul3A_12 = arith.mulf %mul3A, %dot_general3A_11 : vector<512x128xf32>
    %swap3A = arith.constant 0 : index
    %swap3A_13 = arith.constant 0 : index
    %swap3A_14 = vector.load %arg4[%swap3A, %swap3A_13] : memref<512x128xf32, #tpu.memory_space<vmem>>, vector<512x128xf32>
    tpu.vector_store %arg4[%swap3A, %swap3A_13], %mul3A_12 {strides = array<i32>} : memref<512x128xf32, #tpu.memory_space<vmem>>, vector<512x128xf32>,
    %swap3A_15 = arith.constant 0 : index
    %swap3A_16 = arith.constant 0 : index
    %swap3A_17 = vector.load %arg5[%swap3A_15, %swap3A_16] : memref<512x1xf32, #tpu.memory_space<vmem>>, vector<512x1xf32>
    tpu.vector_store %arg5[%swap3A_15, %swap3A_16], %rsqrt3A {strides = array<i32>} : memref<512x1xf32, #tpu.memory_space<vmem>>, vector<512x1xf32>,
    return
  }
  func.func @transform_0(%arg0: i32) -> (i32, i32) {
    %c0_i32 = arith.constant 0 : i32
    %c0_i32_0 = arith.constant 0 : i32
    return %arg0, %c0_i32 : i32, i32
  }
  func.func @transform_1(%arg0: i32) -> (i32, i32) {
    %c0_i32 = arith.constant 0 : i32
    %c0_i32_0 = arith.constant 0 : i32
    %c0_i32_1 = arith.constant 0 : i32
    return %c0_i32, %c0_i32_0 : i32, i32
  }
  func.func @transform_2(%arg0: i32) -> (i32, i32) {
    %c0_i32 = arith.constant 0 : i32
    %c0_i32_0 = arith.constant 0 : i32
    return %arg0, %c0_i32 : i32, i32
  }
  func.func @transform_3(%arg0: i32) -> (i32, i32) {
    %c0_i32 = arith.constant 0 : i32
    %c0_i32_0 = arith.constant 0 : i32
    return %arg0, %c0_i32 : i32, i32
  }
  func.func @transform_4(%arg0: i32) -> (i32, i32) {
    %c0_i32 = arith.constant 0 : i32
    %c0_i32_0 = arith.constant 0 : i32
    return %arg0, %c0_i32 : i32, i32
  }
}

module attributes {stable_mosaic.version = 14 : i64} {
  func.func @_mid_body(%arg0: i32, %arg1: memref<512x128xf32, #tpu.memory_space<vmem>>, %arg2: memref<512x128xf32, #tpu.memory_space<vmem>>, %arg3: memref<512x128xf32, #tpu.memory_space<vmem>>, %arg4: memref<512x1xf32, #tpu.memory_space<vmem>>, %arg5: memref<128xf32, #tpu.memory_space<vmem>>, %arg6: memref<128x128xf32, #tpu.memory_space<vmem>>, %arg7: memref<512x128xf32, #tpu.memory_space<vmem>>) attributes {dimension_semantics = [#tpu.dimension_semantics<arbitrary>], iteration_bounds = array<i64: 20>, scalar_prefetch = 0 : i64, scratch_operands = 0 : i64, tpu.core_type = #tpu.core_type<tc>, window_params = [{transform_indices = @transform_0, window_bounds = array<i64: 512, 128>}, {transform_indices = @transform_1, window_bounds = array<i64: 512, 128>}, {transform_indices = @transform_2, window_bounds = array<i64: 512, 128>}, {transform_indices = @transform_3, window_bounds = array<i64: 512, 1>}, {pipeline_mode = #tpu.pipeline_mode<synchronous>, transform_indices = @transform_4, window_bounds = array<i64: 128>}, {pipeline_mode = #tpu.pipeline_mode<synchronous>, transform_indices = @transform_5, window_bounds = array<i64: 128, 128>}, {transform_indices = @transform_6, window_bounds = array<i64: 512, 128>}]} {
    %get3A = arith.constant 0 : index
    %get3A_0 = arith.constant 0 : index
    %get3A_1 = vector.load %arg4[%get3A, %get3A_0] : memref<512x1xf32, #tpu.memory_space<vmem>>, vector<512x1xf32>
    %get3A_2 = arith.constant 0 : index
    %get3A_3 = arith.constant 0 : index
    %get3A_4 = vector.load %arg1[%get3A_2, %get3A_3] : memref<512x128xf32, #tpu.memory_space<vmem>>, vector<512x128xf32>
    %get3A_5 = arith.constant 0 : index
    %get3A_6 = arith.constant 0 : index
    %get3A_7 = vector.load %arg2[%get3A_5, %get3A_6] : memref<512x128xf32, #tpu.memory_space<vmem>>, vector<512x128xf32>
    %add3A = arith.addf %get3A_4, %get3A_7 : vector<512x128xf32>
    %get3A_8 = arith.constant 0 : index
    %get3A_9 = arith.constant 0 : index
    %get3A_10 = vector.load %arg3[%get3A_8, %get3A_9] : memref<512x128xf32, #tpu.memory_space<vmem>>, vector<512x128xf32>
    %add3A_11 = arith.addf %add3A, %get3A_10 : vector<512x128xf32>
    %mul3A = vector.broadcast %get3A_1 : vector<512x1xf32> to vector<512x128xf32>
    %mul3A_12 = arith.mulf %mul3A, %add3A_11 : vector<512x128xf32>
    %get3A_13 = arith.constant 0 : index
    %get3A_14 = vector.load %arg5[%get3A_13] : memref<128xf32, #tpu.memory_space<vmem>>, vector<128xf32>
    %broadcast_in_dim3A = vector.shape_cast %get3A_14 : vector<128xf32> to vector<1x128xf32>
    %add3A_15 = vector.broadcast %broadcast_in_dim3A : vector<1x128xf32> to vector<512x128xf32>
    %add3A_16 = arith.addf %mul3A_12, %add3A_15 : vector<512x128xf32>
    %max3A = arith.constant 0.000000e+00 : f32
    %max3A_17 = vector.broadcast %max3A : f32 to vector<512x128xf32>
    %max3A_18 = arith.maximumf %add3A_16, %max3A_17 : vector<512x128xf32>
    %get3A_19 = arith.constant 0 : index
    %get3A_20 = arith.constant 0 : index
    %get3A_21 = vector.load %arg6[%get3A_19, %get3A_20] : memref<128x128xf32, #tpu.memory_space<vmem>>, vector<128x128xf32>
    %dot_general3A = arith.constant dense<0.000000e+00> : vector<512x128xf32>
    %dot_general3A_22 = tpu.matmul %max3A_18, %get3A_21, %dot_general3A {dimension_numbers = #tpu.dot_dimension_numbers<[1], [0], [0], [1], [0, 0, 1, 1], [], []>, transpose_lhs_hint = false} : vector<512x128xf32>, vector<128x128xf32>, vector<512x128xf32> -> vector<512x128xf32>
    %mul3A_23 = vector.broadcast %get3A_1 : vector<512x1xf32> to vector<512x128xf32>
    %mul3A_24 = arith.mulf %mul3A_23, %dot_general3A_22 : vector<512x128xf32>
    %swap3A = arith.constant 0 : index
    %swap3A_25 = arith.constant 0 : index
    %swap3A_26 = vector.load %arg7[%swap3A, %swap3A_25] : memref<512x128xf32, #tpu.memory_space<vmem>>, vector<512x128xf32>
    tpu.vector_store %arg7[%swap3A, %swap3A_25], %mul3A_24 {strides = array<i32>} : memref<512x128xf32, #tpu.memory_space<vmem>>, vector<512x128xf32>,
    return
  }
  func.func @transform_0(%arg0: i32) -> (i32, i32) {
    %c0_i32 = arith.constant 0 : i32
    %c0_i32_0 = arith.constant 0 : i32
    return %arg0, %c0_i32 : i32, i32
  }
  func.func @transform_1(%arg0: i32) -> (i32, i32) {
    %c0_i32 = arith.constant 0 : i32
    %c0_i32_0 = arith.constant 0 : i32
    return %arg0, %c0_i32 : i32, i32
  }
  func.func @transform_2(%arg0: i32) -> (i32, i32) {
    %c0_i32 = arith.constant 0 : i32
    %c0_i32_0 = arith.constant 0 : i32
    return %arg0, %c0_i32 : i32, i32
  }
  func.func @transform_3(%arg0: i32) -> (i32, i32) {
    %c0_i32 = arith.constant 0 : i32
    %c0_i32_0 = arith.constant 0 : i32
    return %arg0, %c0_i32 : i32, i32
  }
  func.func @transform_4(%arg0: i32) -> i32 {
    %c0_i32 = arith.constant 0 : i32
    %c0_i32_0 = arith.constant 0 : i32
    return %c0_i32 : i32
  }
  func.func @transform_5(%arg0: i32) -> (i32, i32) {
    %c0_i32 = arith.constant 0 : i32
    %c0_i32_0 = arith.constant 0 : i32
    %c0_i32_1 = arith.constant 0 : i32
    return %c0_i32, %c0_i32_0 : i32, i32
  }
  func.func @transform_6(%arg0: i32) -> (i32, i32) {
    %c0_i32 = arith.constant 0 : i32
    %c0_i32_0 = arith.constant 0 : i32
    return %arg0, %c0_i32 : i32, i32
  }
}

module attributes {stable_mosaic.version = 14 : i64} {
  func.func @_mid_body(%arg0: i32, %arg1: memref<512x128xf32, #tpu.memory_space<vmem>>, %arg2: memref<512x128xf32, #tpu.memory_space<vmem>>, %arg3: memref<512x128xf32, #tpu.memory_space<vmem>>, %arg4: memref<512x1xf32, #tpu.memory_space<vmem>>, %arg5: memref<128xf32, #tpu.memory_space<vmem>>, %arg6: memref<128x64xf32, #tpu.memory_space<vmem>>, %arg7: memref<512x64xf32, #tpu.memory_space<vmem>>) attributes {dimension_semantics = [#tpu.dimension_semantics<arbitrary>], iteration_bounds = array<i64: 20>, scalar_prefetch = 0 : i64, scratch_operands = 0 : i64, tpu.core_type = #tpu.core_type<tc>, window_params = [{transform_indices = @transform_0, window_bounds = array<i64: 512, 128>}, {transform_indices = @transform_1, window_bounds = array<i64: 512, 128>}, {transform_indices = @transform_2, window_bounds = array<i64: 512, 128>}, {transform_indices = @transform_3, window_bounds = array<i64: 512, 1>}, {pipeline_mode = #tpu.pipeline_mode<synchronous>, transform_indices = @transform_4, window_bounds = array<i64: 128>}, {pipeline_mode = #tpu.pipeline_mode<synchronous>, transform_indices = @transform_5, window_bounds = array<i64: 128, 64>}, {transform_indices = @transform_6, window_bounds = array<i64: 512, 64>}]} {
    %get3A = arith.constant 0 : index
    %get3A_0 = arith.constant 0 : index
    %get3A_1 = vector.load %arg4[%get3A, %get3A_0] : memref<512x1xf32, #tpu.memory_space<vmem>>, vector<512x1xf32>
    %get3A_2 = arith.constant 0 : index
    %get3A_3 = arith.constant 0 : index
    %get3A_4 = vector.load %arg1[%get3A_2, %get3A_3] : memref<512x128xf32, #tpu.memory_space<vmem>>, vector<512x128xf32>
    %get3A_5 = arith.constant 0 : index
    %get3A_6 = arith.constant 0 : index
    %get3A_7 = vector.load %arg2[%get3A_5, %get3A_6] : memref<512x128xf32, #tpu.memory_space<vmem>>, vector<512x128xf32>
    %add3A = arith.addf %get3A_4, %get3A_7 : vector<512x128xf32>
    %get3A_8 = arith.constant 0 : index
    %get3A_9 = arith.constant 0 : index
    %get3A_10 = vector.load %arg3[%get3A_8, %get3A_9] : memref<512x128xf32, #tpu.memory_space<vmem>>, vector<512x128xf32>
    %add3A_11 = arith.addf %add3A, %get3A_10 : vector<512x128xf32>
    %mul3A = vector.broadcast %get3A_1 : vector<512x1xf32> to vector<512x128xf32>
    %mul3A_12 = arith.mulf %mul3A, %add3A_11 : vector<512x128xf32>
    %get3A_13 = arith.constant 0 : index
    %get3A_14 = vector.load %arg5[%get3A_13] : memref<128xf32, #tpu.memory_space<vmem>>, vector<128xf32>
    %broadcast_in_dim3A = vector.shape_cast %get3A_14 : vector<128xf32> to vector<1x128xf32>
    %add3A_15 = vector.broadcast %broadcast_in_dim3A : vector<1x128xf32> to vector<512x128xf32>
    %add3A_16 = arith.addf %mul3A_12, %add3A_15 : vector<512x128xf32>
    %max3A = arith.constant 0.000000e+00 : f32
    %max3A_17 = vector.broadcast %max3A : f32 to vector<512x128xf32>
    %max3A_18 = arith.maximumf %add3A_16, %max3A_17 : vector<512x128xf32>
    %get3A_19 = arith.constant 0 : index
    %get3A_20 = arith.constant 0 : index
    %get3A_21 = vector.load %arg6[%get3A_19, %get3A_20] : memref<128x64xf32, #tpu.memory_space<vmem>>, vector<128x64xf32>
    %dot_general3A = arith.constant dense<0.000000e+00> : vector<512x64xf32>
    %dot_general3A_22 = tpu.matmul %max3A_18, %get3A_21, %dot_general3A {dimension_numbers = #tpu.dot_dimension_numbers<[1], [0], [0], [1], [0, 0, 1, 1], [], []>, transpose_lhs_hint = false} : vector<512x128xf32>, vector<128x64xf32>, vector<512x64xf32> -> vector<512x64xf32>
    %mul3A_23 = vector.broadcast %get3A_1 : vector<512x1xf32> to vector<512x64xf32>
    %mul3A_24 = arith.mulf %mul3A_23, %dot_general3A_22 : vector<512x64xf32>
    %swap3A = arith.constant 0 : index
    %swap3A_25 = arith.constant 0 : index
    %swap3A_26 = vector.load %arg7[%swap3A, %swap3A_25] : memref<512x64xf32, #tpu.memory_space<vmem>>, vector<512x64xf32>
    tpu.vector_store %arg7[%swap3A, %swap3A_25], %mul3A_24 {strides = array<i32>} : memref<512x64xf32, #tpu.memory_space<vmem>>, vector<512x64xf32>,
    return
  }
  func.func @transform_0(%arg0: i32) -> (i32, i32) {
    %c0_i32 = arith.constant 0 : i32
    %c0_i32_0 = arith.constant 0 : i32
    return %arg0, %c0_i32 : i32, i32
  }
  func.func @transform_1(%arg0: i32) -> (i32, i32) {
    %c0_i32 = arith.constant 0 : i32
    %c0_i32_0 = arith.constant 0 : i32
    return %arg0, %c0_i32 : i32, i32
  }
  func.func @transform_2(%arg0: i32) -> (i32, i32) {
    %c0_i32 = arith.constant 0 : i32
    %c0_i32_0 = arith.constant 0 : i32
    return %arg0, %c0_i32 : i32, i32
  }
  func.func @transform_3(%arg0: i32) -> (i32, i32) {
    %c0_i32 = arith.constant 0 : i32
    %c0_i32_0 = arith.constant 0 : i32
    return %arg0, %c0_i32 : i32, i32
  }
  func.func @transform_4(%arg0: i32) -> i32 {
    %c0_i32 = arith.constant 0 : i32
    %c0_i32_0 = arith.constant 0 : i32
    return %c0_i32 : i32
  }
  func.func @transform_5(%arg0: i32) -> (i32, i32) {
    %c0_i32 = arith.constant 0 : i32
    %c0_i32_0 = arith.constant 0 : i32
    %c0_i32_1 = arith.constant 0 : i32
    return %c0_i32, %c0_i32_0 : i32, i32
  }
  func.func @transform_6(%arg0: i32) -> (i32, i32) {
    %c0_i32 = arith.constant 0 : i32
    %c0_i32_0 = arith.constant 0 : i32
    return %arg0, %c0_i32 : i32, i32
  }
}

module attributes {stable_mosaic.version = 14 : i64} {
  func.func @_post_body(%arg0: i32, %arg1: memref<512x64xf32, #tpu.memory_space<vmem>>, %arg2: memref<512x64xf32, #tpu.memory_space<vmem>>, %arg3: memref<512x64xf32, #tpu.memory_space<vmem>>, %arg4: memref<512x1xf32, #tpu.memory_space<vmem>>, %arg5: memref<64xf32, #tpu.memory_space<vmem>>, %arg6: memref<512x64xf32, #tpu.memory_space<vmem>>) attributes {dimension_semantics = [#tpu.dimension_semantics<arbitrary>], iteration_bounds = array<i64: 20>, scalar_prefetch = 0 : i64, scratch_operands = 0 : i64, tpu.core_type = #tpu.core_type<tc>, window_params = [{transform_indices = @transform_0, window_bounds = array<i64: 512, 64>}, {transform_indices = @transform_1, window_bounds = array<i64: 512, 64>}, {transform_indices = @transform_2, window_bounds = array<i64: 512, 64>}, {transform_indices = @transform_3, window_bounds = array<i64: 512, 1>}, {pipeline_mode = #tpu.pipeline_mode<synchronous>, transform_indices = @transform_4, window_bounds = array<i64: 64>}, {transform_indices = @transform_5, window_bounds = array<i64: 512, 64>}]} {
    %get3A = arith.constant 0 : index
    %get3A_0 = arith.constant 0 : index
    %get3A_1 = vector.load %arg4[%get3A, %get3A_0] : memref<512x1xf32, #tpu.memory_space<vmem>>, vector<512x1xf32>
    %get3A_2 = arith.constant 0 : index
    %get3A_3 = arith.constant 0 : index
    %get3A_4 = vector.load %arg1[%get3A_2, %get3A_3] : memref<512x64xf32, #tpu.memory_space<vmem>>, vector<512x64xf32>
    %get3A_5 = arith.constant 0 : index
    %get3A_6 = arith.constant 0 : index
    %get3A_7 = vector.load %arg2[%get3A_5, %get3A_6] : memref<512x64xf32, #tpu.memory_space<vmem>>, vector<512x64xf32>
    %add3A = arith.addf %get3A_4, %get3A_7 : vector<512x64xf32>
    %get3A_8 = arith.constant 0 : index
    %get3A_9 = arith.constant 0 : index
    %get3A_10 = vector.load %arg3[%get3A_8, %get3A_9] : memref<512x64xf32, #tpu.memory_space<vmem>>, vector<512x64xf32>
    %add3A_11 = arith.addf %add3A, %get3A_10 : vector<512x64xf32>
    %mul3A = vector.broadcast %get3A_1 : vector<512x1xf32> to vector<512x64xf32>
    %mul3A_12 = arith.mulf %mul3A, %add3A_11 : vector<512x64xf32>
    %get3A_13 = arith.constant 0 : index
    %get3A_14 = vector.load %arg5[%get3A_13] : memref<64xf32, #tpu.memory_space<vmem>>, vector<64xf32>
    %broadcast_in_dim3A = vector.shape_cast %get3A_14 : vector<64xf32> to vector<1x64xf32>
    %add3A_15 = vector.broadcast %broadcast_in_dim3A : vector<1x64xf32> to vector<512x64xf32>
    %add3A_16 = arith.addf %mul3A_12, %add3A_15 : vector<512x64xf32>
    %reduce_max3A = arith.constant dense<0xFF800000> : vector<512xf32>
    %reduce_max3A_17 = vector.multi_reduction <maximumf>, %add3A_16, %reduce_max3A [1] : vector<512x64xf32> to vector<512xf32>
    %broadcast_in_dim3A_18 = vector.shape_cast %reduce_max3A_17 : vector<512xf32> to vector<512x1xf32>
    %sub3A = vector.broadcast %broadcast_in_dim3A_18 : vector<512x1xf32> to vector<512x64xf32>
    %sub3A_19 = arith.subf %add3A_16, %sub3A : vector<512x64xf32>
    %exp3A = math.exp %sub3A_19 : vector<512x64xf32>
    %reduce_sum3A = arith.constant dense<0.000000e+00> : vector<512xf32>
    %reduce_sum3A_20 = vector.multi_reduction <add>, %exp3A, %reduce_sum3A [1] : vector<512x64xf32> to vector<512xf32>
    %broadcast_in_dim3A_21 = vector.shape_cast %reduce_sum3A_20 : vector<512xf32> to vector<512x1xf32>
    %sub3A_22 = vector.broadcast %broadcast_in_dim3A_18 : vector<512x1xf32> to vector<512x64xf32>
    %sub3A_23 = arith.subf %add3A_16, %sub3A_22 : vector<512x64xf32>
    %log3A = math.log %broadcast_in_dim3A_21 : vector<512x1xf32>
    %sub3A_24 = vector.broadcast %log3A : vector<512x1xf32> to vector<512x64xf32>
    %sub3A_25 = arith.subf %sub3A_23, %sub3A_24 : vector<512x64xf32>
    %swap3A = arith.constant 0 : index
    %swap3A_26 = arith.constant 0 : index
    %swap3A_27 = vector.load %arg6[%swap3A, %swap3A_26] : memref<512x64xf32, #tpu.memory_space<vmem>>, vector<512x64xf32>
    tpu.vector_store %arg6[%swap3A, %swap3A_26], %sub3A_25 {strides = array<i32>} : memref<512x64xf32, #tpu.memory_space<vmem>>, vector<512x64xf32>,
    return
  }
  func.func @transform_0(%arg0: i32) -> (i32, i32) {
    %c0_i32 = arith.constant 0 : i32
    %c0_i32_0 = arith.constant 0 : i32
    return %arg0, %c0_i32 : i32, i32
  }
  func.func @transform_1(%arg0: i32) -> (i32, i32) {
    %c0_i32 = arith.constant 0 : i32
    %c0_i32_0 = arith.constant 0 : i32
    return %arg0, %c0_i32 : i32, i32
  }
  func.func @transform_2(%arg0: i32) -> (i32, i32) {
    %c0_i32 = arith.constant 0 : i32
    %c0_i32_0 = arith.constant 0 : i32
    return %arg0, %c0_i32 : i32, i32
  }
  func.func @transform_3(%arg0: i32) -> (i32, i32) {
    %c0_i32 = arith.constant 0 : i32
    %c0_i32_0 = arith.constant 0 : i32
    return %arg0, %c0_i32 : i32, i32
  }
  func.func @transform_4(%arg0: i32) -> i32 {
    %c0_i32 = arith.constant 0 : i32
    %c0_i32_0 = arith.constant 0 : i32
    return %c0_i32 : i32
  }
  func.func @transform_5(%arg0: i32) -> (i32, i32) {
    %c0_i32 = arith.constant 0 : i32
    %c0_i32_0 = arith.constant 0 : i32
    return %arg0, %c0_i32 : i32, i32
  }
}

</mosaic_0001>

<sc_bundles>
// kernel: kernel.10.cloned.1.call-start
scs
__scs_entry_jumppad:
0x0: {  	(pc) =	sbr.rel $0x88, $3  }
0x1: {  	(tag) =	ssettag $0x0;
	lr =	simm.s32 $0x1  }
0x2: {  	[smem:$0x3F99] =	sst lr;
	_ =	strace $0xD0000000  }
0x3: {  	_ = 	snop  }
0x4: {  	_ = 	snop  }
0x5: {  	_ = 	snop  }
0x6: {  	_ = 	snop  }
0x7: {  	_ = 	snop  }
__scs_overlays_trampoline_lowered:
0x8: {  	[smem:$0x3FA8] =	sst s0  }
0x9: {  	[smem:$0x3FA9] =	sst s1  }
0xa: {  	[smem:$0x3FAA] =	sst s2  }
0xb: {  	[smem:$0x3FAB] =	sst s3  }
0xc: {  	[smem:$0x3FAC] =	sst s4  }
0xd: {  	[smem:$0x3FAD] =	sst s5  }
0xe: {  	[smem:$0x3FAE] =	sst s6  }
0xf: {  	[smem:$0x3FAF] =	sst s7  }
0x10: {  	[smem:$0x3FB0] =	sst s8  }
0x11: {  	[smem:$0x3FB1] =	sst s9;
	s0 =	simm.s32 @!p0 $0x0  }
0x12: {  	s1 =	sld [smem:$0x3F97];
	s0 =	simm.s32 @p0 $0x1  }
0x13: {  	[smem:$0x3FB2] =	sst s0;
	s0 =	simm.s32 @!p1 $0x0  }
0x14: {  	s2 =	sld [smem:$0x3F96];
	s0 =	simm.s32 @p1 $0x1  }
0x15: {  	[smem:$0x3FB3] =	sst s0;
	s0 =	simm.s32 @!p2 $0x0  }
0x16: {  	s3 =	sld [smem:$0x3FDB];
	s0 =	simm.s32 @p2 $0x1  }
0x17: {  	s4 =	simm.s32 $0x1BF5;
	[smem:$0x3FB5] =	sst s0  }
0x18: {  	s0 =	sld [smem:$0x3F98];
	_ =	swait.ge [sflag:s4], $0x0  }
0x19: {  	s7 =	sld [smem:$0x3F99]  }
0x1a: {  	s8 =	sadd.s32 $0xFFFFE003, lr  }
0x1b: {  	s9 =	sadd.s32 $0xFFFFFEF7, lr;
	s5 =	simm.s32 $0xFFFFFFFF;
	p2 =	slt.u32 s8, $0xFFFFF086  }
0x1c: {  	p1 =	slt.u32 s9, $0xF7A;
	s5 =	simm.s32 @!p2 $0x0  }
0x1d: {  	s5 =	simm.s32 @p1 $0x1;
	p0 =	seq.s32 s7, s2  }
0x1e: {  	s7 =	smul.u32 @!p0 $0xF7A, s2;
	p2 =	seq.s32 @!p0 s5, $0x0  }
0x1f: {  	s9 =	smul.u32 $0xF7A, s1;
	s8 =	simm.s32 @!p0 $0x1BF5;
	p2 =	por !p2, p0  }
0x20: {  	[sflag:s8] =	ssyncset.s32 @!p0 $0xFFFFF086;
	s6 =	sadd.s32 @!p0 s3, s7;
	s7 =	simm.s32 @!p0 $0x108  }
0x21: {  	s3 =	sadd.s32 s3, s9;
	s6 =	sadd.s32 @!p0 $0x88, s6;
	s7 =	simm.s32 @p2 $0x1082  }
0x22: {  	[simem:s7], [sflag:s8] =	dma.local @!p0 [hbm:s6], $0xF7A  }
0x23: {  	s9 =	sor.u32 $0xD0000000, s2;
	s6 =	simm.s32 $0x108;
	_ =	swait.ge @!p0 [sflag:s8], $0x0  }
0x24: {  	s3 =	sadd.s32 $0x88, s3;
	s6 =	simm.s32 @!p1 $0x1082;
	[sflag:s4] =	ssyncset.s32 $0xFFFFF086  }
0x25: {  	[simem:s6], [sflag:s4] =	dma.local [hbm:s3], $0xF7A  }
0x26: {  	[smem:$0x3F99] =	sst s1;
	(tag) =	ssettag s2;
	_ =	strace s9  }
0x27: {  	s1 =	sld [smem:$0x3FA9]  }
0x28: {  	s2 =	sld [smem:$0x3FAA]  }
0x29: {  	s4 =	sld [smem:$0x3FAC]  }
0x2a: {  	p0 =	seq.s32 s5, $0x0;
	s5 =	sld [smem:$0x3FAD]  }
0x2b: {  	s6 =	sld [smem:$0x3FAE]  }
0x2c: {  	s7 =	sld [smem:$0x3FAF]  }
0x2d: {  	s3 =	simm.s32 $0x108;
	s8 =	sld [smem:$0x3FB0]  }
0x2e: {  	s3 =	simm.s32 @!p0 $0x1082;
	s9 =	sld [smem:$0x3FB1]  }
0x2f: {  	lr =	sadd.s32 s0, s3;
	s0 =	sld [smem:$0x3FA8]  }
0x30: {  	s3 =	sld [smem:$0x3FAB]  }
0x31: {  	[smem:$0x3FB4] =	sst s10  }
0x32: {  	s10 =	sld [smem:$0x3FB2];
	_ =	sdelay $0x3  }
0x33: {  	p0 =	seq.s32 s10, $0x1;
	s10 =	sld [smem:$0x3FB4];
	_ =	sdelay $0x3  }
0x34: {  	[smem:$0x3FB4] =	sst s10  }
0x35: {  	s10 =	sld [smem:$0x3FB3];
	_ =	sdelay $0x3  }
0x36: {  	p1 =	seq.s32 s10, $0x1;
	s10 =	sld [smem:$0x3FB4];
	_ =	sdelay $0x3  }
0x37: {  	[smem:$0x3FB4] =	sst s10  }
0x38: {  	s10 =	sld [smem:$0x3FB5]  }
0x39: {  	_ = 	snop;
	(pc) =	sbr.ind lr, $3  }
0x3a: {  	_ = 	snop  }
0x3b: {  	_ = 	snop  }
0x3c: {  	p2 =	seq.s32 s10, $0x1;
	s10 =	sld [smem:$0x3FB4]  }
0x3d: {  	_ =	shalt  }
0x3e: {  	_ =	shalt  }
0x3f: {  	_ =	shalt  }
0x40: {  	_ =	shalt  }
0x41: {  	_ =	shalt  }
0x42: {  	_ =	shalt  }
0x43: {  	_ =	shalt  }
0x44: {  	_ =	shalt  }
0x45: {  	_ =	shalt  }
0x46: {  	_ =	shalt  }
0x47: {  	_ =	shalt  }
0x48: {  	_ =	shalt  }
0x49: {  	_ =	shalt  }
0x4a: {  	_ =	shalt  }
0x4b: {  	_ =	shalt  }
0x4c: {  	_ =	shalt  }
0x4d: {  	_ =	shalt  }
0x4e: {  	_ =	shalt  }
0x4f: {  	_ =	shalt  }
0x50: {  	_ =	shalt  }
0x51: {  	_ =	shalt  }
0x52: {  	_ =	shalt  }
0x53: {  	_ =	shalt  }
0x54: {  	_ =	shalt  }
0x55: {  	_ =	shalt  }
0x56: {  	_ =	shalt  }
0x57: {  	_ =	shalt  }
0x58: {  	_ =	shalt  }
0x59: {  	_ =	shalt  }
0x5a: {  	_ =	shalt  }
0x5b: {  	_ =	shalt  }
0x5c: {  	_ =	shalt  }
0x5d: {  	_ =	shalt  }
0x5e: {  	_ =	shalt  }
0x5f: {  	_ =	shalt  }
0x60: {  	_ =	shalt  }
0x61: {  	_ =	shalt  }
0x62: {  	_ =	shalt  }
0x63: {  	_ =	shalt  }
0x64: {  	_ =	shalt  }
0x65: {  	_ =	shalt  }
0x66: {  	_ =	shalt  }
0x67: {  	_ =	shalt  }
0x68: {  	_ =	shalt  }
0x69: {  	_ =	shalt  }
0x6a: {  	_ =	shalt  }
0x6b: {  	_ =	shalt  }
0x6c: {  	_ =	shalt  }
0x6d: {  	_ =	shalt  }
0x6e: {  	_ =	shalt  }
0x6f: {  	_ =	shalt  }
0x70: {  	_ =	shalt  }
0x71: {  	_ =	shalt  }
0x72: {  	_ =	shalt  }
0x73: {  	_ =	shalt  }
0x74: {  	_ =	shalt  }
0x75: {  	_ =	shalt  }
0x76: {  	_ =	shalt  }
0x77: {  	_ =	shalt  }
0x78: {  	_ =	shalt  }
0x79: {  	_ =	shalt  }
0x7a: {  	_ =	shalt  }
0x7b: {  	_ =	shalt  }
0x7c: {  	_ =	shalt  }
0x7d: {  	_ =	shalt  }
0x7e: {  	_ =	shalt  }
0x7f: {  	_ =	shalt  }
0x80: {  	_ =	shalt  }
0x81: {  	_ =	shalt  }
0x82: {  	_ =	shalt  }
0x83: {  	_ =	shalt  }
0x84: {  	_ =	shalt  }
0x85: {  	_ =	shalt  }
0x86: {  	_ =	shalt  }
0x87: {  	_ =	shalt  }
.Lfunc_end0:
.L_simem_size_0:
called_computation_lowered:
.L_overlay_start_0:
0x88: {  	s2 =	sld [smem:$0x3FD9]  }
0x89: {  	s3 =	sld [smem:$0x3FFE];
	_ =	sdelay $0x1  }
0x8a: {  	s1 =	srdreg.scid  }
0x8b: {  	s0 =	sand.u32 $0x1, s1  }
0x8c: {  	s17 =	sshll.u32 s0, $0xA;
	s2 =	sadd.s32 s3, s2  }
0x8d: {  	s2 =	sadd.s32 s2, s17  }
0x8e: {  	[smem:$0x3FC0] =	sst s2  }
0x8f: {  	_ = 	snop  }
0x90: {  	s2 =	sld [smem:$0x3FD0];
	(tm) =	ssettm $0x1  }
0x91: {  	s18 =	sld [smem:$0x3FFB];
	_ =	sdelay $0x3  }
0x92: {  	_ =	strace s18  }
0x93: {  	s3 =	sld [smem:$0x3FFC];
	_ =	sdelay $0x3  }
0x94: {  	_ =	strace s3  }
0x95: {  	s3 =	sld [smem:$0x3FFD];
	_ =	sdelay $0x3  }
0x96: {  	_ =	strace s3  }
0x97: {  	_ =	strace $0x8FFFFFFF  }
0x98: {  	s19 =	sld [smem:$0x3FDB];
	_ =	sdelay $0x1  }
0x99: {  	s4 =	simm.s32 $_scs_section_size  }
0x9a: {  	s5 =	simm.s32 $_size__tile_overlayer_lowered;
	s6 =	simm.s32 $_tile_overlayer_lowered  }
0x9b: {  	s22 =	simm.s32 $0x1BFF;
	s21 =	sshll.u32 s6, $0x1;
	s3 =	sadd.s32 s4, s19  }
0x9c: {  	s7 =	simm.s32 $0x0;
	s20 =	sshll.u32 s5, $0x1;
	s5 =	sadd.s32 s21, s3  }
0x9d: {  	[timem:s7], [sflag:s22] =	dma.local [hbm:s5], s20  }
0x9e: {  	_ =	swait.ge [sflag:s22], s20  }
0x9f: {  	s4 =	ssub.s32 $0x0, s20;
	[sflag:s22] =	ssyncset.done $0x0  }
0xa0: {  	[sflag:s22] =	ssyncadd.s32 s4;
	_ =	sdelay $0x1  }
0xa1: {  	s23 =	simm.s32 $0x1B8B  }
0xa2: {  	_ =	swait.ge [sflag:s23], $0x1  }
0xa3: {  	[sflag:s23] =	ssyncset.done $0x0  }
0xa4: {  	s25 =	simm.s32 $0x1B8E;
	s24 =	sld [smem:$0x3FFE];
	[sflag:s23] =	ssyncadd.s32 $0xFFFFFFFF  }
0xa5: {  	s26 =	simm.s32 $execute0_lowered;
	[smem:$0x3FD2] =	sst s25  }
0xa6: {  	s5 =	sshll.u32 s26, $0x1;
	_ =	strace $0x80000046;
	[dreg:$0x1] =	wrdreg $0xFFFFFFFF  }
0xa7: {  	s28 =	simm.s32 $_size_execute0_lowered;
	s3 =	sadd.s32 s3, s5;
	[dreg:$0x0] =	wrdreg $0x0  }
0xa8: {  	s5 =	sshll.u32 s28, $0x1;
	[dreg:$0x2] =	wrdreg s3  }
0xa9: {  	[dreg:$0x3] =	wrdreg s5  }
0xaa: {  	[dreg:$0x4] =	wrdreg $0xC0  }
0xab: {  	_ =	task [dreg:s7], $0x5FFFF  }
0xac: {  	[dreg:$0x1] =	wrdreg $0xFFFFFFFF  }
0xad: {  	[dreg:$0x0] =	wrdreg $0x60  }
0xae: {  	[dreg:$0x2] =	wrdreg s24  }
0xaf: {  	[dreg:$0x3] =	wrdreg s2  }
0xb0: {  	[dreg:$0x4] =	wrdreg $0x9  }
0xb1: {  	_ =	task.clear_ibuf [dreg:s7], $0x5FFFF;
	_ =	strace $0x90000046  }
0xb2: {  	s29 =	simm.s32 $0x9;
	_ =	strace $0x80000048  }
0xb3: {  	_ =	swait.ge [sflag:s29], $0x1  }
0xb4: {  	[sflag:s29] =	ssyncadd.s32 $0xFFFFFFFF  }
0xb5: {  	_ =	strace $0x90000048  }
0xb6: {  	_ =	sfence  }
0xb7: {  	s30 =	sld [smem:$0x0];
	_ =	sdelay $0x2  }
0xb8: {  	s31 =	sshll.u32 s1, $0xD;
	s1 =	sshrl.u32 s1, $0x2  }
0xb9: {  	s3 =	sand.u32 $0x4000, s31;
	s1 =	sadd.s32 s1, s30  }
0xba: {  	s0 =	sor.u32 s3, s0;
	s1 =	sshll.u32 s1, $0x11  }
0xbb: {  	s0 =	sor.u32 s1, s0  }
0xbc: {  	s0 =	sadd.s32 $0x8F2B, s0  }
0xbd: {  	[sflag:s0] =	ssyncadd.remote.s32 $0x1  }
0xbe: {  	_ =	sfence.sel $0xFFFF  }
0xbf: {  	[dreg:$0x0] =	wrdreg $0xFFFFFFFF;
	(pc) =	sbr.abs _section_cstart, $3  }
0xc0: {  	[dreg:$0x1] =	wrdreg $0xFFFFFFFF  }
0xc1: {  	_ =	task.clear_ibuf [dreg:s7], $0x2FFFF;
	_ =	strace $0x9FFFFFFF  }
0xc2: {  	(tm) =	ssettm $0x7FFFFFFF  }
0xc3: {  	_ =	shalt  }
tec
execute0_lowered:
.L_overlay_start_1:
0x0: {  	(tag) =	ssettag $0x1  }
0x1: {  	s3 =	rddreg [dreg:$0x0]  }
0x2: {  	s1 =	srdreg.scid;
	s0 =	stileid.u32  }
0x3: {  	s4 =	rddreg [dreg:$0x1];
	s5 =	sand.u32 $0x1, s1;
	s2 =	sshll.u32 s0, $0x1  }
0x4: {  	s1 =	rddreg [dreg:$0x2];
	s6 =	sor.u32 s5, s2  }
0x5: {  	s2 =	simm.s32 $0x0;
	s5 =	ssub.s32 $0x2, s5;
	s7 =	smul.u32 $0x4E2, s6  }
0x6: {  	[smem:$0x7FF] =	sst s2;
	s8 =	sshrl.u32 s5, $0x1;
	s6 =	smul.u32 $0x500, s6  }
0x7: {  	_ =	strace $0x80000047;
	s5 =	ssub.s32 s5, s8;
	s8 =	simm.s32 $0x0  }
0x8: {  	s3 =	sadd.s32 s7, s3;
	s4 =	sadd.s32 s4, s6;
	s5 =	smax.u32 s5, $0x1  }
0x9: {  	v0 =	vimm.f32 $0.0e+00;
	v1 =	vimm.f32 $1.000000000e+00;
	s6 =	simm.s32 $0x1;
	s7 =	simm.s32 $0x2710;
	s3 =	sadd.s32 $0xCC00, s3  }
.LBB2_1:
0xa: {  	[tilespmem:s2], [sflag:$0x1] =	stream.linear.gather [hbm4b:s3+s2], $0x2710, $0x38;
	[tilespmem:$0x4F10] =	vst v63  }
0xb: {  	_ =	swait.ge [sflag:s6], $0x2710  }
0xc: {  	[sflag:s6] =	ssyncset.done $0x0  }
0xd: {  	s9 =	simm.s32 $0x0;
	[sflag:s6] =	ssyncadd.s32 $0xFFFFD8F0  }
.LBB2_2:
0xe: {  	p0 =	sne.s32 s9, $0x9FC0  }
.Ltmp0:
0xf: {  	_ = 	snop;
	(pc) =	sbr.rel @p0 .LBB2_2-.Ltmp0, $3  }
0x10: {  	_ =	sdelay $0x1  }
0x11: {  	s10 =	sshra.s32 s9, $0x2  }
0x12: {  	s9 =	sadd.s32 $0x40, s9;
	[tilespmem:s10+$0x2710] =	vst v0  }
0x13: {  	s10 =	simm.s32 $0x0;
	s9 =	simm.s32 $0x40  }
.LBB2_4:
0x14: {  	p0 =	sne.s32 s9, $0x9C00;
	v2 =	vld [tilespmem:s10+$0x0];
	_ =	sdelay $0x3  }
.Ltmp1:
0x15: {  	(pc) =	sbr.rel @p0 .LBB2_4-.Ltmp1, $2  }
0x16: {  	_ =	sdelay $0x2  }
0x17: {  	s10 =	sshra.s32 s9, $0x2;
	s9 =	sadd.s32 $0x40, s9;
	[tilespmem:v2+s7+$0x0] =	vst.idx.add.f32.msk $0xffff, v1  }
0x18: {  	v2 =	vld [tilespmem:s10+$0x0];
	_ =	sdelay $0x5  }
0x19: {  	s8 =	sadd.s32 $0x1, s8  }
0x1a: {  	p0 =	sne.s32 s8, s5  }
.Ltmp2:
0x1b: {  	[tilespmem:v2+s7+$0x0] =	vst.idx.add.f32.msk $0xffff, v1;
	(pc) =	sbr.rel @p0 .LBB2_1-.Ltmp2, $4  }
0x1c: {  	[hbm4b:s4+s2] =	stream.linear.scatter [tilespmem:s7], [sflag:$0x1], $0x2800, $0x38;
	[tilespmem:$0x4F10] =	vst v63  }
0x1d: {  	_ =	swait.ge [sflag:s6], $0x2800  }
0x1e: {  	[sflag:s6] =	ssyncset.done $0x0  }
0x1f: {  	[sflag:s6] =	ssyncadd.s32 $0xFFFFD800  }
0x20: {  	_ =	sfence.sel $0x180000  }
0x21: {  	[bflag:$0x0] =	sbarrier.arrive $0xFFFF  }
0x22: {  	p0 =	sne.s32 s0, $0x0;
	_ =	strace $0x90000047  }
0x23: {  	s0 =	sadd.s32 @!p0 $0x100000, s1;
	[bflag:$0x2] =	sbarrier.arrive $0xFFFF  }
0x24: {  	[sflag:s0] =	ssyncadd.tile.s32 @!p0 $0x1;
	_ =	shalt  }
.Lfunc_end2:
_tile_overlayer_lowered:
.L_overlay_start_2:
0x25: {  	(tag) =	ssettag $0x2  }
0x26: {  	s0 =	rddreg [dreg:$0x0];
	s2 =	stileid.u32  }
0x27: {  	s1 =	rddreg [dreg:$0x1];
	p0 =	sne.s32 s2, $0x0  }
0x28: {  	s3 =	rddreg [dreg:$0x2];
	[bflag:$0x3] =	sbarrier.arrive $0xFFFF;
	s2 =	simm.s32 @!p0 $0x1C01  }
0x29: {  	[timem:s3], [sflag:s2] =	dma.local @!p0 [hbm:s0], s1  }
0x2a: {  	s0 =	simm.s32 @!p0 $0x1  }
0x2b: {  	_ =	swait.ge @!p0 [sflag:s0], s1  }
0x2c: {  	s1 =	ssub.s32 @!p0 $0x0, s1;
	[sflag:s0] =	ssyncset.done @!p0 $0x0  }
0x2d: {  	[sflag:s0] =	ssyncadd.s32 @!p0 s1  }
0x2e: {  	[bflag:$0x3] =	sbarrier.arrive $0xFFFF  }
0x2f: {  	_ =	shalt  }

// kernel: kernel.13.cloned.1.call-start
scs
__scs_entry_jumppad:
0x0: {  	(pc) =	sbr.rel $0x88, $3  }
0x1: {  	(tag) =	ssettag $0x0;
	lr =	simm.s32 $0x1  }
0x2: {  	[smem:$0x3F99] =	sst lr;
	_ =	strace $0xD0000000  }
0x3: {  	_ = 	snop  }
0x4: {  	_ = 	snop  }
0x5: {  	_ = 	snop  }
0x6: {  	_ = 	snop  }
0x7: {  	_ = 	snop  }
__scs_overlays_trampoline_lowered:
0x8: {  	[smem:$0x3FA8] =	sst s0  }
0x9: {  	[smem:$0x3FA9] =	sst s1  }
0xa: {  	[smem:$0x3FAA] =	sst s2  }
0xb: {  	[smem:$0x3FAB] =	sst s3  }
0xc: {  	[smem:$0x3FAC] =	sst s4  }
0xd: {  	[smem:$0x3FAD] =	sst s5  }
0xe: {  	[smem:$0x3FAE] =	sst s6  }
0xf: {  	[smem:$0x3FAF] =	sst s7  }
0x10: {  	[smem:$0x3FB0] =	sst s8  }
0x11: {  	[smem:$0x3FB1] =	sst s9;
	s0 =	simm.s32 @!p0 $0x0  }
0x12: {  	s1 =	sld [smem:$0x3F97];
	s0 =	simm.s32 @p0 $0x1  }
0x13: {  	[smem:$0x3FB2] =	sst s0;
	s0 =	simm.s32 @!p1 $0x0  }
0x14: {  	s2 =	sld [smem:$0x3F96];
	s0 =	simm.s32 @p1 $0x1  }
0x15: {  	[smem:$0x3FB3] =	sst s0;
	s0 =	simm.s32 @!p2 $0x0  }
0x16: {  	s3 =	sld [smem:$0x3FDB];
	s0 =	simm.s32 @p2 $0x1  }
0x17: {  	s4 =	simm.s32 $0x1BF5;
	[smem:$0x3FB5] =	sst s0  }
0x18: {  	s0 =	sld [smem:$0x3F98];
	_ =	swait.ge [sflag:s4], $0x0  }
0x19: {  	s7 =	sld [smem:$0x3F99]  }
0x1a: {  	s8 =	sadd.s32 $0xFFFFE003, lr  }
0x1b: {  	s9 =	sadd.s32 $0xFFFFFEF7, lr;
	s5 =	simm.s32 $0xFFFFFFFF;
	p2 =	slt.u32 s8, $0xFFFFF086  }
0x1c: {  	p1 =	slt.u32 s9, $0xF7A;
	s5 =	simm.s32 @!p2 $0x0  }
0x1d: {  	s5 =	simm.s32 @p1 $0x1;
	p0 =	seq.s32 s7, s2  }
0x1e: {  	s7 =	smul.u32 @!p0 $0xF7A, s2;
	p2 =	seq.s32 @!p0 s5, $0x0  }
0x1f: {  	s9 =	smul.u32 $0xF7A, s1;
	s8 =	simm.s32 @!p0 $0x1BF5;
	p2 =	por !p2, p0  }
0x20: {  	[sflag:s8] =	ssyncset.s32 @!p0 $0xFFFFF086;
	s6 =	sadd.s32 @!p0 s3, s7;
	s7 =	simm.s32 @!p0 $0x108  }
0x21: {  	s3 =	sadd.s32 s3, s9;
	s6 =	sadd.s32 @!p0 $0x88, s6;
	s7 =	simm.s32 @p2 $0x1082  }
0x22: {  	[simem:s7], [sflag:s8] =	dma.local @!p0 [hbm:s6], $0xF7A  }
0x23: {  	s9 =	sor.u32 $0xD0000000, s2;
	s6 =	simm.s32 $0x108;
	_ =	swait.ge @!p0 [sflag:s8], $0x0  }
0x24: {  	s3 =	sadd.s32 $0x88, s3;
	s6 =	simm.s32 @!p1 $0x1082;
	[sflag:s4] =	ssyncset.s32 $0xFFFFF086  }
0x25: {  	[simem:s6], [sflag:s4] =	dma.local [hbm:s3], $0xF7A  }
0x26: {  	[smem:$0x3F99] =	sst s1;
	(tag) =	ssettag s2;
	_ =	strace s9  }
0x27: {  	s1 =	sld [smem:$0x3FA9]  }
0x28: {  	s2 =	sld [smem:$0x3FAA]  }
0x29: {  	s4 =	sld [smem:$0x3FAC]  }
0x2a: {  	p0 =	seq.s32 s5, $0x0;
	s5 =	sld [smem:$0x3FAD]  }
0x2b: {  	s6 =	sld [smem:$0x3FAE]  }
0x2c: {  	s7 =	sld [smem:$0x3FAF]  }
0x2d: {  	s3 =	simm.s32 $0x108;
	s8 =	sld [smem:$0x3FB0]  }
0x2e: {  	s3 =	simm.s32 @!p0 $0x1082;
	s9 =	sld [smem:$0x3FB1]  }
0x2f: {  	lr =	sadd.s32 s0, s3;
	s0 =	sld [smem:$0x3FA8]  }
0x30: {  	s3 =	sld [smem:$0x3FAB]  }
0x31: {  	[smem:$0x3FB4] =	sst s10  }
0x32: {  	s10 =	sld [smem:$0x3FB2];
	_ =	sdelay $0x3  }
0x33: {  	p0 =	seq.s32 s10, $0x1;
	s10 =	sld [smem:$0x3FB4];
	_ =	sdelay $0x3  }
0x34: {  	[smem:$0x3FB4] =	sst s10  }
0x35: {  	s10 =	sld [smem:$0x3FB3];
	_ =	sdelay $0x3  }
0x36: {  	p1 =	seq.s32 s10, $0x1;
	s10 =	sld [smem:$0x3FB4];
	_ =	sdelay $0x3  }
0x37: {  	[smem:$0x3FB4] =	sst s10  }
0x38: {  	s10 =	sld [smem:$0x3FB5]  }
0x39: {  	_ = 	snop;
	(pc) =	sbr.ind lr, $3  }
0x3a: {  	_ = 	snop  }
0x3b: {  	_ = 	snop  }
0x3c: {  	p2 =	seq.s32 s10, $0x1;
	s10 =	sld [smem:$0x3FB4]  }
0x3d: {  	_ =	shalt  }
0x3e: {  	_ =	shalt  }
0x3f: {  	_ =	shalt  }
0x40: {  	_ =	shalt  }
0x41: {  	_ =	shalt  }
0x42: {  	_ =	shalt  }
0x43: {  	_ =	shalt  }
0x44: {  	_ =	shalt  }
0x45: {  	_ =	shalt  }
0x46: {  	_ =	shalt  }
0x47: {  	_ =	shalt  }
0x48: {  	_ =	shalt  }
0x49: {  	_ =	shalt  }
0x4a: {  	_ =	shalt  }
0x4b: {  	_ =	shalt  }
0x4c: {  	_ =	shalt  }
0x4d: {  	_ =	shalt  }
0x4e: {  	_ =	shalt  }
0x4f: {  	_ =	shalt  }
0x50: {  	_ =	shalt  }
0x51: {  	_ =	shalt  }
0x52: {  	_ =	shalt  }
0x53: {  	_ =	shalt  }
0x54: {  	_ =	shalt  }
0x55: {  	_ =	shalt  }
0x56: {  	_ =	shalt  }
0x57: {  	_ =	shalt  }
0x58: {  	_ =	shalt  }
0x59: {  	_ =	shalt  }
0x5a: {  	_ =	shalt  }
0x5b: {  	_ =	shalt  }
0x5c: {  	_ =	shalt  }
0x5d: {  	_ =	shalt  }
0x5e: {  	_ =	shalt  }
0x5f: {  	_ =	shalt  }
0x60: {  	_ =	shalt  }
0x61: {  	_ =	shalt  }
0x62: {  	_ =	shalt  }
0x63: {  	_ =	shalt  }
0x64: {  	_ =	shalt  }
0x65: {  	_ =	shalt  }
0x66: {  	_ =	shalt  }
0x67: {  	_ =	shalt  }
0x68: {  	_ =	shalt  }
0x69: {  	_ =	shalt  }
0x6a: {  	_ =	shalt  }
0x6b: {  	_ =	shalt  }
0x6c: {  	_ =	shalt  }
0x6d: {  	_ =	shalt  }
0x6e: {  	_ =	shalt  }
0x6f: {  	_ =	shalt  }
0x70: {  	_ =	shalt  }
0x71: {  	_ =	shalt  }
0x72: {  	_ =	shalt  }
0x73: {  	_ =	shalt  }
0x74: {  	_ =	shalt  }
0x75: {  	_ =	shalt  }
0x76: {  	_ =	shalt  }
0x77: {  	_ =	shalt  }
0x78: {  	_ =	shalt  }
0x79: {  	_ =	shalt  }
0x7a: {  	_ =	shalt  }
0x7b: {  	_ =	shalt  }
0x7c: {  	_ =	shalt  }
0x7d: {  	_ =	shalt  }
0x7e: {  	_ =	shalt  }
0x7f: {  	_ =	shalt  }
0x80: {  	_ =	shalt  }
0x81: {  	_ =	shalt  }
0x82: {  	_ =	shalt  }
0x83: {  	_ =	shalt  }
0x84: {  	_ =	shalt  }
0x85: {  	_ =	shalt  }
0x86: {  	_ =	shalt  }
0x87: {  	_ =	shalt  }
.Lfunc_end0:
.L_simem_size_0:
called_computation.1_lowered:
.L_overlay_start_0:
0x88: {  	s2 =	sld [smem:$0x3FD9]  }
0x89: {  	s3 =	sld [smem:$0x3FFE];
	_ =	sdelay $0x1  }
0x8a: {  	s1 =	srdreg.scid  }
0x8b: {  	s0 =	sand.u32 $0x1, s1  }
0x8c: {  	s16 =	sshll.u32 s0, $0xA;
	s2 =	sadd.s32 s3, s2  }
0x8d: {  	s2 =	sadd.s32 s2, s16  }
0x8e: {  	[smem:$0x3FC0] =	sst s2  }
0x8f: {  	_ = 	snop  }
0x90: {  	(tm) =	ssettm $0x1  }
0x91: {  	s17 =	sld [smem:$0x3FFB];
	_ =	sdelay $0x3  }
0x92: {  	_ =	strace s17  }
0x93: {  	s2 =	sld [smem:$0x3FFC];
	_ =	sdelay $0x3  }
0x94: {  	_ =	strace s2  }
0x95: {  	s2 =	sld [smem:$0x3FFD];
	_ =	sdelay $0x3  }
0x96: {  	_ =	strace s2  }
0x97: {  	_ =	strace $0x8FFFFFFF  }
0x98: {  	s18 =	sld [smem:$0x3FDB];
	_ =	sdelay $0x1  }
0x99: {  	s19 =	simm.s32 $_scs_section_size  }
0x9a: {  	s4 =	simm.s32 $_size__tile_overlayer_lowered;
	s5 =	simm.s32 $_tile_overlayer_lowered  }
0x9b: {  	s22 =	simm.s32 $0x1BFF;
	s21 =	sshll.u32 s5, $0x1;
	s2 =	sadd.s32 s19, s18  }
0x9c: {  	s6 =	simm.s32 $0x0;
	s20 =	sshll.u32 s4, $0x1;
	s4 =	sadd.s32 s21, s2  }
0x9d: {  	[timem:s6], [sflag:s22] =	dma.local [hbm:s4], s20  }
0x9e: {  	_ =	swait.ge [sflag:s22], s20  }
0x9f: {  	s3 =	ssub.s32 $0x0, s20;
	[sflag:s22] =	ssyncset.done $0x0  }
0xa0: {  	[sflag:s22] =	ssyncadd.s32 s3;
	_ =	sdelay $0x1  }
0xa1: {  	s23 =	simm.s32 $0x1B8B  }
0xa2: {  	_ =	swait.ge [sflag:s23], $0x1  }
0xa3: {  	[sflag:s23] =	ssyncset.done $0x0  }
0xa4: {  	s25 =	simm.s32 $0x1B8E;
	s24 =	sld [smem:$0x3FFE];
	[sflag:s23] =	ssyncadd.s32 $0xFFFFFFFF  }
0xa5: {  	s26 =	simm.s32 $execute0_lowered;
	[smem:$0x3FD2] =	sst s25  }
0xa6: {  	s4 =	sshll.u32 s26, $0x1;
	_ =	strace $0x80000049;
	[dreg:$0x1] =	wrdreg $0xFFFFFFFF  }
0xa7: {  	s28 =	simm.s32 $_size_execute0_lowered;
	s2 =	sadd.s32 s2, s4;
	[dreg:$0x0] =	wrdreg $0x0  }
0xa8: {  	s4 =	sshll.u32 s28, $0x1;
	[dreg:$0x2] =	wrdreg s2  }
0xa9: {  	[dreg:$0x3] =	wrdreg s4  }
0xaa: {  	[dreg:$0x4] =	wrdreg $0xC0  }
0xab: {  	_ =	task [dreg:s6], $0x5FFFF  }
0xac: {  	[dreg:$0x1] =	wrdreg $0xFFFFFFFF  }
0xad: {  	[dreg:$0x0] =	wrdreg $0x60  }
0xae: {  	[dreg:$0x2] =	wrdreg s24  }
0xaf: {  	[dreg:$0x3] =	wrdreg $0x9E200  }
0xb0: {  	[dreg:$0x4] =	wrdreg $0x9  }
0xb1: {  	_ =	task.clear_ibuf [dreg:s6], $0x5FFFF;
	_ =	strace $0x90000049  }
0xb2: {  	s29 =	simm.s32 $0x9;
	_ =	strace $0x8000004B  }
0xb3: {  	_ =	swait.ge [sflag:s29], $0x1  }
0xb4: {  	[sflag:s29] =	ssyncadd.s32 $0xFFFFFFFF  }
0xb5: {  	_ =	strace $0x9000004B  }
0xb6: {  	_ =	sfence  }
0xb7: {  	s30 =	sld [smem:$0x0];
	_ =	sdelay $0x2  }
0xb8: {  	s31 =	sshll.u32 s1, $0xD;
	s1 =	sshrl.u32 s1, $0x2  }
0xb9: {  	s3 =	sand.u32 $0x4000, s31;
	s1 =	sadd.s32 s1, s30  }
0xba: {  	s0 =	sor.u32 s3, s0;
	s1 =	sshll.u32 s1, $0x11  }
0xbb: {  	s0 =	sor.u32 s1, s0  }
0xbc: {  	s0 =	sadd.s32 $0x8F2B, s0  }
0xbd: {  	[sflag:s0] =	ssyncadd.remote.s32 $0x1  }
0xbe: {  	_ =	sfence.sel $0xFFFF  }
0xbf: {  	[dreg:$0x0] =	wrdreg $0xFFFFFFFF;
	(pc) =	sbr.abs _section_cstart, $3  }
0xc0: {  	[dreg:$0x1] =	wrdreg $0xFFFFFFFF  }
0xc1: {  	_ =	task.clear_ibuf [dreg:s6], $0x2FFFF;
	_ =	strace $0x9FFFFFFF  }
0xc2: {  	(tm) =	ssettm $0x7FFFFFFF  }
0xc3: {  	_ =	shalt  }
tec
execute0_lowered:
.L_overlay_start_1:
0x0: {  	(tag) =	ssettag $0x1  }
0x1: {  	s5 =	rddreg [dreg:$0x0]  }
0x2: {  	s2 =	rddreg [dreg:$0x1]  }
0x3: {  	s0 =	rddreg [dreg:$0x2];
	s4 =	srdreg.scid  }
0x4: {  	s1 =	stileid.u32;
	s3 =	simm.s32 $0x0;
	s17 =	simm.s32 $0x3  }
0x5: {  	s18 =	simm.s32 $0x2710;
	s19 =	simm.s32 $0x4E20;
	s20 =	simm.s32 $0x50  }
0x6: {  	s21 =	simm.s32 $0x7620;
	s22 =	simm.s32 $0x1;
	s23 =	simm.s32 $0x2  }
0x7: {  	s24 =	simm.s32 $0x4DD0;
	s25 =	simm.s32 $0x0;
	s7 =	smul.u32 $0x14000, s1  }
0x8: {  	s6 =	sand.u32 $0x1, s4;
	[smem:$0x7FF] =	sst s3;
	s10 =	smul.u32 $0x50000, s1  }
0x9: {  	s29 =	sshll.u32 s1, $0x1;
	s4 =	sadd.s32 $0x16A00, s5;
	s8 =	smul.u32 $0x140000, s6  }
0xa: {  	_ =	strace $0x8000004A;
	s9 =	sor.u32 s6, s29;
	s6 =	ssub.s32 $0x2, s6  }
0xb: {  	s9 =	smul.u32 $0x4E2, s9;
	s30 =	sshrl.u32 s6, $0x1;
	s31 =	sshrl.u32 s10, $0x2  }
0xc: {  	s8 =	sadd.s32 s7, s8;
	s16 =	ssub.s32 s6, s30;
	s7 =	sadd.s32 s7, s2  }
0xd: {  	s14 =	sadd.s32 s31, s2;
	s8 =	sshrl.u32 s8, $0x3;
	s9 =	sadd.s32 s9, s5  }
0xe: {  	s10 =	sadd.s32 $0x7800, s14;
	s11 =	sadd.s32 $0xA000, s14;
	s12 =	sadd.s32 $0xC800, s14  }
0xf: {  	s13 =	sadd.s32 $0xF000, s14;
	s16 =	smax.u32 s16, $0x1;
	s15 =	sadd.s32 s8, s5  }
0x10: {  	s5 =	sadd.s32 $0x2E00, s9;
	s6 =	sadd.s32 $0xCC00, s9;
	s8 =	sadd.s32 $0x2800, s14  }
0x11: {  	v0 =	vimm.f32 $0.0e+00;
	s9 =	sadd.s32 $0x5000, s14;
	s14 =	sadd.s32 $0x11800, s14;
	s15 =	sadd.s32 $0x66A00, s15  }
.LBB2_1:
0x12: {  	[tilespmem:s3], [sflag:$0x3] =	stream.linear.gather [hbm4b:s5+s3], $0x2710, $0x38;
	[tilespmem:$0x1DE20] =	vst v63  }
0x13: {  	_ =	swait.ge [sflag:s17], $0x2710  }
0x14: {  	[sflag:s17] =	ssyncset.done $0x0  }
0x15: {  	[sflag:s17] =	ssyncadd.s32 $0xFFFFD8F0  }
0x16: {  	[tilespmem:s18], [sflag:$0x3] =	stream.linear.gather [hbm4b:s6+s3], $0x2710, $0x38;
	[tilespmem:$0x1DE20] =	vst v63  }
0x17: {  	_ =	swait.ge [sflag:s17], $0x2710  }
0x18: {  	[sflag:s17] =	ssyncset.done $0x0  }
0x19: {  	s26 =	simm.s32 $0x0;
	s28 =	simm.s32 $0x200;
	[sflag:s17] =	ssyncadd.s32 $0xFFFFD8F0  }
.LBB2_2:
0x1a: {  	p0 =	sne.s32 s28, $0x9E00;
	[tilespmem:s26+$0x4E90] =	vst v0  }
0x1b: {  	[tilespmem:s26+$0x4E20] =	vst v0  }
0x1c: {  	[tilespmem:s26+$0x4E30] =	vst v0  }
.Ltmp0:
0x1d: {  	[tilespmem:s26+$0x4E40] =	vst v0;
	(pc) =	sbr.rel @p0 .LBB2_2-.Ltmp0, $4  }
0x1e: {  	[tilespmem:s26+$0x4E50] =	vst v0  }
0x1f: {  	[tilespmem:s26+$0x4E60] =	vst v0  }
0x20: {  	[tilespmem:s26+$0x4E70] =	vst v0  }
0x21: {  	[tilespmem:s26+$0x4E80] =	vst v0;
	s26 =	sshra.s32 s28, $0x2;
	s28 =	sadd.s32 $0x200, s28  }
0x22: {  	[tilespmem:s26+$0x4E90] =	vst v0  }
0x23: {  	[tilespmem:s26+$0x4E20] =	vst v0  }
0x24: {  	[tilespmem:s26+$0x4E30] =	vst v0  }
0x25: {  	[tilespmem:s26+$0x4E40] =	vst v0  }
0x26: {  	[tilespmem:s26+$0x4E50] =	vst v0  }
0x27: {  	[tilespmem:s26+$0x4E60] =	vst v0  }
0x28: {  	[tilespmem:s26+$0x4E70] =	vst v0  }
0x29: {  	[tilespmem:s26+$0x4E80] =	vst v0  }
0x2a: {  	[spmem:s7] =	stream.linear.scatter [tilespmem:s19], [sflag:$0x3], $0x2800, $0x38;
	[tilespmem:$0x1DE20] =	vst v63  }
0x2b: {  	_ =	swait.ge [sflag:s17], $0x2800  }
0x2c: {  	[sflag:s17] =	ssyncset.done $0x0  }
0x2d: {  	[sflag:s17] =	ssyncadd.s32 $0xFFFFD800  }
0x2e: {  	[spmem:s8] =	stream.linear.scatter [tilespmem:s19], [sflag:$0x3], $0x2800, $0x38;
	[tilespmem:$0x1DE20] =	vst v63  }
0x2f: {  	_ =	swait.ge [sflag:s17], $0x2800  }
0x30: {  	[sflag:s17] =	ssyncset.done $0x0  }
0x31: {  	[sflag:s17] =	ssyncadd.s32 $0xFFFFD800  }
0x32: {  	[spmem:s9] =	stream.linear.scatter [tilespmem:s19], [sflag:$0x3], $0x2800, $0x38;
	[tilespmem:$0x1DE20] =	vst v63  }
0x33: {  	_ =	swait.ge [sflag:s17], $0x2800  }
0x34: {  	[sflag:s17] =	ssyncset.done $0x0  }
0x35: {  	[sflag:s17] =	ssyncadd.s32 $0xFFFFD800  }
0x36: {  	[spmem:s10] =	stream.linear.scatter [tilespmem:s19], [sflag:$0x3], $0x2800, $0x38;
	[tilespmem:$0x1DE20] =	vst v63  }
0x37: {  	_ =	swait.ge [sflag:s17], $0x2800  }
0x38: {  	[sflag:s17] =	ssyncset.done $0x0  }
0x39: {  	[sflag:s17] =	ssyncadd.s32 $0xFFFFD800  }
0x3a: {  	[spmem:s11] =	stream.linear.scatter [tilespmem:s19], [sflag:$0x3], $0x2800, $0x38;
	[tilespmem:$0x1DE20] =	vst v63  }
0x3b: {  	_ =	swait.ge [sflag:s17], $0x2800  }
0x3c: {  	[sflag:s17] =	ssyncset.done $0x0  }
0x3d: {  	[sflag:s17] =	ssyncadd.s32 $0xFFFFD800  }
0x3e: {  	[spmem:s12] =	stream.linear.scatter [tilespmem:s19], [sflag:$0x3], $0x2800, $0x38;
	[tilespmem:$0x1DE20] =	vst v63  }
0x3f: {  	_ =	swait.ge [sflag:s17], $0x2800  }
0x40: {  	[sflag:s17] =	ssyncset.done $0x0  }
0x41: {  	[sflag:s17] =	ssyncadd.s32 $0xFFFFD800  }
0x42: {  	[spmem:s13] =	stream.linear.scatter [tilespmem:s19], [sflag:$0x3], $0x2800, $0x38;
	[tilespmem:$0x1DE20] =	vst v63  }
0x43: {  	_ =	swait.ge [sflag:s17], $0x2800  }
0x44: {  	[sflag:s17] =	ssyncset.done $0x0  }
0x45: {  	[sflag:s17] =	ssyncadd.s32 $0xFFFFD800  }
0x46: {  	[spmem:s14] =	stream.linear.scatter [tilespmem:s19], [sflag:$0x3], $0x2800, $0x38;
	[tilespmem:$0x1DE20] =	vst v63  }
0x47: {  	_ =	swait.ge [sflag:s17], $0x2800  }
0x48: {  	[sflag:s17] =	ssyncset.done $0x0  }
0x49: {  	[sflag:s17] =	ssyncadd.s32 $0xFFFFD800  }
0x4a: {  	s30 =	simm.s32 $0x0;
	[bflag:$0x0] =	sbarrier.arrive $0xFFFF  }
0x4b: {  	[tilespmem:s19], [sflag:$0x1] =	stream.indirect.gather [hbm4b:s4+s20], $0x80, s30, s20, $0xb8;
	[tilespmem:$0x1DE20] =	vst v63  }
0x4c: {  	s31 =	simm.s32 $0x50  }
0x4d: {  	[tilespmem:s21], [sflag:$0x2] =	stream.indirect.gather [hbm4b:s4+s20], $0x80, s31, s20, $0xb8;
	[tilespmem:$0x1DE20] =	vst v63  }
0x4e: {  	_ =	swait.ge [sflag:s22], $0x2800  }
0x4f: {  	[sflag:s22] =	ssyncset.done $0x0  }
0x50: {  	s29 =	simm.s32 $0x2710;
	[sflag:s22] =	ssyncadd.s32 $0xFFFFD800  }
0x51: {  	[spmem:s2] =	stream.indirect.scatter.add.f32 [tilespmem:s19], [sflag:$0x3], $0x80, s29, s20, $0xb8;
	[tilespmem:$0x1DE20] =	vst v63  }
0x52: {  	_ =	swait.ge [sflag:s17], $0x2800  }
0x53: {  	[sflag:s17] =	ssyncset.done $0x0  }
0x54: {  	s30 =	simm.s32 $0xA0;
	[sflag:s17] =	ssyncadd.s32 $0xFFFFD800  }
0x55: {  	[tilespmem:s19], [sflag:$0x1] =	stream.indirect.gather [hbm4b:s4+s20], $0x80, s30, s20, $0xb8;
	[tilespmem:$0x1DE20] =	vst v63  }
0x56: {  	_ =	swait.ge [sflag:s23], $0x2800  }
0x57: {  	[sflag:s23] =	ssyncset.done $0x0  }
0x58: {  	s31 =	simm.s32 $0x2760;
	[sflag:s23] =	ssyncadd.s32 $0xFFFFD800  }
0x59: {  	[spmem:s2] =	stream.indirect.scatter.add.f32 [tilespmem:s21], [sflag:$0x3], $0x80, s31, s20, $0xb8;
	[tilespmem:$0x1DE20] =	vst v63  }
0x5a: {  	_ =	swait.ge [sflag:s17], $0x2800  }
0x5b: {  	s28 =	simm.s32 $0x500;
	s26 =	simm.s32 $0xA0;
	[sflag:s17] =	ssyncset.done $0x0  }
.LBB2_4:
0x5c: {  	s29 =	sadd.s32 $0x50, s26  }
0x5d: {  	[sflag:s17] =	ssyncadd.s32 $0xFFFFD800;
	s30 =	smov.u32 s28;
	s31 =	sadd.s32 $0x280, s28  }
0x5e: {  	[tilespmem:s21], [sflag:$0x2] =	stream.indirect.gather [hbm4b:s4+s20], $0x80, s29, s20, $0xb8;
	[tilespmem:$0x1DE20] =	vst v63  }
0x5f: {  	p0 =	sne.s32 s28, $0x9880;
	_ =	swait.ge [sflag:s22], $0x2800  }
0x60: {  	[sflag:s22] =	ssyncset.done $0x0  }
0x61: {  	s28 =	sadd.s32 $0x2710, s26;
	[sflag:s22] =	ssyncadd.s32 $0xFFFFD800  }
0x62: {  	[spmem:s2] =	stream.indirect.scatter.add.f32 [tilespmem:s19], [sflag:$0x3], $0x80, s28, s20, $0xb8;
	[tilespmem:$0x1DE20] =	vst v63  }
0x63: {  	_ =	swait.ge [sflag:s17], $0x2800  }
0x64: {  	[sflag:s17] =	ssyncset.done $0x0  }
0x65: {  	s28 =	sadd.s32 $0xA0, s26;
	[sflag:s17] =	ssyncadd.s32 $0xFFFFD800  }
0x66: {  	[tilespmem:s19], [sflag:$0x1] =	stream.indirect.gather [hbm4b:s4+s20], $0x80, s28, s20, $0xb8;
	[tilespmem:$0x1DE20] =	vst v63  }
0x67: {  	_ =	swait.ge [sflag:s23], $0x2800  }
.Ltmp1:
0x68: {  	[sflag:s23] =	ssyncset.done $0x0;
	(pc) =	sbr.rel @p0 .LBB2_4-.Ltmp1, $4  }
0x69: {  	s26 =	sadd.s32 $0x2760, s26;
	[sflag:s23] =	ssyncadd.s32 $0xFFFFD800  }
0x6a: {  	[spmem:s2] =	stream.indirect.scatter.add.f32 [tilespmem:s21], [sflag:$0x3], $0x80, s26, s20, $0xb8;
	[tilespmem:$0x1DE20] =	vst v63  }
0x6b: {  	_ =	swait.ge [sflag:s17], $0x2800  }
0x6c: {  	s28 =	smov.u32 s31;
	s26 =	sshra.s32 s30, $0x2;
	[sflag:s17] =	ssyncset.done $0x0  }
0x6d: {  	s28 =	sadd.s32 $0x50, s26;
	[sflag:s17] =	ssyncadd.s32 $0xFFFFD800  }
0x6e: {  	[tilespmem:s21], [sflag:$0x2] =	stream.indirect.gather [hbm4b:s4+s20], $0x80, s28, s20, $0xb8;
	[tilespmem:$0x1DE20] =	vst v63  }
0x6f: {  	_ =	swait.ge [sflag:s22], $0x2800  }
0x70: {  	[sflag:s22] =	ssyncset.done $0x0  }
0x71: {  	s30 =	sadd.s32 $0x2710, s26;
	[sflag:s22] =	ssyncadd.s32 $0xFFFFD800  }
0x72: {  	[spmem:s2] =	stream.indirect.scatter.add.f32 [tilespmem:s19], [sflag:$0x3], $0x80, s30, s20, $0xb8;
	[tilespmem:$0x1DE20] =	vst v63  }
0x73: {  	_ =	swait.ge [sflag:s17], $0x2800  }
0x74: {  	[sflag:s17] =	ssyncset.done $0x0  }
0x75: {  	s31 =	sadd.s32 $0xA0, s26;
	[sflag:s17] =	ssyncadd.s32 $0xFFFFD800  }
0x76: {  	[tilespmem:s19], [sflag:$0x1] =	stream.indirect.gather [hbm4b:s4+s20], $0x80, s31, s20, $0xb8;
	[tilespmem:$0x1DE20] =	vst v63  }
0x77: {  	_ =	swait.ge [sflag:s23], $0x2800  }
0x78: {  	[sflag:s23] =	ssyncset.done $0x0  }
0x79: {  	s29 =	sadd.s32 $0x2760, s26;
	[sflag:s23] =	ssyncadd.s32 $0xFFFFD800  }
0x7a: {  	[spmem:s2] =	stream.indirect.scatter.add.f32 [tilespmem:s21], [sflag:$0x3], $0x80, s29, s20, $0xb8;
	[tilespmem:$0x1DE20] =	vst v63  }
0x7b: {  	_ =	swait.ge [sflag:s17], $0x2800  }
0x7c: {  	[sflag:s17] =	ssyncset.done $0x0  }
0x7d: {  	[sflag:s17] =	ssyncadd.s32 $0xFFFFD800  }
0x7e: {  	_ =	swait.ge [sflag:s22], $0x2800  }
0x7f: {  	[sflag:s22] =	ssyncset.done $0x0  }
0x80: {  	[sflag:s22] =	ssyncadd.s32 $0xFFFFD800  }
0x81: {  	[spmem:s2] =	stream.indirect.scatter.add.f32 [tilespmem:s19], [sflag:$0x3], $0x80, s24, s20, $0xb8;
	[tilespmem:$0x1DE20] =	vst v63  }
0x82: {  	_ =	swait.ge [sflag:s17], $0x2800  }
0x83: {  	s25 =	sadd.s32 $0x1, s25;
	s30 =	sshll.u32 s1, $0x6;
	[sflag:s17] =	ssyncset.done $0x0  }
0x84: {  	p0 =	sne.s32 s25, s16;
	s26 =	sor.u32 $0x1C03, s30;
	[sflag:s17] =	ssyncadd.s32 $0xFFFFD800  }
.Ltmp2:
0x85: {  	s31 =	sshrl.u32 s7, $0x3;
	[bflag:$0x0] =	sbarrier.arrive $0xFFFF;
	(pc) =	sbr.rel @p0 .LBB2_1-.Ltmp2, $4  }
0x86: {  	[hbm:s15], [sflag:s26] =	dma.local [spmem:s31], $0x2800  }
0x87: {  	_ =	swait.ge [sflag:s17], $0x2800  }
0x88: {  	[sflag:s17] =	ssyncset.done $0x0  }
0x89: {  	[sflag:s17] =	ssyncadd.s32 $0xFFFFD800  }
0x8a: {  	_ =	sfence.sel $0x180000  }
0x8b: {  	[bflag:$0x0] =	sbarrier.arrive $0xFFFF  }
0x8c: {  	p0 =	sne.s32 s1, $0x0;
	_ =	strace $0x9000004A  }
0x8d: {  	s0 =	sadd.s32 @!p0 $0x100000, s0;
	[bflag:$0x2] =	sbarrier.arrive $0xFFFF  }
0x8e: {  	[sflag:s0] =	ssyncadd.tile.s32 @!p0 $0x1;
	_ =	shalt  }
.Lfunc_end2:
_tile_overlayer_lowered:
.L_overlay_start_2:
0x8f: {  	(tag) =	ssettag $0x2  }
0x90: {  	s0 =	rddreg [dreg:$0x0];
	s2 =	stileid.u32  }
0x91: {  	s1 =	rddreg [dreg:$0x1];
	p0 =	sne.s32 s2, $0x0  }
0x92: {  	s3 =	rddreg [dreg:$0x2];
	[bflag:$0x3] =	sbarrier.arrive $0xFFFF;
	s2 =	simm.s32 @!p0 $0x1C03  }
0x93: {  	[timem:s3], [sflag:s2] =	dma.local @!p0 [hbm:s0], s1  }
0x94: {  	s0 =	simm.s32 @!p0 $0x3  }
0x95: {  	_ =	swait.ge @!p0 [sflag:s0], s1  }
0x96: {  	s1 =	ssub.s32 @!p0 $0x0, s1;
	[sflag:s0] =	ssyncset.done @!p0 $0x0  }
0x97: {  	[sflag:s0] =	ssyncadd.s32 @!p0 s1  }
0x98: {  	[bflag:$0x3] =	sbarrier.arrive $0xFFFF  }
0x99: {  	_ =	shalt  }

// kernel: kernel.16.cloned.1.call-start
scs
__scs_entry_jumppad:
0x0: {  	(pc) =	sbr.rel $0x88, $3  }
0x1: {  	(tag) =	ssettag $0x0;
	lr =	simm.s32 $0x1  }
0x2: {  	[smem:$0x3F99] =	sst lr;
	_ =	strace $0xD0000000  }
0x3: {  	_ = 	snop  }
0x4: {  	_ = 	snop  }
0x5: {  	_ = 	snop  }
0x6: {  	_ = 	snop  }
0x7: {  	_ = 	snop  }
__scs_overlays_trampoline_lowered:
0x8: {  	[smem:$0x3FA8] =	sst s0  }
0x9: {  	[smem:$0x3FA9] =	sst s1  }
0xa: {  	[smem:$0x3FAA] =	sst s2  }
0xb: {  	[smem:$0x3FAB] =	sst s3  }
0xc: {  	[smem:$0x3FAC] =	sst s4  }
0xd: {  	[smem:$0x3FAD] =	sst s5  }
0xe: {  	[smem:$0x3FAE] =	sst s6  }
0xf: {  	[smem:$0x3FAF] =	sst s7  }
0x10: {  	[smem:$0x3FB0] =	sst s8  }
0x11: {  	[smem:$0x3FB1] =	sst s9;
	s0 =	simm.s32 @!p0 $0x0  }
0x12: {  	s1 =	sld [smem:$0x3F97];
	s0 =	simm.s32 @p0 $0x1  }
0x13: {  	[smem:$0x3FB2] =	sst s0;
	s0 =	simm.s32 @!p1 $0x0  }
0x14: {  	s2 =	sld [smem:$0x3F96];
	s0 =	simm.s32 @p1 $0x1  }
0x15: {  	[smem:$0x3FB3] =	sst s0;
	s0 =	simm.s32 @!p2 $0x0  }
0x16: {  	s3 =	sld [smem:$0x3FDB];
	s0 =	simm.s32 @p2 $0x1  }
0x17: {  	s4 =	simm.s32 $0x1BF5;
	[smem:$0x3FB5] =	sst s0  }
0x18: {  	s0 =	sld [smem:$0x3F98];
	_ =	swait.ge [sflag:s4], $0x0  }
0x19: {  	s7 =	sld [smem:$0x3F99]  }
0x1a: {  	s8 =	sadd.s32 $0xFFFFE003, lr  }
0x1b: {  	s9 =	sadd.s32 $0xFFFFFEF7, lr;
	s5 =	simm.s32 $0xFFFFFFFF;
	p2 =	slt.u32 s8, $0xFFFFF086  }
0x1c: {  	p1 =	slt.u32 s9, $0xF7A;
	s5 =	simm.s32 @!p2 $0x0  }
0x1d: {  	s5 =	simm.s32 @p1 $0x1;
	p0 =	seq.s32 s7, s2  }
0x1e: {  	s7 =	smul.u32 @!p0 $0xF7A, s2;
	p2 =	seq.s32 @!p0 s5, $0x0  }
0x1f: {  	s9 =	smul.u32 $0xF7A, s1;
	s8 =	simm.s32 @!p0 $0x1BF5;
	p2 =	por !p2, p0  }
0x20: {  	[sflag:s8] =	ssyncset.s32 @!p0 $0xFFFFF086;
	s6 =	sadd.s32 @!p0 s3, s7;
	s7 =	simm.s32 @!p0 $0x108  }
0x21: {  	s3 =	sadd.s32 s3, s9;
	s6 =	sadd.s32 @!p0 $0x88, s6;
	s7 =	simm.s32 @p2 $0x1082  }
0x22: {  	[simem:s7], [sflag:s8] =	dma.local @!p0 [hbm:s6], $0xF7A  }
0x23: {  	s9 =	sor.u32 $0xD0000000, s2;
	s6 =	simm.s32 $0x108;
	_ =	swait.ge @!p0 [sflag:s8], $0x0  }
0x24: {  	s3 =	sadd.s32 $0x88, s3;
	s6 =	simm.s32 @!p1 $0x1082;
	[sflag:s4] =	ssyncset.s32 $0xFFFFF086  }
0x25: {  	[simem:s6], [sflag:s4] =	dma.local [hbm:s3], $0xF7A  }
0x26: {  	[smem:$0x3F99] =	sst s1;
	(tag) =	ssettag s2;
	_ =	strace s9  }
0x27: {  	s1 =	sld [smem:$0x3FA9]  }
0x28: {  	s2 =	sld [smem:$0x3FAA]  }
0x29: {  	s4 =	sld [smem:$0x3FAC]  }
0x2a: {  	p0 =	seq.s32 s5, $0x0;
	s5 =	sld [smem:$0x3FAD]  }
0x2b: {  	s6 =	sld [smem:$0x3FAE]  }
0x2c: {  	s7 =	sld [smem:$0x3FAF]  }
0x2d: {  	s3 =	simm.s32 $0x108;
	s8 =	sld [smem:$0x3FB0]  }
0x2e: {  	s3 =	simm.s32 @!p0 $0x1082;
	s9 =	sld [smem:$0x3FB1]  }
0x2f: {  	lr =	sadd.s32 s0, s3;
	s0 =	sld [smem:$0x3FA8]  }
0x30: {  	s3 =	sld [smem:$0x3FAB]  }
0x31: {  	[smem:$0x3FB4] =	sst s10  }
0x32: {  	s10 =	sld [smem:$0x3FB2];
	_ =	sdelay $0x3  }
0x33: {  	p0 =	seq.s32 s10, $0x1;
	s10 =	sld [smem:$0x3FB4];
	_ =	sdelay $0x3  }
0x34: {  	[smem:$0x3FB4] =	sst s10  }
0x35: {  	s10 =	sld [smem:$0x3FB3];
	_ =	sdelay $0x3  }
0x36: {  	p1 =	seq.s32 s10, $0x1;
	s10 =	sld [smem:$0x3FB4];
	_ =	sdelay $0x3  }
0x37: {  	[smem:$0x3FB4] =	sst s10  }
0x38: {  	s10 =	sld [smem:$0x3FB5]  }
0x39: {  	_ = 	snop;
	(pc) =	sbr.ind lr, $3  }
0x3a: {  	_ = 	snop  }
0x3b: {  	_ = 	snop  }
0x3c: {  	p2 =	seq.s32 s10, $0x1;
	s10 =	sld [smem:$0x3FB4]  }
0x3d: {  	_ =	shalt  }
0x3e: {  	_ =	shalt  }
0x3f: {  	_ =	shalt  }
0x40: {  	_ =	shalt  }
0x41: {  	_ =	shalt  }
0x42: {  	_ =	shalt  }
0x43: {  	_ =	shalt  }
0x44: {  	_ =	shalt  }
0x45: {  	_ =	shalt  }
0x46: {  	_ =	shalt  }
0x47: {  	_ =	shalt  }
0x48: {  	_ =	shalt  }
0x49: {  	_ =	shalt  }
0x4a: {  	_ =	shalt  }
0x4b: {  	_ =	shalt  }
0x4c: {  	_ =	shalt  }
0x4d: {  	_ =	shalt  }
0x4e: {  	_ =	shalt  }
0x4f: {  	_ =	shalt  }
0x50: {  	_ =	shalt  }
0x51: {  	_ =	shalt  }
0x52: {  	_ =	shalt  }
0x53: {  	_ =	shalt  }
0x54: {  	_ =	shalt  }
0x55: {  	_ =	shalt  }
0x56: {  	_ =	shalt  }
0x57: {  	_ =	shalt  }
0x58: {  	_ =	shalt  }
0x59: {  	_ =	shalt  }
0x5a: {  	_ =	shalt  }
0x5b: {  	_ =	shalt  }
0x5c: {  	_ =	shalt  }
0x5d: {  	_ =	shalt  }
0x5e: {  	_ =	shalt  }
0x5f: {  	_ =	shalt  }
0x60: {  	_ =	shalt  }
0x61: {  	_ =	shalt  }
0x62: {  	_ =	shalt  }
0x63: {  	_ =	shalt  }
0x64: {  	_ =	shalt  }
0x65: {  	_ =	shalt  }
0x66: {  	_ =	shalt  }
0x67: {  	_ =	shalt  }
0x68: {  	_ =	shalt  }
0x69: {  	_ =	shalt  }
0x6a: {  	_ =	shalt  }
0x6b: {  	_ =	shalt  }
0x6c: {  	_ =	shalt  }
0x6d: {  	_ =	shalt  }
0x6e: {  	_ =	shalt  }
0x6f: {  	_ =	shalt  }
0x70: {  	_ =	shalt  }
0x71: {  	_ =	shalt  }
0x72: {  	_ =	shalt  }
0x73: {  	_ =	shalt  }
0x74: {  	_ =	shalt  }
0x75: {  	_ =	shalt  }
0x76: {  	_ =	shalt  }
0x77: {  	_ =	shalt  }
0x78: {  	_ =	shalt  }
0x79: {  	_ =	shalt  }
0x7a: {  	_ =	shalt  }
0x7b: {  	_ =	shalt  }
0x7c: {  	_ =	shalt  }
0x7d: {  	_ =	shalt  }
0x7e: {  	_ =	shalt  }
0x7f: {  	_ =	shalt  }
0x80: {  	_ =	shalt  }
0x81: {  	_ =	shalt  }
0x82: {  	_ =	shalt  }
0x83: {  	_ =	shalt  }
0x84: {  	_ =	shalt  }
0x85: {  	_ =	shalt  }
0x86: {  	_ =	shalt  }
0x87: {  	_ =	shalt  }
.Lfunc_end0:
.L_simem_size_0:
called_computation.2_lowered:
.L_overlay_start_0:
0x88: {  	s2 =	sld [smem:$0x3FD9]  }
0x89: {  	s3 =	sld [smem:$0x3FFE];
	_ =	sdelay $0x1  }
0x8a: {  	s1 =	srdreg.scid  }
0x8b: {  	s0 =	sand.u32 $0x1, s1  }
0x8c: {  	s16 =	sshll.u32 s0, $0xA;
	s2 =	sadd.s32 s3, s2  }
0x8d: {  	s2 =	sadd.s32 s2, s16  }
0x8e: {  	[smem:$0x3FC0] =	sst s2  }
0x8f: {  	_ = 	snop  }
0x90: {  	(tm) =	ssettm $0x1  }
0x91: {  	s17 =	sld [smem:$0x3FFB];
	_ =	sdelay $0x3  }
0x92: {  	_ =	strace s17  }
0x93: {  	s2 =	sld [smem:$0x3FFC];
	_ =	sdelay $0x3  }
0x94: {  	_ =	strace s2  }
0x95: {  	s2 =	sld [smem:$0x3FFD];
	_ =	sdelay $0x3  }
0x96: {  	_ =	strace s2  }
0x97: {  	_ =	strace $0x8FFFFFFF  }
0x98: {  	s18 =	sld [smem:$0x3FDB];
	_ =	sdelay $0x1  }
0x99: {  	s19 =	simm.s32 $_scs_section_size  }
0x9a: {  	s4 =	simm.s32 $_size__tile_overlayer_lowered;
	s5 =	simm.s32 $_tile_overlayer_lowered  }
0x9b: {  	s22 =	simm.s32 $0x1BFF;
	s21 =	sshll.u32 s5, $0x1;
	s2 =	sadd.s32 s19, s18  }
0x9c: {  	s6 =	simm.s32 $0x0;
	s20 =	sshll.u32 s4, $0x1;
	s4 =	sadd.s32 s21, s2  }
0x9d: {  	[timem:s6], [sflag:s22] =	dma.local [hbm:s4], s20  }
0x9e: {  	_ =	swait.ge [sflag:s22], s20  }
0x9f: {  	s3 =	ssub.s32 $0x0, s20;
	[sflag:s22] =	ssyncset.done $0x0  }
0xa0: {  	[sflag:s22] =	ssyncadd.s32 s3;
	_ =	sdelay $0x1  }
0xa1: {  	s23 =	simm.s32 $0x1B8B  }
0xa2: {  	_ =	swait.ge [sflag:s23], $0x1  }
0xa3: {  	[sflag:s23] =	ssyncset.done $0x0  }
0xa4: {  	s25 =	simm.s32 $0x1B8E;
	s24 =	sld [smem:$0x3FFE];
	[sflag:s23] =	ssyncadd.s32 $0xFFFFFFFF  }
0xa5: {  	s26 =	simm.s32 $execute0_lowered;
	[smem:$0x3FD2] =	sst s25  }
0xa6: {  	s4 =	sshll.u32 s26, $0x1;
	_ =	strace $0x8000004C;
	[dreg:$0x1] =	wrdreg $0xFFFFFFFF  }
0xa7: {  	s28 =	simm.s32 $_size_execute0_lowered;
	s2 =	sadd.s32 s2, s4;
	[dreg:$0x0] =	wrdreg $0x0  }
0xa8: {  	s4 =	sshll.u32 s28, $0x1;
	[dreg:$0x2] =	wrdreg s2  }
0xa9: {  	[dreg:$0x3] =	wrdreg s4  }
0xaa: {  	[dreg:$0x4] =	wrdreg $0xC0  }
0xab: {  	_ =	task [dreg:s6], $0x5FFFF  }
0xac: {  	[dreg:$0x1] =	wrdreg $0xFFFFFFFF  }
0xad: {  	[dreg:$0x0] =	wrdreg $0x60  }
0xae: {  	[dreg:$0x2] =	wrdreg s24  }
0xaf: {  	[dreg:$0x3] =	wrdreg $0x9E200  }
0xb0: {  	[dreg:$0x4] =	wrdreg $0x9  }
0xb1: {  	_ =	task.clear_ibuf [dreg:s6], $0x5FFFF;
	_ =	strace $0x9000004C  }
0xb2: {  	s29 =	simm.s32 $0x9;
	_ =	strace $0x8000004E  }
0xb3: {  	_ =	swait.ge [sflag:s29], $0x1  }
0xb4: {  	[sflag:s29] =	ssyncadd.s32 $0xFFFFFFFF  }
0xb5: {  	_ =	strace $0x9000004E  }
0xb6: {  	_ =	sfence  }
0xb7: {  	s30 =	sld [smem:$0x0];
	_ =	sdelay $0x2  }
0xb8: {  	s31 =	sshll.u32 s1, $0xD;
	s1 =	sshrl.u32 s1, $0x2  }
0xb9: {  	s3 =	sand.u32 $0x4000, s31;
	s1 =	sadd.s32 s1, s30  }
0xba: {  	s0 =	sor.u32 s3, s0;
	s1 =	sshll.u32 s1, $0x11  }
0xbb: {  	s0 =	sor.u32 s1, s0  }
0xbc: {  	s0 =	sadd.s32 $0x8F2B, s0  }
0xbd: {  	[sflag:s0] =	ssyncadd.remote.s32 $0x1  }
0xbe: {  	_ =	sfence.sel $0xFFFF  }
0xbf: {  	[dreg:$0x0] =	wrdreg $0xFFFFFFFF;
	(pc) =	sbr.abs _section_cstart, $3  }
0xc0: {  	[dreg:$0x1] =	wrdreg $0xFFFFFFFF  }
0xc1: {  	_ =	task.clear_ibuf [dreg:s6], $0x2FFFF;
	_ =	strace $0x9FFFFFFF  }
0xc2: {  	(tm) =	ssettm $0x7FFFFFFF  }
0xc3: {  	_ =	shalt  }
tec
execute0_lowered:
.L_overlay_start_1:
0x0: {  	(tag) =	ssettag $0x1  }
0x1: {  	s5 =	rddreg [dreg:$0x0]  }
0x2: {  	s2 =	rddreg [dreg:$0x1]  }
0x3: {  	s0 =	rddreg [dreg:$0x2];
	s4 =	srdreg.scid  }
0x4: {  	s1 =	stileid.u32;
	s3 =	simm.s32 $0x0;
	s17 =	simm.s32 $0x3  }
0x5: {  	s18 =	simm.s32 $0x2710;
	s19 =	simm.s32 $0x4E20;
	s20 =	simm.s32 $0x50  }
0x6: {  	s21 =	simm.s32 $0x7620;
	s22 =	simm.s32 $0x1;
	s23 =	simm.s32 $0x2  }
0x7: {  	s24 =	simm.s32 $0x4DD0;
	s25 =	simm.s32 $0x0;
	s7 =	smul.u32 $0x14000, s1  }
0x8: {  	s6 =	sand.u32 $0x1, s4;
	[smem:$0x7FF] =	sst s3;
	s10 =	smul.u32 $0x50000, s1  }
0x9: {  	s29 =	sshll.u32 s1, $0x1;
	s4 =	sadd.s32 $0x16A00, s5;
	s8 =	smul.u32 $0x140000, s6  }
0xa: {  	_ =	strace $0x8000004D;
	s9 =	sor.u32 s6, s29;
	s6 =	ssub.s32 $0x2, s6  }
0xb: {  	s9 =	smul.u32 $0x4E2, s9;
	s30 =	sshrl.u32 s6, $0x1;
	s31 =	sshrl.u32 s10, $0x2  }
0xc: {  	s8 =	sadd.s32 s7, s8;
	s16 =	ssub.s32 s6, s30;
	s7 =	sadd.s32 s7, s2  }
0xd: {  	s14 =	sadd.s32 s31, s2;
	s8 =	sshrl.u32 s8, $0x3;
	s9 =	sadd.s32 s9, s5  }
0xe: {  	s10 =	sadd.s32 $0x7800, s14;
	s11 =	sadd.s32 $0xA000, s14;
	s12 =	sadd.s32 $0xC800, s14  }
0xf: {  	s13 =	sadd.s32 $0xF000, s14;
	s16 =	smax.u32 s16, $0x1;
	s15 =	sadd.s32 s8, s5  }
0x10: {  	s5 =	sadd.s32 $0x2E00, s9;
	s6 =	sadd.s32 $0xCC00, s9;
	s8 =	sadd.s32 $0x2800, s14  }
0x11: {  	v0 =	vimm.f32 $0.0e+00;
	s9 =	sadd.s32 $0x5000, s14;
	s14 =	sadd.s32 $0x11800, s14;
	s15 =	sadd.s32 $0x66A00, s15  }
.LBB2_1:
0x12: {  	[tilespmem:s3], [sflag:$0x3] =	stream.linear.gather [hbm4b:s5+s3], $0x2710, $0x38;
	[tilespmem:$0x1DE20] =	vst v63  }
0x13: {  	_ =	swait.ge [sflag:s17], $0x2710  }
0x14: {  	[sflag:s17] =	ssyncset.done $0x0  }
0x15: {  	[sflag:s17] =	ssyncadd.s32 $0xFFFFD8F0  }
0x16: {  	[tilespmem:s18], [sflag:$0x3] =	stream.linear.gather [hbm4b:s6+s3], $0x2710, $0x38;
	[tilespmem:$0x1DE20] =	vst v63  }
0x17: {  	_ =	swait.ge [sflag:s17], $0x2710  }
0x18: {  	[sflag:s17] =	ssyncset.done $0x0  }
0x19: {  	s26 =	simm.s32 $0x0;
	s28 =	simm.s32 $0x200;
	[sflag:s17] =	ssyncadd.s32 $0xFFFFD8F0  }
.LBB2_2:
0x1a: {  	p0 =	sne.s32 s28, $0x9E00;
	[tilespmem:s26+$0x4E90] =	vst v0  }
0x1b: {  	[tilespmem:s26+$0x4E20] =	vst v0  }
0x1c: {  	[tilespmem:s26+$0x4E30] =	vst v0  }
.Ltmp0:
0x1d: {  	[tilespmem:s26+$0x4E40] =	vst v0;
	(pc) =	sbr.rel @p0 .LBB2_2-.Ltmp0, $4  }
0x1e: {  	[tilespmem:s26+$0x4E50] =	vst v0  }
0x1f: {  	[tilespmem:s26+$0x4E60] =	vst v0  }
0x20: {  	[tilespmem:s26+$0x4E70] =	vst v0  }
0x21: {  	[tilespmem:s26+$0x4E80] =	vst v0;
	s26 =	sshra.s32 s28, $0x2;
	s28 =	sadd.s32 $0x200, s28  }
0x22: {  	[tilespmem:s26+$0x4E90] =	vst v0  }
0x23: {  	[tilespmem:s26+$0x4E20] =	vst v0  }
0x24: {  	[tilespmem:s26+$0x4E30] =	vst v0  }
0x25: {  	[tilespmem:s26+$0x4E40] =	vst v0  }
0x26: {  	[tilespmem:s26+$0x4E50] =	vst v0  }
0x27: {  	[tilespmem:s26+$0x4E60] =	vst v0  }
0x28: {  	[tilespmem:s26+$0x4E70] =	vst v0  }
0x29: {  	[tilespmem:s26+$0x4E80] =	vst v0  }
0x2a: {  	[spmem:s7] =	stream.linear.scatter [tilespmem:s19], [sflag:$0x3], $0x2800, $0x38;
	[tilespmem:$0x1DE20] =	vst v63  }
0x2b: {  	_ =	swait.ge [sflag:s17], $0x2800  }
0x2c: {  	[sflag:s17] =	ssyncset.done $0x0  }
0x2d: {  	[sflag:s17] =	ssyncadd.s32 $0xFFFFD800  }
0x2e: {  	[spmem:s8] =	stream.linear.scatter [tilespmem:s19], [sflag:$0x3], $0x2800, $0x38;
	[tilespmem:$0x1DE20] =	vst v63  }
0x2f: {  	_ =	swait.ge [sflag:s17], $0x2800  }
0x30: {  	[sflag:s17] =	ssyncset.done $0x0  }
0x31: {  	[sflag:s17] =	ssyncadd.s32 $0xFFFFD800  }
0x32: {  	[spmem:s9] =	stream.linear.scatter [tilespmem:s19], [sflag:$0x3], $0x2800, $0x38;
	[tilespmem:$0x1DE20] =	vst v63  }
0x33: {  	_ =	swait.ge [sflag:s17], $0x2800  }
0x34: {  	[sflag:s17] =	ssyncset.done $0x0  }
0x35: {  	[sflag:s17] =	ssyncadd.s32 $0xFFFFD800  }
0x36: {  	[spmem:s10] =	stream.linear.scatter [tilespmem:s19], [sflag:$0x3], $0x2800, $0x38;
	[tilespmem:$0x1DE20] =	vst v63  }
0x37: {  	_ =	swait.ge [sflag:s17], $0x2800  }
0x38: {  	[sflag:s17] =	ssyncset.done $0x0  }
0x39: {  	[sflag:s17] =	ssyncadd.s32 $0xFFFFD800  }
0x3a: {  	[spmem:s11] =	stream.linear.scatter [tilespmem:s19], [sflag:$0x3], $0x2800, $0x38;
	[tilespmem:$0x1DE20] =	vst v63  }
0x3b: {  	_ =	swait.ge [sflag:s17], $0x2800  }
0x3c: {  	[sflag:s17] =	ssyncset.done $0x0  }
0x3d: {  	[sflag:s17] =	ssyncadd.s32 $0xFFFFD800  }
0x3e: {  	[spmem:s12] =	stream.linear.scatter [tilespmem:s19], [sflag:$0x3], $0x2800, $0x38;
	[tilespmem:$0x1DE20] =	vst v63  }
0x3f: {  	_ =	swait.ge [sflag:s17], $0x2800  }
0x40: {  	[sflag:s17] =	ssyncset.done $0x0  }
0x41: {  	[sflag:s17] =	ssyncadd.s32 $0xFFFFD800  }
0x42: {  	[spmem:s13] =	stream.linear.scatter [tilespmem:s19], [sflag:$0x3], $0x2800, $0x38;
	[tilespmem:$0x1DE20] =	vst v63  }
0x43: {  	_ =	swait.ge [sflag:s17], $0x2800  }
0x44: {  	[sflag:s17] =	ssyncset.done $0x0  }
0x45: {  	[sflag:s17] =	ssyncadd.s32 $0xFFFFD800  }
0x46: {  	[spmem:s14] =	stream.linear.scatter [tilespmem:s19], [sflag:$0x3], $0x2800, $0x38;
	[tilespmem:$0x1DE20] =	vst v63  }
0x47: {  	_ =	swait.ge [sflag:s17], $0x2800  }
0x48: {  	[sflag:s17] =	ssyncset.done $0x0  }
0x49: {  	[sflag:s17] =	ssyncadd.s32 $0xFFFFD800  }
0x4a: {  	s30 =	simm.s32 $0x0;
	[bflag:$0x0] =	sbarrier.arrive $0xFFFF  }
0x4b: {  	[tilespmem:s19], [sflag:$0x1] =	stream.indirect.gather [hbm4b:s4+s20], $0x80, s30, s20, $0xb8;
	[tilespmem:$0x1DE20] =	vst v63  }
0x4c: {  	s31 =	simm.s32 $0x50  }
0x4d: {  	[tilespmem:s21], [sflag:$0x2] =	stream.indirect.gather [hbm4b:s4+s20], $0x80, s31, s20, $0xb8;
	[tilespmem:$0x1DE20] =	vst v63  }
0x4e: {  	_ =	swait.ge [sflag:s22], $0x2800  }
0x4f: {  	[sflag:s22] =	ssyncset.done $0x0  }
0x50: {  	s29 =	simm.s32 $0x2710;
	[sflag:s22] =	ssyncadd.s32 $0xFFFFD800  }
0x51: {  	[spmem:s2] =	stream.indirect.scatter.add.f32 [tilespmem:s19], [sflag:$0x3], $0x80, s29, s20, $0xb8;
	[tilespmem:$0x1DE20] =	vst v63  }
0x52: {  	_ =	swait.ge [sflag:s17], $0x2800  }
0x53: {  	[sflag:s17] =	ssyncset.done $0x0  }
0x54: {  	s30 =	simm.s32 $0xA0;
	[sflag:s17] =	ssyncadd.s32 $0xFFFFD800  }
0x55: {  	[tilespmem:s19], [sflag:$0x1] =	stream.indirect.gather [hbm4b:s4+s20], $0x80, s30, s20, $0xb8;
	[tilespmem:$0x1DE20] =	vst v63  }
0x56: {  	_ =	swait.ge [sflag:s23], $0x2800  }
0x57: {  	[sflag:s23] =	ssyncset.done $0x0  }
0x58: {  	s31 =	simm.s32 $0x2760;
	[sflag:s23] =	ssyncadd.s32 $0xFFFFD800  }
0x59: {  	[spmem:s2] =	stream.indirect.scatter.add.f32 [tilespmem:s21], [sflag:$0x3], $0x80, s31, s20, $0xb8;
	[tilespmem:$0x1DE20] =	vst v63  }
0x5a: {  	_ =	swait.ge [sflag:s17], $0x2800  }
0x5b: {  	s28 =	simm.s32 $0x500;
	s26 =	simm.s32 $0xA0;
	[sflag:s17] =	ssyncset.done $0x0  }
.LBB2_4:
0x5c: {  	s29 =	sadd.s32 $0x50, s26  }
0x5d: {  	[sflag:s17] =	ssyncadd.s32 $0xFFFFD800;
	s30 =	smov.u32 s28;
	s31 =	sadd.s32 $0x280, s28  }
0x5e: {  	[tilespmem:s21], [sflag:$0x2] =	stream.indirect.gather [hbm4b:s4+s20], $0x80, s29, s20, $0xb8;
	[tilespmem:$0x1DE20] =	vst v63  }
0x5f: {  	p0 =	sne.s32 s28, $0x9880;
	_ =	swait.ge [sflag:s22], $0x2800  }
0x60: {  	[sflag:s22] =	ssyncset.done $0x0  }
0x61: {  	s28 =	sadd.s32 $0x2710, s26;
	[sflag:s22] =	ssyncadd.s32 $0xFFFFD800  }
0x62: {  	[spmem:s2] =	stream.indirect.scatter.add.f32 [tilespmem:s19], [sflag:$0x3], $0x80, s28, s20, $0xb8;
	[tilespmem:$0x1DE20] =	vst v63  }
0x63: {  	_ =	swait.ge [sflag:s17], $0x2800  }
0x64: {  	[sflag:s17] =	ssyncset.done $0x0  }
0x65: {  	s28 =	sadd.s32 $0xA0, s26;
	[sflag:s17] =	ssyncadd.s32 $0xFFFFD800  }
0x66: {  	[tilespmem:s19], [sflag:$0x1] =	stream.indirect.gather [hbm4b:s4+s20], $0x80, s28, s20, $0xb8;
	[tilespmem:$0x1DE20] =	vst v63  }
0x67: {  	_ =	swait.ge [sflag:s23], $0x2800  }
.Ltmp1:
0x68: {  	[sflag:s23] =	ssyncset.done $0x0;
	(pc) =	sbr.rel @p0 .LBB2_4-.Ltmp1, $4  }
0x69: {  	s26 =	sadd.s32 $0x2760, s26;
	[sflag:s23] =	ssyncadd.s32 $0xFFFFD800  }
0x6a: {  	[spmem:s2] =	stream.indirect.scatter.add.f32 [tilespmem:s21], [sflag:$0x3], $0x80, s26, s20, $0xb8;
	[tilespmem:$0x1DE20] =	vst v63  }
0x6b: {  	_ =	swait.ge [sflag:s17], $0x2800  }
0x6c: {  	s28 =	smov.u32 s31;
	s26 =	sshra.s32 s30, $0x2;
	[sflag:s17] =	ssyncset.done $0x0  }
0x6d: {  	s28 =	sadd.s32 $0x50, s26;
	[sflag:s17] =	ssyncadd.s32 $0xFFFFD800  }
0x6e: {  	[tilespmem:s21], [sflag:$0x2] =	stream.indirect.gather [hbm4b:s4+s20], $0x80, s28, s20, $0xb8;
	[tilespmem:$0x1DE20] =	vst v63  }
0x6f: {  	_ =	swait.ge [sflag:s22], $0x2800  }
0x70: {  	[sflag:s22] =	ssyncset.done $0x0  }
0x71: {  	s30 =	sadd.s32 $0x2710, s26;
	[sflag:s22] =	ssyncadd.s32 $0xFFFFD800  }
0x72: {  	[spmem:s2] =	stream.indirect.scatter.add.f32 [tilespmem:s19], [sflag:$0x3], $0x80, s30, s20, $0xb8;
	[tilespmem:$0x1DE20] =	vst v63  }
0x73: {  	_ =	swait.ge [sflag:s17], $0x2800  }
0x74: {  	[sflag:s17] =	ssyncset.done $0x0  }
0x75: {  	s31 =	sadd.s32 $0xA0, s26;
	[sflag:s17] =	ssyncadd.s32 $0xFFFFD800  }
0x76: {  	[tilespmem:s19], [sflag:$0x1] =	stream.indirect.gather [hbm4b:s4+s20], $0x80, s31, s20, $0xb8;
	[tilespmem:$0x1DE20] =	vst v63  }
0x77: {  	_ =	swait.ge [sflag:s23], $0x2800  }
0x78: {  	[sflag:s23] =	ssyncset.done $0x0  }
0x79: {  	s29 =	sadd.s32 $0x2760, s26;
	[sflag:s23] =	ssyncadd.s32 $0xFFFFD800  }
0x7a: {  	[spmem:s2] =	stream.indirect.scatter.add.f32 [tilespmem:s21], [sflag:$0x3], $0x80, s29, s20, $0xb8;
	[tilespmem:$0x1DE20] =	vst v63  }
0x7b: {  	_ =	swait.ge [sflag:s17], $0x2800  }
0x7c: {  	[sflag:s17] =	ssyncset.done $0x0  }
0x7d: {  	[sflag:s17] =	ssyncadd.s32 $0xFFFFD800  }
0x7e: {  	_ =	swait.ge [sflag:s22], $0x2800  }
0x7f: {  	[sflag:s22] =	ssyncset.done $0x0  }
0x80: {  	[sflag:s22] =	ssyncadd.s32 $0xFFFFD800  }
0x81: {  	[spmem:s2] =	stream.indirect.scatter.add.f32 [tilespmem:s19], [sflag:$0x3], $0x80, s24, s20, $0xb8;
	[tilespmem:$0x1DE20] =	vst v63  }
0x82: {  	_ =	swait.ge [sflag:s17], $0x2800  }
0x83: {  	s25 =	sadd.s32 $0x1, s25;
	s30 =	sshll.u32 s1, $0x6;
	[sflag:s17] =	ssyncset.done $0x0  }
0x84: {  	p0 =	sne.s32 s25, s16;
	s26 =	sor.u32 $0x1C03, s30;
	[sflag:s17] =	ssyncadd.s32 $0xFFFFD800  }
.Ltmp2:
0x85: {  	s31 =	sshrl.u32 s7, $0x3;
	[bflag:$0x0] =	sbarrier.arrive $0xFFFF;
	(pc) =	sbr.rel @p0 .LBB2_1-.Ltmp2, $4  }
0x86: {  	[hbm:s15], [sflag:s26] =	dma.local [spmem:s31], $0x2800  }
0x87: {  	_ =	swait.ge [sflag:s17], $0x2800  }
0x88: {  	[sflag:s17] =	ssyncset.done $0x0  }
0x89: {  	[sflag:s17] =	ssyncadd.s32 $0xFFFFD800  }
0x8a: {  	_ =	sfence.sel $0x180000  }
0x8b: {  	[bflag:$0x0] =	sbarrier.arrive $0xFFFF  }
0x8c: {  	p0 =	sne.s32 s1, $0x0;
	_ =	strace $0x9000004D  }
0x8d: {  	s0 =	sadd.s32 @!p0 $0x100000, s0;
	[bflag:$0x2] =	sbarrier.arrive $0xFFFF  }
0x8e: {  	[sflag:s0] =	ssyncadd.tile.s32 @!p0 $0x1;
	_ =	shalt  }
.Lfunc_end2:
_tile_overlayer_lowered:
.L_overlay_start_2:
0x8f: {  	(tag) =	ssettag $0x2  }
0x90: {  	s0 =	rddreg [dreg:$0x0];
	s2 =	stileid.u32  }
0x91: {  	s1 =	rddreg [dreg:$0x1];
	p0 =	sne.s32 s2, $0x0  }
0x92: {  	s3 =	rddreg [dreg:$0x2];
	[bflag:$0x3] =	sbarrier.arrive $0xFFFF;
	s2 =	simm.s32 @!p0 $0x1C03  }
0x93: {  	[timem:s3], [sflag:s2] =	dma.local @!p0 [hbm:s0], s1  }
0x94: {  	s0 =	simm.s32 @!p0 $0x3  }
0x95: {  	_ =	swait.ge @!p0 [sflag:s0], s1  }
0x96: {  	s1 =	ssub.s32 @!p0 $0x0, s1;
	[sflag:s0] =	ssyncset.done @!p0 $0x0  }
0x97: {  	[sflag:s0] =	ssyncadd.s32 @!p0 s1  }
0x98: {  	[bflag:$0x3] =	sbarrier.arrive $0xFFFF  }
0x99: {  	_ =	shalt  }

// kernel: kernel.19.cloned.1.call-start
scs
__scs_entry_jumppad:
0x0: {  	(pc) =	sbr.rel $0x88, $3  }
0x1: {  	(tag) =	ssettag $0x0;
	lr =	simm.s32 $0x1  }
0x2: {  	[smem:$0x3F99] =	sst lr;
	_ =	strace $0xD0000000  }
0x3: {  	_ = 	snop  }
0x4: {  	_ = 	snop  }
0x5: {  	_ = 	snop  }
0x6: {  	_ = 	snop  }
0x7: {  	_ = 	snop  }
__scs_overlays_trampoline_lowered:
0x8: {  	[smem:$0x3FA8] =	sst s0  }
0x9: {  	[smem:$0x3FA9] =	sst s1  }
0xa: {  	[smem:$0x3FAA] =	sst s2  }
0xb: {  	[smem:$0x3FAB] =	sst s3  }
0xc: {  	[smem:$0x3FAC] =	sst s4  }
0xd: {  	[smem:$0x3FAD] =	sst s5  }
0xe: {  	[smem:$0x3FAE] =	sst s6  }
0xf: {  	[smem:$0x3FAF] =	sst s7  }
0x10: {  	[smem:$0x3FB0] =	sst s8  }
0x11: {  	[smem:$0x3FB1] =	sst s9;
	s0 =	simm.s32 @!p0 $0x0  }
0x12: {  	s1 =	sld [smem:$0x3F97];
	s0 =	simm.s32 @p0 $0x1  }
0x13: {  	[smem:$0x3FB2] =	sst s0;
	s0 =	simm.s32 @!p1 $0x0  }
0x14: {  	s2 =	sld [smem:$0x3F96];
	s0 =	simm.s32 @p1 $0x1  }
0x15: {  	[smem:$0x3FB3] =	sst s0;
	s0 =	simm.s32 @!p2 $0x0  }
0x16: {  	s3 =	sld [smem:$0x3FDB];
	s0 =	simm.s32 @p2 $0x1  }
0x17: {  	s4 =	simm.s32 $0x1BF5;
	[smem:$0x3FB5] =	sst s0  }
0x18: {  	s0 =	sld [smem:$0x3F98];
	_ =	swait.ge [sflag:s4], $0x0  }
0x19: {  	s7 =	sld [smem:$0x3F99]  }
0x1a: {  	s8 =	sadd.s32 $0xFFFFE003, lr  }
0x1b: {  	s9 =	sadd.s32 $0xFFFFFEF7, lr;
	s5 =	simm.s32 $0xFFFFFFFF;
	p2 =	slt.u32 s8, $0xFFFFF086  }
0x1c: {  	p1 =	slt.u32 s9, $0xF7A;
	s5 =	simm.s32 @!p2 $0x0  }
0x1d: {  	s5 =	simm.s32 @p1 $0x1;
	p0 =	seq.s32 s7, s2  }
0x1e: {  	s7 =	smul.u32 @!p0 $0xF7A, s2;
	p2 =	seq.s32 @!p0 s5, $0x0  }
0x1f: {  	s9 =	smul.u32 $0xF7A, s1;
	s8 =	simm.s32 @!p0 $0x1BF5;
	p2 =	por !p2, p0  }
0x20: {  	[sflag:s8] =	ssyncset.s32 @!p0 $0xFFFFF086;
	s6 =	sadd.s32 @!p0 s3, s7;
	s7 =	simm.s32 @!p0 $0x108  }
0x21: {  	s3 =	sadd.s32 s3, s9;
	s6 =	sadd.s32 @!p0 $0x88, s6;
	s7 =	simm.s32 @p2 $0x1082  }
0x22: {  	[simem:s7], [sflag:s8] =	dma.local @!p0 [hbm:s6], $0xF7A  }
0x23: {  	s9 =	sor.u32 $0xD0000000, s2;
	s6 =	simm.s32 $0x108;
	_ =	swait.ge @!p0 [sflag:s8], $0x0  }
0x24: {  	s3 =	sadd.s32 $0x88, s3;
	s6 =	simm.s32 @!p1 $0x1082;
	[sflag:s4] =	ssyncset.s32 $0xFFFFF086  }
0x25: {  	[simem:s6], [sflag:s4] =	dma.local [hbm:s3], $0xF7A  }
0x26: {  	[smem:$0x3F99] =	sst s1;
	(tag) =	ssettag s2;
	_ =	strace s9  }
0x27: {  	s1 =	sld [smem:$0x3FA9]  }
0x28: {  	s2 =	sld [smem:$0x3FAA]  }
0x29: {  	s4 =	sld [smem:$0x3FAC]  }
0x2a: {  	p0 =	seq.s32 s5, $0x0;
	s5 =	sld [smem:$0x3FAD]  }
0x2b: {  	s6 =	sld [smem:$0x3FAE]  }
0x2c: {  	s7 =	sld [smem:$0x3FAF]  }
0x2d: {  	s3 =	simm.s32 $0x108;
	s8 =	sld [smem:$0x3FB0]  }
0x2e: {  	s3 =	simm.s32 @!p0 $0x1082;
	s9 =	sld [smem:$0x3FB1]  }
0x2f: {  	lr =	sadd.s32 s0, s3;
	s0 =	sld [smem:$0x3FA8]  }
0x30: {  	s3 =	sld [smem:$0x3FAB]  }
0x31: {  	[smem:$0x3FB4] =	sst s10  }
0x32: {  	s10 =	sld [smem:$0x3FB2];
	_ =	sdelay $0x3  }
0x33: {  	p0 =	seq.s32 s10, $0x1;
	s10 =	sld [smem:$0x3FB4];
	_ =	sdelay $0x3  }
0x34: {  	[smem:$0x3FB4] =	sst s10  }
0x35: {  	s10 =	sld [smem:$0x3FB3];
	_ =	sdelay $0x3  }
0x36: {  	p1 =	seq.s32 s10, $0x1;
	s10 =	sld [smem:$0x3FB4];
	_ =	sdelay $0x3  }
0x37: {  	[smem:$0x3FB4] =	sst s10  }
0x38: {  	s10 =	sld [smem:$0x3FB5]  }
0x39: {  	_ = 	snop;
	(pc) =	sbr.ind lr, $3  }
0x3a: {  	_ = 	snop  }
0x3b: {  	_ = 	snop  }
0x3c: {  	p2 =	seq.s32 s10, $0x1;
	s10 =	sld [smem:$0x3FB4]  }
0x3d: {  	_ =	shalt  }
0x3e: {  	_ =	shalt  }
0x3f: {  	_ =	shalt  }
0x40: {  	_ =	shalt  }
0x41: {  	_ =	shalt  }
0x42: {  	_ =	shalt  }
0x43: {  	_ =	shalt  }
0x44: {  	_ =	shalt  }
0x45: {  	_ =	shalt  }
0x46: {  	_ =	shalt  }
0x47: {  	_ =	shalt  }
0x48: {  	_ =	shalt  }
0x49: {  	_ =	shalt  }
0x4a: {  	_ =	shalt  }
0x4b: {  	_ =	shalt  }
0x4c: {  	_ =	shalt  }
0x4d: {  	_ =	shalt  }
0x4e: {  	_ =	shalt  }
0x4f: {  	_ =	shalt  }
0x50: {  	_ =	shalt  }
0x51: {  	_ =	shalt  }
0x52: {  	_ =	shalt  }
0x53: {  	_ =	shalt  }
0x54: {  	_ =	shalt  }
0x55: {  	_ =	shalt  }
0x56: {  	_ =	shalt  }
0x57: {  	_ =	shalt  }
0x58: {  	_ =	shalt  }
0x59: {  	_ =	shalt  }
0x5a: {  	_ =	shalt  }
0x5b: {  	_ =	shalt  }
0x5c: {  	_ =	shalt  }
0x5d: {  	_ =	shalt  }
0x5e: {  	_ =	shalt  }
0x5f: {  	_ =	shalt  }
0x60: {  	_ =	shalt  }
0x61: {  	_ =	shalt  }
0x62: {  	_ =	shalt  }
0x63: {  	_ =	shalt  }
0x64: {  	_ =	shalt  }
0x65: {  	_ =	shalt  }
0x66: {  	_ =	shalt  }
0x67: {  	_ =	shalt  }
0x68: {  	_ =	shalt  }
0x69: {  	_ =	shalt  }
0x6a: {  	_ =	shalt  }
0x6b: {  	_ =	shalt  }
0x6c: {  	_ =	shalt  }
0x6d: {  	_ =	shalt  }
0x6e: {  	_ =	shalt  }
0x6f: {  	_ =	shalt  }
0x70: {  	_ =	shalt  }
0x71: {  	_ =	shalt  }
0x72: {  	_ =	shalt  }
0x73: {  	_ =	shalt  }
0x74: {  	_ =	shalt  }
0x75: {  	_ =	shalt  }
0x76: {  	_ =	shalt  }
0x77: {  	_ =	shalt  }
0x78: {  	_ =	shalt  }
0x79: {  	_ =	shalt  }
0x7a: {  	_ =	shalt  }
0x7b: {  	_ =	shalt  }
0x7c: {  	_ =	shalt  }
0x7d: {  	_ =	shalt  }
0x7e: {  	_ =	shalt  }
0x7f: {  	_ =	shalt  }
0x80: {  	_ =	shalt  }
0x81: {  	_ =	shalt  }
0x82: {  	_ =	shalt  }
0x83: {  	_ =	shalt  }
0x84: {  	_ =	shalt  }
0x85: {  	_ =	shalt  }
0x86: {  	_ =	shalt  }
0x87: {  	_ =	shalt  }
.Lfunc_end0:
.L_simem_size_0:
called_computation.3_lowered:
.L_overlay_start_0:
0x88: {  	s2 =	sld [smem:$0x3FD9]  }
0x89: {  	s3 =	sld [smem:$0x3FFE];
	_ =	sdelay $0x1  }
0x8a: {  	s1 =	srdreg.scid  }
0x8b: {  	s0 =	sand.u32 $0x1, s1  }
0x8c: {  	s16 =	sshll.u32 s0, $0xA;
	s2 =	sadd.s32 s3, s2  }
0x8d: {  	s2 =	sadd.s32 s2, s16  }
0x8e: {  	[smem:$0x3FC0] =	sst s2  }
0x8f: {  	_ = 	snop  }
0x90: {  	(tm) =	ssettm $0x1  }
0x91: {  	s17 =	sld [smem:$0x3FFB];
	_ =	sdelay $0x3  }
0x92: {  	_ =	strace s17  }
0x93: {  	s2 =	sld [smem:$0x3FFC];
	_ =	sdelay $0x3  }
0x94: {  	_ =	strace s2  }
0x95: {  	s2 =	sld [smem:$0x3FFD];
	_ =	sdelay $0x3  }
0x96: {  	_ =	strace s2  }
0x97: {  	_ =	strace $0x8FFFFFFF  }
0x98: {  	s18 =	sld [smem:$0x3FDB];
	_ =	sdelay $0x1  }
0x99: {  	s19 =	simm.s32 $_scs_section_size  }
0x9a: {  	s4 =	simm.s32 $_size__tile_overlayer_lowered;
	s5 =	simm.s32 $_tile_overlayer_lowered  }
0x9b: {  	s22 =	simm.s32 $0x1BFF;
	s21 =	sshll.u32 s5, $0x1;
	s2 =	sadd.s32 s19, s18  }
0x9c: {  	s6 =	simm.s32 $0x0;
	s20 =	sshll.u32 s4, $0x1;
	s4 =	sadd.s32 s21, s2  }
0x9d: {  	[timem:s6], [sflag:s22] =	dma.local [hbm:s4], s20  }
0x9e: {  	_ =	swait.ge [sflag:s22], s20  }
0x9f: {  	s3 =	ssub.s32 $0x0, s20;
	[sflag:s22] =	ssyncset.done $0x0  }
0xa0: {  	[sflag:s22] =	ssyncadd.s32 s3;
	_ =	sdelay $0x1  }
0xa1: {  	s23 =	simm.s32 $0x1B8B  }
0xa2: {  	_ =	swait.ge [sflag:s23], $0x1  }
0xa3: {  	[sflag:s23] =	ssyncset.done $0x0  }
0xa4: {  	s25 =	simm.s32 $0x1B8E;
	s24 =	sld [smem:$0x3FFE];
	[sflag:s23] =	ssyncadd.s32 $0xFFFFFFFF  }
0xa5: {  	s26 =	simm.s32 $execute0_lowered;
	[smem:$0x3FD2] =	sst s25  }
0xa6: {  	s4 =	sshll.u32 s26, $0x1;
	_ =	strace $0x8000004F;
	[dreg:$0x1] =	wrdreg $0xFFFFFFFF  }
0xa7: {  	s28 =	simm.s32 $_size_execute0_lowered;
	s2 =	sadd.s32 s2, s4;
	[dreg:$0x0] =	wrdreg $0x0  }
0xa8: {  	s4 =	sshll.u32 s28, $0x1;
	[dreg:$0x2] =	wrdreg s2  }
0xa9: {  	[dreg:$0x3] =	wrdreg s4  }
0xaa: {  	[dreg:$0x4] =	wrdreg $0xC0  }
0xab: {  	_ =	task [dreg:s6], $0x5FFFF  }
0xac: {  	[dreg:$0x1] =	wrdreg $0xFFFFFFFF  }
0xad: {  	[dreg:$0x0] =	wrdreg $0x60  }
0xae: {  	[dreg:$0x2] =	wrdreg s24  }
0xaf: {  	[dreg:$0x3] =	wrdreg $0x76200  }
0xb0: {  	[dreg:$0x4] =	wrdreg $0x9  }
0xb1: {  	_ =	task.clear_ibuf [dreg:s6], $0x5FFFF;
	_ =	strace $0x9000004F  }
0xb2: {  	s29 =	simm.s32 $0x9;
	_ =	strace $0x80000051  }
0xb3: {  	_ =	swait.ge [sflag:s29], $0x1  }
0xb4: {  	[sflag:s29] =	ssyncadd.s32 $0xFFFFFFFF  }
0xb5: {  	_ =	strace $0x90000051  }
0xb6: {  	_ =	sfence  }
0xb7: {  	s30 =	sld [smem:$0x0];
	_ =	sdelay $0x2  }
0xb8: {  	s31 =	sshll.u32 s1, $0xD;
	s1 =	sshrl.u32 s1, $0x2  }
0xb9: {  	s3 =	sand.u32 $0x4000, s31;
	s1 =	sadd.s32 s1, s30  }
0xba: {  	s0 =	sor.u32 s3, s0;
	s1 =	sshll.u32 s1, $0x11  }
0xbb: {  	s0 =	sor.u32 s1, s0  }
0xbc: {  	s0 =	sadd.s32 $0x8F2B, s0  }
0xbd: {  	[sflag:s0] =	ssyncadd.remote.s32 $0x1  }
0xbe: {  	_ =	sfence.sel $0xFFFF  }
0xbf: {  	[dreg:$0x0] =	wrdreg $0xFFFFFFFF;
	(pc) =	sbr.abs _section_cstart, $3  }
0xc0: {  	[dreg:$0x1] =	wrdreg $0xFFFFFFFF  }
0xc1: {  	_ =	task.clear_ibuf [dreg:s6], $0x2FFFF;
	_ =	strace $0x9FFFFFFF  }
0xc2: {  	(tm) =	ssettm $0x7FFFFFFF  }
0xc3: {  	_ =	shalt  }
tec
execute0_lowered:
.L_overlay_start_1:
0x0: {  	(tag) =	ssettag $0x1  }
0x1: {  	s5 =	rddreg [dreg:$0x0]  }
0x2: {  	s2 =	rddreg [dreg:$0x1]  }
0x3: {  	s0 =	rddreg [dreg:$0x2];
	s4 =	srdreg.scid  }
0x4: {  	s1 =	stileid.u32;
	s3 =	simm.s32 $0x0;
	s17 =	simm.s32 $0x3  }
0x5: {  	s18 =	simm.s32 $0x2710;
	s19 =	simm.s32 $0x4E20;
	s20 =	simm.s32 $0x50  }
0x6: {  	s21 =	simm.s32 $0x6220;
	s22 =	simm.s32 $0x1;
	s23 =	simm.s32 $0x2  }
0x7: {  	s24 =	simm.s32 $0x4DD0;
	s25 =	simm.s32 $0x0;
	s7 =	smul.u32 $0xA000, s1  }
0x8: {  	s6 =	sand.u32 $0x1, s4;
	[smem:$0x7FF] =	sst s3;
	s10 =	smul.u32 $0x28000, s1  }
0x9: {  	s29 =	sshll.u32 s1, $0x1;
	s4 =	sadd.s32 $0x16A00, s5;
	s8 =	smul.u32 $0xA0000, s6  }
0xa: {  	_ =	strace $0x80000050;
	s9 =	sor.u32 s6, s29;
	s6 =	ssub.s32 $0x2, s6  }
0xb: {  	s9 =	smul.u32 $0x4E2, s9;
	s30 =	sshrl.u32 s6, $0x1;
	s31 =	sshrl.u32 s10, $0x2  }
0xc: {  	s8 =	sadd.s32 s7, s8;
	s16 =	ssub.s32 s6, s30;
	s7 =	sadd.s32 s7, s2  }
0xd: {  	s14 =	sadd.s32 s31, s2;
	s8 =	sshrl.u32 s8, $0x3;
	s9 =	sadd.s32 s9, s5  }
0xe: {  	s10 =	sadd.s32 $0x3C00, s14;
	s11 =	sadd.s32 $0x5000, s14;
	s12 =	sadd.s32 $0x6400, s14  }
0xf: {  	s13 =	sadd.s32 $0x7800, s14;
	s16 =	smax.u32 s16, $0x1;
	s15 =	sadd.s32 s8, s5  }
0x10: {  	s5 =	sadd.s32 $0x2E00, s9;
	s6 =	sadd.s32 $0xCC00, s9;
	s8 =	sadd.s32 $0x1400, s14  }
0x11: {  	v0 =	vimm.f32 $0.0e+00;
	s9 =	sadd.s32 $0x2800, s14;
	s14 =	sadd.s32 $0x8C00, s14;
	s15 =	sadd.s32 $0x66A00, s15  }
.LBB2_1:
0x12: {  	[tilespmem:s3], [sflag:$0x3] =	stream.linear.gather [hbm4b:s5+s3], $0x2710, $0x38;
	[tilespmem:$0x11620] =	vst v63  }
0x13: {  	_ =	swait.ge [sflag:s17], $0x2710  }
0x14: {  	[sflag:s17] =	ssyncset.done $0x0  }
0x15: {  	[sflag:s17] =	ssyncadd.s32 $0xFFFFD8F0  }
0x16: {  	[tilespmem:s18], [sflag:$0x3] =	stream.linear.gather [hbm4b:s6+s3], $0x2710, $0x38;
	[tilespmem:$0x11620] =	vst v63  }
0x17: {  	_ =	swait.ge [sflag:s17], $0x2710  }
0x18: {  	[sflag:s17] =	ssyncset.done $0x0  }
0x19: {  	s28 =	simm.s32 $0x100;
	s26 =	simm.s32 $0x0;
	[sflag:s17] =	ssyncadd.s32 $0xFFFFD8F0  }
.LBB2_2:
0x1a: {  	p0 =	sne.s32 s28, $0x4F00;
	[tilespmem:s26+$0x4E50] =	vst v0;
	s29 =	smov.u32 s28;
	s28 =	sadd.s32 $0x100, s28  }
.Ltmp0:
0x1b: {  	[tilespmem:s26+$0x4E40] =	vst v0;
	(pc) =	sbr.rel @p0 .LBB2_2-.Ltmp0, $3  }
0x1c: {  	[tilespmem:s26+$0x4E20] =	vst v0  }
0x1d: {  	[tilespmem:s26+$0x4E30] =	vst v0;
	_ =	sdelay $0x1  }
0x1e: {  	s26 =	sshra.s32 s29, $0x2  }
0x1f: {  	[tilespmem:s26+$0x4E50] =	vst v0  }
0x20: {  	[tilespmem:s26+$0x4E40] =	vst v0  }
0x21: {  	[tilespmem:s26+$0x4E20] =	vst v0  }
0x22: {  	[tilespmem:s26+$0x4E30] =	vst v0  }
0x23: {  	[spmem:s7] =	stream.linear.scatter [tilespmem:s19], [sflag:$0x3], $0x1400, $0x38;
	[tilespmem:$0x11620] =	vst v63  }
0x24: {  	_ =	swait.ge [sflag:s17], $0x1400  }
0x25: {  	[sflag:s17] =	ssyncset.done $0x0  }
0x26: {  	[sflag:s17] =	ssyncadd.s32 $0xFFFFEC00  }
0x27: {  	[spmem:s8] =	stream.linear.scatter [tilespmem:s19], [sflag:$0x3], $0x1400, $0x38;
	[tilespmem:$0x11620] =	vst v63  }
0x28: {  	_ =	swait.ge [sflag:s17], $0x1400  }
0x29: {  	[sflag:s17] =	ssyncset.done $0x0  }
0x2a: {  	[sflag:s17] =	ssyncadd.s32 $0xFFFFEC00  }
0x2b: {  	[spmem:s9] =	stream.linear.scatter [tilespmem:s19], [sflag:$0x3], $0x1400, $0x38;
	[tilespmem:$0x11620] =	vst v63  }
0x2c: {  	_ =	swait.ge [sflag:s17], $0x1400  }
0x2d: {  	[sflag:s17] =	ssyncset.done $0x0  }
0x2e: {  	[sflag:s17] =	ssyncadd.s32 $0xFFFFEC00  }
0x2f: {  	[spmem:s10] =	stream.linear.scatter [tilespmem:s19], [sflag:$0x3], $0x1400, $0x38;
	[tilespmem:$0x11620] =	vst v63  }
0x30: {  	_ =	swait.ge [sflag:s17], $0x1400  }
0x31: {  	[sflag:s17] =	ssyncset.done $0x0  }
0x32: {  	[sflag:s17] =	ssyncadd.s32 $0xFFFFEC00  }
0x33: {  	[spmem:s11] =	stream.linear.scatter [tilespmem:s19], [sflag:$0x3], $0x1400, $0x38;
	[tilespmem:$0x11620] =	vst v63  }
0x34: {  	_ =	swait.ge [sflag:s17], $0x1400  }
0x35: {  	[sflag:s17] =	ssyncset.done $0x0  }
0x36: {  	[sflag:s17] =	ssyncadd.s32 $0xFFFFEC00  }
0x37: {  	[spmem:s12] =	stream.linear.scatter [tilespmem:s19], [sflag:$0x3], $0x1400, $0x38;
	[tilespmem:$0x11620] =	vst v63  }
0x38: {  	_ =	swait.ge [sflag:s17], $0x1400  }
0x39: {  	[sflag:s17] =	ssyncset.done $0x0  }
0x3a: {  	[sflag:s17] =	ssyncadd.s32 $0xFFFFEC00  }
0x3b: {  	[spmem:s13] =	stream.linear.scatter [tilespmem:s19], [sflag:$0x3], $0x1400, $0x38;
	[tilespmem:$0x11620] =	vst v63  }
0x3c: {  	_ =	swait.ge [sflag:s17], $0x1400  }
0x3d: {  	[sflag:s17] =	ssyncset.done $0x0  }
0x3e: {  	[sflag:s17] =	ssyncadd.s32 $0xFFFFEC00  }
0x3f: {  	[spmem:s14] =	stream.linear.scatter [tilespmem:s19], [sflag:$0x3], $0x1400, $0x38;
	[tilespmem:$0x11620] =	vst v63  }
0x40: {  	_ =	swait.ge [sflag:s17], $0x1400  }
0x41: {  	[sflag:s17] =	ssyncset.done $0x0  }
0x42: {  	[sflag:s17] =	ssyncadd.s32 $0xFFFFEC00  }
0x43: {  	s30 =	simm.s32 $0x0;
	[bflag:$0x0] =	sbarrier.arrive $0xFFFF  }
0x44: {  	[tilespmem:s19], [sflag:$0x1] =	stream.indirect.gather [hbm4b:s4+s20], $0x40, s30, s20, $0xb8;
	[tilespmem:$0x11620] =	vst v63  }
0x45: {  	s31 =	simm.s32 $0x50  }
0x46: {  	[tilespmem:s21], [sflag:$0x2] =	stream.indirect.gather [hbm4b:s4+s20], $0x40, s31, s20, $0xb8;
	[tilespmem:$0x11620] =	vst v63  }
0x47: {  	_ =	swait.ge [sflag:s22], $0x1400  }
0x48: {  	[sflag:s22] =	ssyncset.done $0x0  }
0x49: {  	s29 =	simm.s32 $0x2710;
	[sflag:s22] =	ssyncadd.s32 $0xFFFFEC00  }
0x4a: {  	[spmem:s2] =	stream.indirect.scatter.add.f32 [tilespmem:s19], [sflag:$0x3], $0x40, s29, s20, $0xb8;
	[tilespmem:$0x11620] =	vst v63  }
0x4b: {  	_ =	swait.ge [sflag:s17], $0x1400  }
0x4c: {  	[sflag:s17] =	ssyncset.done $0x0  }
0x4d: {  	s30 =	simm.s32 $0xA0;
	[sflag:s17] =	ssyncadd.s32 $0xFFFFEC00  }
0x4e: {  	[tilespmem:s19], [sflag:$0x1] =	stream.indirect.gather [hbm4b:s4+s20], $0x40, s30, s20, $0xb8;
	[tilespmem:$0x11620] =	vst v63  }
0x4f: {  	_ =	swait.ge [sflag:s23], $0x1400  }
0x50: {  	[sflag:s23] =	ssyncset.done $0x0  }
0x51: {  	s31 =	simm.s32 $0x2760;
	[sflag:s23] =	ssyncadd.s32 $0xFFFFEC00  }
0x52: {  	[spmem:s2] =	stream.indirect.scatter.add.f32 [tilespmem:s21], [sflag:$0x3], $0x40, s31, s20, $0xb8;
	[tilespmem:$0x11620] =	vst v63  }
0x53: {  	_ =	swait.ge [sflag:s17], $0x1400  }
0x54: {  	s28 =	simm.s32 $0x500;
	s26 =	simm.s32 $0xA0;
	[sflag:s17] =	ssyncset.done $0x0  }
.LBB2_4:
0x55: {  	s29 =	sadd.s32 $0x50, s26  }
0x56: {  	[sflag:s17] =	ssyncadd.s32 $0xFFFFEC00;
	s30 =	smov.u32 s28;
	s31 =	sadd.s32 $0x280, s28  }
0x57: {  	[tilespmem:s21], [sflag:$0x2] =	stream.indirect.gather [hbm4b:s4+s20], $0x40, s29, s20, $0xb8;
	[tilespmem:$0x11620] =	vst v63  }
0x58: {  	p0 =	sne.s32 s28, $0x9880;
	_ =	swait.ge [sflag:s22], $0x1400  }
0x59: {  	[sflag:s22] =	ssyncset.done $0x0  }
0x5a: {  	s28 =	sadd.s32 $0x2710, s26;
	[sflag:s22] =	ssyncadd.s32 $0xFFFFEC00  }
0x5b: {  	[spmem:s2] =	stream.indirect.scatter.add.f32 [tilespmem:s19], [sflag:$0x3], $0x40, s28, s20, $0xb8;
	[tilespmem:$0x11620] =	vst v63  }
0x5c: {  	_ =	swait.ge [sflag:s17], $0x1400  }
0x5d: {  	[sflag:s17] =	ssyncset.done $0x0  }
0x5e: {  	s28 =	sadd.s32 $0xA0, s26;
	[sflag:s17] =	ssyncadd.s32 $0xFFFFEC00  }
0x5f: {  	[tilespmem:s19], [sflag:$0x1] =	stream.indirect.gather [hbm4b:s4+s20], $0x40, s28, s20, $0xb8;
	[tilespmem:$0x11620] =	vst v63  }
0x60: {  	_ =	swait.ge [sflag:s23], $0x1400  }
.Ltmp1:
0x61: {  	[sflag:s23] =	ssyncset.done $0x0;
	(pc) =	sbr.rel @p0 .LBB2_4-.Ltmp1, $4  }
0x62: {  	s26 =	sadd.s32 $0x2760, s26;
	[sflag:s23] =	ssyncadd.s32 $0xFFFFEC00  }
0x63: {  	[spmem:s2] =	stream.indirect.scatter.add.f32 [tilespmem:s21], [sflag:$0x3], $0x40, s26, s20, $0xb8;
	[tilespmem:$0x11620] =	vst v63  }
0x64: {  	_ =	swait.ge [sflag:s17], $0x1400  }
0x65: {  	s28 =	smov.u32 s31;
	s26 =	sshra.s32 s30, $0x2;
	[sflag:s17] =	ssyncset.done $0x0  }
0x66: {  	s28 =	sadd.s32 $0x50, s26;
	[sflag:s17] =	ssyncadd.s32 $0xFFFFEC00  }
0x67: {  	[tilespmem:s21], [sflag:$0x2] =	stream.indirect.gather [hbm4b:s4+s20], $0x40, s28, s20, $0xb8;
	[tilespmem:$0x11620] =	vst v63  }
0x68: {  	_ =	swait.ge [sflag:s22], $0x1400  }
0x69: {  	[sflag:s22] =	ssyncset.done $0x0  }
0x6a: {  	s30 =	sadd.s32 $0x2710, s26;
	[sflag:s22] =	ssyncadd.s32 $0xFFFFEC00  }
0x6b: {  	[spmem:s2] =	stream.indirect.scatter.add.f32 [tilespmem:s19], [sflag:$0x3], $0x40, s30, s20, $0xb8;
	[tilespmem:$0x11620] =	vst v63  }
0x6c: {  	_ =	swait.ge [sflag:s17], $0x1400  }
0x6d: {  	[sflag:s17] =	ssyncset.done $0x0  }
0x6e: {  	s31 =	sadd.s32 $0xA0, s26;
	[sflag:s17] =	ssyncadd.s32 $0xFFFFEC00  }
0x6f: {  	[tilespmem:s19], [sflag:$0x1] =	stream.indirect.gather [hbm4b:s4+s20], $0x40, s31, s20, $0xb8;
	[tilespmem:$0x11620] =	vst v63  }
0x70: {  	_ =	swait.ge [sflag:s23], $0x1400  }
0x71: {  	[sflag:s23] =	ssyncset.done $0x0  }
0x72: {  	s29 =	sadd.s32 $0x2760, s26;
	[sflag:s23] =	ssyncadd.s32 $0xFFFFEC00  }
0x73: {  	[spmem:s2] =	stream.indirect.scatter.add.f32 [tilespmem:s21], [sflag:$0x3], $0x40, s29, s20, $0xb8;
	[tilespmem:$0x11620] =	vst v63  }
0x74: {  	_ =	swait.ge [sflag:s17], $0x1400  }
0x75: {  	[sflag:s17] =	ssyncset.done $0x0  }
0x76: {  	[sflag:s17] =	ssyncadd.s32 $0xFFFFEC00  }
0x77: {  	_ =	swait.ge [sflag:s22], $0x1400  }
0x78: {  	[sflag:s22] =	ssyncset.done $0x0  }
0x79: {  	[sflag:s22] =	ssyncadd.s32 $0xFFFFEC00  }
0x7a: {  	[spmem:s2] =	stream.indirect.scatter.add.f32 [tilespmem:s19], [sflag:$0x3], $0x40, s24, s20, $0xb8;
	[tilespmem:$0x11620] =	vst v63  }
0x7b: {  	_ =	swait.ge [sflag:s17], $0x1400  }
0x7c: {  	s25 =	sadd.s32 $0x1, s25;
	s30 =	sshll.u32 s1, $0x6;
	[sflag:s17] =	ssyncset.done $0x0  }
0x7d: {  	p0 =	sne.s32 s25, s16;
	s26 =	sor.u32 $0x1C03, s30;
	[sflag:s17] =	ssyncadd.s32 $0xFFFFEC00  }
.Ltmp2:
0x7e: {  	s31 =	sshrl.u32 s7, $0x3;
	[bflag:$0x0] =	sbarrier.arrive $0xFFFF;
	(pc) =	sbr.rel @p0 .LBB2_1-.Ltmp2, $4  }
0x7f: {  	[hbm:s15], [sflag:s26] =	dma.local [spmem:s31], $0x1400  }
0x80: {  	_ =	swait.ge [sflag:s17], $0x1400  }
0x81: {  	[sflag:s17] =	ssyncset.done $0x0  }
0x82: {  	[sflag:s17] =	ssyncadd.s32 $0xFFFFEC00  }
0x83: {  	_ =	sfence.sel $0x180000  }
0x84: {  	[bflag:$0x0] =	sbarrier.arrive $0xFFFF  }
0x85: {  	p0 =	sne.s32 s1, $0x0;
	_ =	strace $0x90000050  }
0x86: {  	s0 =	sadd.s32 @!p0 $0x100000, s0;
	[bflag:$0x2] =	sbarrier.arrive $0xFFFF  }
0x87: {  	[sflag:s0] =	ssyncadd.tile.s32 @!p0 $0x1;
	_ =	shalt  }
.Lfunc_end2:
_tile_overlayer_lowered:
.L_overlay_start_2:
0x88: {  	(tag) =	ssettag $0x2  }
0x89: {  	s0 =	rddreg [dreg:$0x0];
	s2 =	stileid.u32  }
0x8a: {  	s1 =	rddreg [dreg:$0x1];
	p0 =	sne.s32 s2, $0x0  }
0x8b: {  	s3 =	rddreg [dreg:$0x2];
	[bflag:$0x3] =	sbarrier.arrive $0xFFFF;
	s2 =	simm.s32 @!p0 $0x1C03  }
0x8c: {  	[timem:s3], [sflag:s2] =	dma.local @!p0 [hbm:s0], s1  }
0x8d: {  	s0 =	simm.s32 @!p0 $0x3  }
0x8e: {  	_ =	swait.ge @!p0 [sflag:s0], s1  }
0x8f: {  	s1 =	ssub.s32 @!p0 $0x0, s1;
	[sflag:s0] =	ssyncset.done @!p0 $0x0  }
0x90: {  	[sflag:s0] =	ssyncadd.s32 @!p0 s1  }
0x91: {  	[bflag:$0x3] =	sbarrier.arrive $0xFFFF  }
0x92: {  	_ =	shalt  }

</sc_bundles>
